<compile_context>
chip_gen: v7x
topology: tpu7x:2x2x1
jax: 0.10.2.dev20260603
libtpu: 0.0.44.dev20260713+nightly
codegen_flags: <defaults>
</compile_context>

<pallas_src>
import functools
import jax
import jax.numpy as jnp
from jax import lax
from jax.experimental import pallas as pl
from jax.experimental.pallas import tpu as pltpu
from jax.experimental.pallas import tpu_sc as plsc

NUM_WORKERS = 32
NBUF = 2
WIDE = 2
PAIR = 2


def _make_sc_kernel(b, lw, d):
    bpw = b // NUM_WORKERS
    ppw = bpw // PAIR
    mesh = plsc.VectorSubcoreMesh(core_axis_name="c", subcore_axis_name="s")

    @functools.partial(
        pl.kernel,
        mesh=mesh,
        out_type=jax.ShapeDtypeStruct((b * lw, WIDE, d), jnp.float32),
        scratch_types=[
            pltpu.VMEM((ppw, 128), jnp.int32),
            pltpu.VMEM((ppw, 72), jnp.int32),
            pltpu.VMEM_SHARED((PAIR * lw, WIDE, d), jnp.float32),
        ]
        + [pltpu.VMEM((PAIR * lw, WIDE, d), jnp.float32) for _ in range(NBUF)]
        + [pltpu.SemaphoreType.DMA] * (3 * NBUF),
    )
    def sc_kernel(x_hbm, pos_hbm, idx_a_hbm, idx_b_hbm, out_hbm, idx_a_v,
                  idx_b_v, pos_sh, *rest):
        bufs = rest[:NBUF]
        s_init = rest[NBUF:2 * NBUF]
        s_gadd = rest[2 * NBUF:3 * NBUF]
        s_out = rest[3 * NBUF:4 * NBUF]
        cid = lax.axis_index("c")
        sid = lax.axis_index("s")
        wid = sid * 2 + cid

        @pl.when(sid == 0)
        def _():
            pltpu.sync_copy(pos_hbm, pos_sh)

        pltpu.sync_copy(idx_a_hbm.at[pl.ds(wid * ppw, ppw)], idx_a_v)
        pltpu.sync_copy(idx_b_hbm.at[pl.ds(wid * ppw, ppw)], idx_b_v)
        plsc.subcore_barrier()

        init_h = [None] * ppw
        gadd_h = [None] * ppw
        scat_h = [None] * ppw

        def issue_init(j):
            init_h[j] = pltpu.async_copy(pos_sh, bufs[j % NBUF],
                                         s_init[j % NBUF])

        def issue_scat(j):
            scat_h[j] = pltpu.async_copy(
                bufs[j % NBUF],
                out_hbm.at[pl.ds((wid * bpw + j * PAIR) * lw, PAIR * lw)],
                s_out[j % NBUF])

        issue_init(0)
        for i in range(ppw):
            p = i % NBUF
            if i >= 1:
                gadd_h[i - 1][0].wait()
                gadd_h[i - 1][1].wait()
                issue_scat(i - 1)
            init_h[i].wait()
            gadd_h[i] = (
                pltpu.async_copy(
                    x_hbm.at[idx_a_v.at[i]],
                    bufs[p].at[pl.ds(0, 128)], s_gadd[p], add=True),
                pltpu.async_copy(
                    x_hbm.at[idx_b_v.at[i]],
                    bufs[p].at[pl.ds(128, 72)], s_gadd[p], add=True),
            )
            if i + 1 < ppw:
                if i >= 1:
                    scat_h[i - 1].wait()
                issue_init(i + 1)
        gadd_h[ppw - 1][0].wait()
        gadd_h[ppw - 1][1].wait()
        issue_scat(ppw - 1)
        scat_h[ppw - 2].wait()
        scat_h[ppw - 1].wait()

    return sc_kernel


def kernel(x, pos_table):
    b, l, d = x.shape
    lw = l // WIDE
    x2 = x.reshape(b * lw, WIDE, d)
    pos2 = jnp.tile(pos_table.reshape(lw, WIDE, d), (PAIR, 1, 1))
    rows = jnp.arange(b * lw, dtype=jnp.int32).reshape(b // PAIR, PAIR * lw)
    idx_a = rows[:, :128]
    idx_b = rows[:, 128:]
    out = _make_sc_kernel(b, lw, d)(x2, pos2, idx_a, idx_b)
    return out.reshape(b, l, d)

# --- scband reference (transcript-rebuilt; emitter-appended) ---
"""Pipeline reference for scband-token-and-position-embedding-1022202217171 (READ-ONLY COPY).

The authoritative reference and input builder live on the scoring server;
editing this copy changes nothing except your own understanding.
"""

import jax, jax.numpy as jnp
import numpy as np

MAXLEN = 200
VOCAB_SIZE = 100000
EMBED_DIM = 128
BATCH = 1024

def setup_inputs(seed: int = 0) -> dict:
    key = jax.random.key(seed)
    k_x, k_pos, k_tok = jax.random.split(key, 3)
    # NOTE: the module's call() expects x to already be an embedded float tensor
    # of shape [B, L, embed_dim]; token_emb is constructed but never used in call().
    x = jax.random.normal(k_x, (BATCH, MAXLEN, EMBED_DIM), dtype=jnp.float32)
    # position embedding table (learned parameter), keras Embedding default init ~ uniform
    pos_table = jax.random.uniform(k_pos, (MAXLEN, EMBED_DIM), dtype=jnp.float32, minval=-0.05, maxval=0.05)
    return {"x": x, "pos_table": pos_table}

def reference(x, pos_table):
    # call(): maxlen = shape(x)[-2 in token terms -> here last seq axis]
    maxlen = x.shape[1]
    positions = jnp.arange(0, maxlen, 1)
    pos_embedded = jnp.take(pos_table, positions, axis=0)  # [L, D] gather (embedding lookup)
    return x + pos_embedded  # broadcast over batch

if __name__ == "__main__":
    import jax
    _d = setup_inputs()
    print(jax.jit(kernel)(*tuple(_d.values())))

</pallas_src>

<mosaic_0001>
#map = affine_map<(d0, d1) -> (0, 0, 0)>
#map1 = affine_map<(d0, d1) -> (0, 0)>
module attributes {stable_mosaic.version = 14 : i64} {
  func.func @sc_kernel(%arg0: i32, %arg1: i32, %arg2: memref<102400x2x128xf32, #tpu.memory_space<hbm>>, %arg3: memref<200x2x128xf32, #tpu.memory_space<hbm>>, %arg4: memref<512x128xi32, #tpu.memory_space<hbm>>, %arg5: memref<512x72xi32, #tpu.memory_space<hbm>>, %arg6: memref<102400x2x128xf32, #tpu.memory_space<hbm>>, %arg7: memref<16x128xi32, #tpu.memory_space<vmem>>, %arg8: memref<16x72xi32, #tpu.memory_space<vmem>>, %arg9: memref<200x2x128xf32, #tpu.memory_space<vmem_shared>>, %arg10: memref<200x2x128xf32, #tpu.memory_space<vmem>>, %arg11: memref<200x2x128xf32, #tpu.memory_space<vmem>>, %arg12: memref<!tpu.dma_semaphore, #tpu.memory_space<semaphore_mem>>, %arg13: memref<!tpu.dma_semaphore, #tpu.memory_space<semaphore_mem>>, %arg14: memref<!tpu.dma_semaphore, #tpu.memory_space<semaphore_mem>>, %arg15: memref<!tpu.dma_semaphore, #tpu.memory_space<semaphore_mem>>, %arg16: memref<!tpu.dma_semaphore, #tpu.memory_space<semaphore_mem>>, %arg17: memref<!tpu.dma_semaphore, #tpu.memory_space<semaphore_mem>>) attributes {dimension_semantics = [#tpu.dimension_semantics<core_parallel>, #tpu.dimension_semantics<subcore_parallel>], iteration_bounds = array<i64: 2, 16>, scalar_prefetch = 0 : i64, scratch_operands = 11 : i64, tpu.core_type = #tpu.core_type<sc_vector_subcore>, window_params = [{transform_indices = #map}, {transform_indices = #map}, {transform_indices = #map1}, {transform_indices = #map1}, {transform_indices = #map}]} {
    %mul3A = arith.constant 2 : i32
    %mul3A_0 = arith.muli %arg1, %mul3A : i32
    %add3A = arith.addi %mul3A_0, %arg0 : i32
    %eq3A = arith.constant 0 : i32
    %eq3A_1 = arith.cmpi eq, %arg1, %eq3A : i32
    %convert_element_type3A = arith.extui %eq3A_1 : i1 to i32
    %cond3A = arith.constant 0 : i32
    %cond3A_2 = arith.cmpi ne, %convert_element_type3A, %cond3A : i32
    scf.if %cond3A_2 {
      "tpu.region"() ({
        %run_scoped3A = tpu.sem_alloc : memref<!tpu.dma_semaphore, #tpu.memory_space<semaphore_mem>>
        tpu.enqueue_dma source(%arg3 : memref<200x2x128xf32, #tpu.memory_space<hbm>>) target(%arg9 : memref<200x2x128xf32, #tpu.memory_space<vmem_shared>>) target_semaphore(%run_scoped3A : memref<!tpu.dma_semaphore, #tpu.memory_space<semaphore_mem>>)
        tpu.wait_dma2 semaphore(%run_scoped3A : memref<!tpu.dma_semaphore, #tpu.memory_space<semaphore_mem>>) src(%arg3 : memref<200x2x128xf32, #tpu.memory_space<hbm>>) dst(%arg9 : memref<200x2x128xf32, #tpu.memory_space<vmem_shared>>)
        tpu.yield
      }) : () -> ()
    } else {
    }
    %mul3A_3 = arith.constant 16 : i32
    %mul3A_4 = arith.muli %add3A, %mul3A_3 : i32
    "tpu.region"() ({
      %run_scoped3A = tpu.sem_alloc : memref<!tpu.dma_semaphore, #tpu.memory_space<semaphore_mem>>
      %dma_start3A_1061 = arith.constant 0 : i32
      %dma_start3A_1062 = tpu.memref_slice %arg4[%mul3A_4, %dma_start3A_1061] : memref<512x128xi32, #tpu.memory_space<hbm>> -> memref<16x128xi32, #tpu.memory_space<hbm>>
      %dma_start3A_1063 = arith.constant 0 : i32
      %dma_start3A_1064 = tpu.memref_slice %arg4[%mul3A_4, %dma_start3A_1063] : memref<512x128xi32, #tpu.memory_space<hbm>> -> memref<16x128xi32, #tpu.memory_space<hbm>>
      tpu.enqueue_dma source(%dma_start3A_1064 : memref<16x128xi32, #tpu.memory_space<hbm>>) target(%arg7 : memref<16x128xi32, #tpu.memory_space<vmem>>) target_semaphore(%run_scoped3A : memref<!tpu.dma_semaphore, #tpu.memory_space<semaphore_mem>>)
      %dma_wait3A_1065 = arith.constant 0 : i32
      %dma_wait3A_1066 = tpu.memref_slice %arg4[%mul3A_4, %dma_wait3A_1065] : memref<512x128xi32, #tpu.memory_space<hbm>> -> memref<16x128xi32, #tpu.memory_space<hbm>>
      %dma_wait3A_1067 = arith.constant 0 : i32
      %dma_wait3A_1068 = tpu.memref_slice %arg4[%mul3A_4, %dma_wait3A_1067] : memref<512x128xi32, #tpu.memory_space<hbm>> -> memref<16x128xi32, #tpu.memory_space<hbm>>
      tpu.wait_dma2 semaphore(%run_scoped3A : memref<!tpu.dma_semaphore, #tpu.memory_space<semaphore_mem>>) src(%dma_wait3A_1068 : memref<16x128xi32, #tpu.memory_space<hbm>>) dst(%arg7 : memref<16x128xi32, #tpu.memory_space<vmem>>)
      tpu.yield
    }) : () -> ()
    %mul3A_5 = arith.constant 16 : i32
    %mul3A_6 = arith.muli %add3A, %mul3A_5 : i32
    "tpu.region"() ({
      %run_scoped3A = tpu.sem_alloc : memref<!tpu.dma_semaphore, #tpu.memory_space<semaphore_mem>>
      %dma_start3A_1061 = arith.constant 0 : i32
      %dma_start3A_1062 = tpu.memref_slice %arg5[%mul3A_6, %dma_start3A_1061] : memref<512x72xi32, #tpu.memory_space<hbm>> -> memref<16x72xi32, #tpu.memory_space<hbm>>
      %dma_start3A_1063 = arith.constant 0 : i32
      %dma_start3A_1064 = tpu.memref_slice %arg5[%mul3A_6, %dma_start3A_1063] : memref<512x72xi32, #tpu.memory_space<hbm>> -> memref<16x72xi32, #tpu.memory_space<hbm>>
      tpu.enqueue_dma source(%dma_start3A_1064 : memref<16x72xi32, #tpu.memory_space<hbm>>) target(%arg8 : memref<16x72xi32, #tpu.memory_space<vmem>>) target_semaphore(%run_scoped3A : memref<!tpu.dma_semaphore, #tpu.memory_space<semaphore_mem>>)
      %dma_wait3A_1065 = arith.constant 0 : i32
      %dma_wait3A_1066 = tpu.memref_slice %arg5[%mul3A_6, %dma_wait3A_1065] : memref<512x72xi32, #tpu.memory_space<hbm>> -> memref<16x72xi32, #tpu.memory_space<hbm>>
      %dma_wait3A_1067 = arith.constant 0 : i32
      %dma_wait3A_1068 = tpu.memref_slice %arg5[%mul3A_6, %dma_wait3A_1067] : memref<512x72xi32, #tpu.memory_space<hbm>> -> memref<16x72xi32, #tpu.memory_space<hbm>>
      tpu.wait_dma2 semaphore(%run_scoped3A : memref<!tpu.dma_semaphore, #tpu.memory_space<semaphore_mem>>) src(%dma_wait3A_1068 : memref<16x72xi32, #tpu.memory_space<hbm>>) dst(%arg8 : memref<16x72xi32, #tpu.memory_space<vmem>>)
      tpu.yield
    }) : () -> ()
    %barrier3A = arith.constant 0 : index
    tpu.barrier barrier_id(%barrier3A)
    tpu.enqueue_dma source(%arg9 : memref<200x2x128xf32, #tpu.memory_space<vmem_shared>>) target(%arg10 : memref<200x2x128xf32, #tpu.memory_space<vmem>>) target_semaphore(%arg12 : memref<!tpu.dma_semaphore, #tpu.memory_space<semaphore_mem>>)
    tpu.wait_dma2 semaphore(%arg12 : memref<!tpu.dma_semaphore, #tpu.memory_space<semaphore_mem>>) src(%arg9 : memref<200x2x128xf32, #tpu.memory_space<vmem_shared>>) dst(%arg10 : memref<200x2x128xf32, #tpu.memory_space<vmem>>)
    %dma_start3A = arith.constant 0 : i32
    %dma_start3A_7 = arith.constant 0 : i32
    %dma_start3A_8 = arith.constant 0 : i32
    %dma_start3A_9 = arith.constant 0 : i32
    %dma_start3A_10 = tpu.memref_slice %arg10[%dma_start3A_7, %dma_start3A_8, %dma_start3A_9] : memref<200x2x128xf32, #tpu.memory_space<vmem>> -> memref<128x2x128xf32, #tpu.memory_space<vmem>>
    %dma_start3A_11 = arith.constant 0 : i32
    %dma_start3A_12 = tpu.memref_slice %arg7[%dma_start3A, %dma_start3A_11] : memref<16x128xi32, #tpu.memory_space<vmem>> -> memref<1x128xi32, #tpu.memory_space<vmem>>
    %dma_start3A_13 = tpu.memref_squeeze %dma_start3A_12 : memref<1x128xi32, #tpu.memory_space<vmem>> -> memref<128xi32, #tpu.memory_space<vmem>>
    %dma_start3A_14 = arith.constant 0 : i32
    %dma_start3A_15 = arith.constant 0 : i32
    %dma_start3A_16 = arith.constant 0 : i32
    %dma_start3A_17 = tpu.memref_slice %arg2[%dma_start3A_14, %dma_start3A_15, %dma_start3A_16] : memref<102400x2x128xf32, #tpu.memory_space<hbm>> -> memref<102400x2x128xf32, #tpu.memory_space<hbm>>
    tpu.enqueue_indirect_dma source(%dma_start3A_17 : memref<102400x2x128xf32, #tpu.memory_space<hbm>>) target(%dma_start3A_10 : memref<128x2x128xf32, #tpu.memory_space<vmem>>) offsets(%dma_start3A_13 : memref<128xi32, #tpu.memory_space<vmem>>) semaphore(%arg14 : memref<!tpu.dma_semaphore, #tpu.memory_space<semaphore_mem>>) {add = true}
    %dma_start3A_18 = arith.constant 0 : i32
    %dma_start3A_19 = arith.constant 128 : i32
    %dma_start3A_20 = arith.constant 0 : i32
    %dma_start3A_21 = arith.constant 0 : i32
    %dma_start3A_22 = tpu.memref_slice %arg10[%dma_start3A_19, %dma_start3A_20, %dma_start3A_21] : memref<200x2x128xf32, #tpu.memory_space<vmem>> -> memref<72x2x128xf32, #tpu.memory_space<vmem>>
    %dma_start3A_23 = arith.constant 0 : i32
    %dma_start3A_24 = tpu.memref_slice %arg8[%dma_start3A_18, %dma_start3A_23] : memref<16x72xi32, #tpu.memory_space<vmem>> -> memref<1x72xi32, #tpu.memory_space<vmem>>
    %dma_start3A_25 = tpu.memref_squeeze %dma_start3A_24 : memref<1x72xi32, #tpu.memory_space<vmem>> -> memref<72xi32, #tpu.memory_space<vmem>>
    %dma_start3A_26 = arith.constant 0 : i32
    %dma_start3A_27 = arith.constant 0 : i32
    %dma_start3A_28 = arith.constant 0 : i32
    %dma_start3A_29 = tpu.memref_slice %arg2[%dma_start3A_26, %dma_start3A_27, %dma_start3A_28] : memref<102400x2x128xf32, #tpu.memory_space<hbm>> -> memref<102400x2x128xf32, #tpu.memory_space<hbm>>
    tpu.enqueue_indirect_dma source(%dma_start3A_29 : memref<102400x2x128xf32, #tpu.memory_space<hbm>>) target(%dma_start3A_22 : memref<72x2x128xf32, #tpu.memory_space<vmem>>) offsets(%dma_start3A_25 : memref<72xi32, #tpu.memory_space<vmem>>) semaphore(%arg14 : memref<!tpu.dma_semaphore, #tpu.memory_space<semaphore_mem>>) {add = true}
    tpu.enqueue_dma source(%arg9 : memref<200x2x128xf32, #tpu.memory_space<vmem_shared>>) target(%arg11 : memref<200x2x128xf32, #tpu.memory_space<vmem>>) target_semaphore(%arg13 : memref<!tpu.dma_semaphore, #tpu.memory_space<semaphore_mem>>)
    %dma_wait3A = arith.constant 0 : i32
    %dma_wait3A_30 = arith.constant 0 : i32
    %dma_wait3A_31 = arith.constant 0 : i32
    %dma_wait3A_32 = arith.constant 0 : i32
    %dma_wait3A_33 = tpu.memref_slice %arg10[%dma_wait3A_30, %dma_wait3A_31, %dma_wait3A_32] : memref<200x2x128xf32, #tpu.memory_space<vmem>> -> memref<128x2x128xf32, #tpu.memory_space<vmem>>
    %dma_wait3A_34 = arith.constant 0 : i32
    %dma_wait3A_35 = tpu.memref_slice %arg7[%dma_wait3A, %dma_wait3A_34] : memref<16x128xi32, #tpu.memory_space<vmem>> -> memref<1x128xi32, #tpu.memory_space<vmem>>
    %dma_wait3A_36 = tpu.memref_squeeze %dma_wait3A_35 : memref<1x128xi32, #tpu.memory_space<vmem>> -> memref<128xi32, #tpu.memory_space<vmem>>
    %dma_wait3A_37 = arith.constant 0 : i32
    %dma_wait3A_38 = arith.constant 0 : i32
    %dma_wait3A_39 = arith.constant 0 : i32
    %dma_wait3A_40 = tpu.memref_slice %arg2[%dma_wait3A_37, %dma_wait3A_38, %dma_wait3A_39] : memref<102400x2x128xf32, #tpu.memory_space<hbm>> -> memref<102400x2x128xf32, #tpu.memory_space<hbm>>
    tpu.wait_indirect_dma semaphore(%arg14 : memref<!tpu.dma_semaphore, #tpu.memory_space<semaphore_mem>>) src(%dma_wait3A_40 : memref<102400x2x128xf32, #tpu.memory_space<hbm>>) dst(%dma_wait3A_33 : memref<128x2x128xf32, #tpu.memory_space<vmem>>)
    %dma_wait3A_41 = arith.constant 0 : i32
    %dma_wait3A_42 = arith.constant 128 : i32
    %dma_wait3A_43 = arith.constant 0 : i32
    %dma_wait3A_44 = arith.constant 0 : i32
    %dma_wait3A_45 = tpu.memref_slice %arg10[%dma_wait3A_42, %dma_wait3A_43, %dma_wait3A_44] : memref<200x2x128xf32, #tpu.memory_space<vmem>> -> memref<72x2x128xf32, #tpu.memory_space<vmem>>
    %dma_wait3A_46 = arith.constant 0 : i32
    %dma_wait3A_47 = tpu.memref_slice %arg8[%dma_wait3A_41, %dma_wait3A_46] : memref<16x72xi32, #tpu.memory_space<vmem>> -> memref<1x72xi32, #tpu.memory_space<vmem>>
    %dma_wait3A_48 = tpu.memref_squeeze %dma_wait3A_47 : memref<1x72xi32, #tpu.memory_space<vmem>> -> memref<72xi32, #tpu.memory_space<vmem>>
    %dma_wait3A_49 = arith.constant 0 : i32
    %dma_wait3A_50 = arith.constant 0 : i32
    %dma_wait3A_51 = arith.constant 0 : i32
    %dma_wait3A_52 = tpu.memref_slice %arg2[%dma_wait3A_49, %dma_wait3A_50, %dma_wait3A_51] : memref<102400x2x128xf32, #tpu.memory_space<hbm>> -> memref<102400x2x128xf32, #tpu.memory_space<hbm>>
    tpu.wait_indirect_dma semaphore(%arg14 : memref<!tpu.dma_semaphore, #tpu.memory_space<semaphore_mem>>) src(%dma_wait3A_52 : memref<102400x2x128xf32, #tpu.memory_space<hbm>>) dst(%dma_wait3A_45 : memref<72x2x128xf32, #tpu.memory_space<vmem>>)
    %mul3A_53 = arith.constant 32 : i32
    %mul3A_54 = arith.muli %add3A, %mul3A_53 : i32
    %add3A_55 = arith.constant 0 : i32
    %add3A_56 = arith.addi %mul3A_54, %add3A_55 : i32
    %mul3A_57 = arith.constant 100 : i32
    %mul3A_58 = arith.muli %add3A_56, %mul3A_57 : i32
    %dma_start3A_59 = arith.constant 0 : i32
    %dma_start3A_60 = arith.constant 0 : i32
    %dma_start3A_61 = tpu.memref_slice %arg6[%mul3A_58, %dma_start3A_59, %dma_start3A_60] : memref<102400x2x128xf32, #tpu.memory_space<hbm>> -> memref<200x2x128xf32, #tpu.memory_space<hbm>>
    %dma_start3A_62 = arith.constant 0 : i32
    %dma_start3A_63 = arith.constant 0 : i32
    %dma_start3A_64 = tpu.memref_slice %arg6[%mul3A_58, %dma_start3A_62, %dma_start3A_63] : memref<102400x2x128xf32, #tpu.memory_space<hbm>> -> memref<200x2x128xf32, #tpu.memory_space<hbm>>
    tpu.enqueue_dma source(%arg10 : memref<200x2x128xf32, #tpu.memory_space<vmem>>) target(%dma_start3A_64 : memref<200x2x128xf32, #tpu.memory_space<hbm>>) target_semaphore(%arg16 : memref<!tpu.dma_semaphore, #tpu.memory_space<semaphore_mem>>)
    tpu.wait_dma2 semaphore(%arg13 : memref<!tpu.dma_semaphore, #tpu.memory_space<semaphore_mem>>) src(%arg9 : memref<200x2x128xf32, #tpu.memory_space<vmem_shared>>) dst(%arg11 : memref<200x2x128xf32, #tpu.memory_space<vmem>>)
    %dma_start3A_65 = arith.constant 1 : i32
    %dma_start3A_66 = arith.constant 0 : i32
    %dma_start3A_67 = arith.constant 0 : i32
    %dma_start3A_68 = arith.constant 0 : i32
    %dma_start3A_69 = tpu.memref_slice %arg11[%dma_start3A_66, %dma_start3A_67, %dma_start3A_68] : memref<200x2x128xf32, #tpu.memory_space<vmem>> -> memref<128x2x128xf32, #tpu.memory_space<vmem>>
    %dma_start3A_70 = arith.constant 0 : i32
    %dma_start3A_71 = tpu.memref_slice %arg7[%dma_start3A_65, %dma_start3A_70] : memref<16x128xi32, #tpu.memory_space<vmem>> -> memref<1x128xi32, #tpu.memory_space<vmem>>
    %dma_start3A_72 = tpu.memref_squeeze %dma_start3A_71 : memref<1x128xi32, #tpu.memory_space<vmem>> -> memref<128xi32, #tpu.memory_space<vmem>>
    %dma_start3A_73 = arith.constant 0 : i32
    %dma_start3A_74 = arith.constant 0 : i32
    %dma_start3A_75 = arith.constant 0 : i32
    %dma_start3A_76 = tpu.memref_slice %arg2[%dma_start3A_73, %dma_start3A_74, %dma_start3A_75] : memref<102400x2x128xf32, #tpu.memory_space<hbm>> -> memref<102400x2x128xf32, #tpu.memory_space<hbm>>
    tpu.enqueue_indirect_dma source(%dma_start3A_76 : memref<102400x2x128xf32, #tpu.memory_space<hbm>>) target(%dma_start3A_69 : memref<128x2x128xf32, #tpu.memory_space<vmem>>) offsets(%dma_start3A_72 : memref<128xi32, #tpu.memory_space<vmem>>) semaphore(%arg15 : memref<!tpu.dma_semaphore, #tpu.memory_space<semaphore_mem>>) {add = true}
    %dma_start3A_77 = arith.constant 1 : i32
    %dma_start3A_78 = arith.constant 128 : i32
    %dma_start3A_79 = arith.constant 0 : i32
    %dma_start3A_80 = arith.constant 0 : i32
    %dma_start3A_81 = tpu.memref_slice %arg11[%dma_start3A_78, %dma_start3A_79, %dma_start3A_80] : memref<200x2x128xf32, #tpu.memory_space<vmem>> -> memref<72x2x128xf32, #tpu.memory_space<vmem>>
    %dma_start3A_82 = arith.constant 0 : i32
    %dma_start3A_83 = tpu.memref_slice %arg8[%dma_start3A_77, %dma_start3A_82] : memref<16x72xi32, #tpu.memory_space<vmem>> -> memref<1x72xi32, #tpu.memory_space<vmem>>
    %dma_start3A_84 = tpu.memref_squeeze %dma_start3A_83 : memref<1x72xi32, #tpu.memory_space<vmem>> -> memref<72xi32, #tpu.memory_space<vmem>>
    %dma_start3A_85 = arith.constant 0 : i32
    %dma_start3A_86 = arith.constant 0 : i32
    %dma_start3A_87 = arith.constant 0 : i32
    %dma_start3A_88 = tpu.memref_slice %arg2[%dma_start3A_85, %dma_start3A_86, %dma_start3A_87] : memref<102400x2x128xf32, #tpu.memory_space<hbm>> -> memref<102400x2x128xf32, #tpu.memory_space<hbm>>
    tpu.enqueue_indirect_dma source(%dma_start3A_88 : memref<102400x2x128xf32, #tpu.memory_space<hbm>>) target(%dma_start3A_81 : memref<72x2x128xf32, #tpu.memory_space<vmem>>) offsets(%dma_start3A_84 : memref<72xi32, #tpu.memory_space<vmem>>) semaphore(%arg15 : memref<!tpu.dma_semaphore, #tpu.memory_space<semaphore_mem>>) {add = true}
    %dma_wait3A_89 = arith.constant 0 : i32
    %dma_wait3A_90 = arith.constant 0 : i32
    %dma_wait3A_91 = tpu.memref_slice %arg6[%mul3A_58, %dma_wait3A_89, %dma_wait3A_90] : memref<102400x2x128xf32, #tpu.memory_space<hbm>> -> memref<200x2x128xf32, #tpu.memory_space<hbm>>
    %dma_wait3A_92 = arith.constant 0 : i32
    %dma_wait3A_93 = arith.constant 0 : i32
    %dma_wait3A_94 = tpu.memref_slice %arg6[%mul3A_58, %dma_wait3A_92, %dma_wait3A_93] : memref<102400x2x128xf32, #tpu.memory_space<hbm>> -> memref<200x2x128xf32, #tpu.memory_space<hbm>>
    tpu.wait_dma2 semaphore(%arg16 : memref<!tpu.dma_semaphore, #tpu.memory_space<semaphore_mem>>) src(%arg10 : memref<200x2x128xf32, #tpu.memory_space<vmem>>) dst(%dma_wait3A_94 : memref<200x2x128xf32, #tpu.memory_space<hbm>>)
    tpu.enqueue_dma source(%arg9 : memref<200x2x128xf32, #tpu.memory_space<vmem_shared>>) target(%arg10 : memref<200x2x128xf32, #tpu.memory_space<vmem>>) target_semaphore(%arg12 : memref<!tpu.dma_semaphore, #tpu.memory_space<semaphore_mem>>)
    %dma_wait3A_95 = arith.constant 1 : i32
    %dma_wait3A_96 = arith.constant 0 : i32
    %dma_wait3A_97 = arith.constant 0 : i32
    %dma_wait3A_98 = arith.constant 0 : i32
    %dma_wait3A_99 = tpu.memref_slice %arg11[%dma_wait3A_96, %dma_wait3A_97, %dma_wait3A_98] : memref<200x2x128xf32, #tpu.memory_space<vmem>> -> memref<128x2x128xf32, #tpu.memory_space<vmem>>
    %dma_wait3A_100 = arith.constant 0 : i32
    %dma_wait3A_101 = tpu.memref_slice %arg7[%dma_wait3A_95, %dma_wait3A_100] : memref<16x128xi32, #tpu.memory_space<vmem>> -> memref<1x128xi32, #tpu.memory_space<vmem>>
    %dma_wait3A_102 = tpu.memref_squeeze %dma_wait3A_101 : memref<1x128xi32, #tpu.memory_space<vmem>> -> memref<128xi32, #tpu.memory_space<vmem>>
    %dma_wait3A_103 = arith.constant 0 : i32
    %dma_wait3A_104 = arith.constant 0 : i32
    %dma_wait3A_105 = arith.constant 0 : i32
    %dma_wait3A_106 = tpu.memref_slice %arg2[%dma_wait3A_103, %dma_wait3A_104, %dma_wait3A_105] : memref<102400x2x128xf32, #tpu.memory_space<hbm>> -> memref<102400x2x128xf32, #tpu.memory_space<hbm>>
    tpu.wait_indirect_dma semaphore(%arg15 : memref<!tpu.dma_semaphore, #tpu.memory_space<semaphore_mem>>) src(%dma_wait3A_106 : memref<102400x2x128xf32, #tpu.memory_space<hbm>>) dst(%dma_wait3A_99 : memref<128x2x128xf32, #tpu.memory_space<vmem>>)
    %dma_wait3A_107 = arith.constant 1 : i32
    %dma_wait3A_108 = arith.constant 128 : i32
    %dma_wait3A_109 = arith.constant 0 : i32
    %dma_wait3A_110 = arith.constant 0 : i32
    %dma_wait3A_111 = tpu.memref_slice %arg11[%dma_wait3A_108, %dma_wait3A_109, %dma_wait3A_110] : memref<200x2x128xf32, #tpu.memory_space<vmem>> -> memref<72x2x128xf32, #tpu.memory_space<vmem>>
    %dma_wait3A_112 = arith.constant 0 : i32
    %dma_wait3A_113 = tpu.memref_slice %arg8[%dma_wait3A_107, %dma_wait3A_112] : memref<16x72xi32, #tpu.memory_space<vmem>> -> memref<1x72xi32, #tpu.memory_space<vmem>>
    %dma_wait3A_114 = tpu.memref_squeeze %dma_wait3A_113 : memref<1x72xi32, #tpu.memory_space<vmem>> -> memref<72xi32, #tpu.memory_space<vmem>>
    %dma_wait3A_115 = arith.constant 0 : i32
    %dma_wait3A_116 = arith.constant 0 : i32
    %dma_wait3A_117 = arith.constant 0 : i32
    %dma_wait3A_118 = tpu.memref_slice %arg2[%dma_wait3A_115, %dma_wait3A_116, %dma_wait3A_117] : memref<102400x2x128xf32, #tpu.memory_space<hbm>> -> memref<102400x2x128xf32, #tpu.memory_space<hbm>>
    tpu.wait_indirect_dma semaphore(%arg15 : memref<!tpu.dma_semaphore, #tpu.memory_space<semaphore_mem>>) src(%dma_wait3A_118 : memref<102400x2x128xf32, #tpu.memory_space<hbm>>) dst(%dma_wait3A_111 : memref<72x2x128xf32, #tpu.memory_space<vmem>>)
    %mul3A_119 = arith.constant 32 : i32
    %mul3A_120 = arith.muli %add3A, %mul3A_119 : i32
    %add3A_121 = arith.constant 2 : i32
    %add3A_122 = arith.addi %mul3A_120, %add3A_121 : i32
    %mul3A_123 = arith.constant 100 : i32
    %mul3A_124 = arith.muli %add3A_122, %mul3A_123 : i32
    %dma_start3A_125 = arith.constant 0 : i32
    %dma_start3A_126 = arith.constant 0 : i32
    %dma_start3A_127 = tpu.memref_slice %arg6[%mul3A_124, %dma_start3A_125, %dma_start3A_126] : memref<102400x2x128xf32, #tpu.memory_space<hbm>> -> memref<200x2x128xf32, #tpu.memory_space<hbm>>
    %dma_start3A_128 = arith.constant 0 : i32
    %dma_start3A_129 = arith.constant 0 : i32
    %dma_start3A_130 = tpu.memref_slice %arg6[%mul3A_124, %dma_start3A_128, %dma_start3A_129] : memref<102400x2x128xf32, #tpu.memory_space<hbm>> -> memref<200x2x128xf32, #tpu.memory_space<hbm>>
    tpu.enqueue_dma source(%arg11 : memref<200x2x128xf32, #tpu.memory_space<vmem>>) target(%dma_start3A_130 : memref<200x2x128xf32, #tpu.memory_space<hbm>>) target_semaphore(%arg17 : memref<!tpu.dma_semaphore, #tpu.memory_space<semaphore_mem>>)
    tpu.wait_dma2 semaphore(%arg12 : memref<!tpu.dma_semaphore, #tpu.memory_space<semaphore_mem>>) src(%arg9 : memref<200x2x128xf32, #tpu.memory_space<vmem_shared>>) dst(%arg10 : memref<200x2x128xf32, #tpu.memory_space<vmem>>)
    %dma_start3A_131 = arith.constant 2 : i32
    %dma_start3A_132 = arith.constant 0 : i32
    %dma_start3A_133 = arith.constant 0 : i32
    %dma_start3A_134 = arith.constant 0 : i32
    %dma_start3A_135 = tpu.memref_slice %arg10[%dma_start3A_132, %dma_start3A_133, %dma_start3A_134] : memref<200x2x128xf32, #tpu.memory_space<vmem>> -> memref<128x2x128xf32, #tpu.memory_space<vmem>>
    %dma_start3A_136 = arith.constant 0 : i32
    %dma_start3A_137 = tpu.memref_slice %arg7[%dma_start3A_131, %dma_start3A_136] : memref<16x128xi32, #tpu.memory_space<vmem>> -> memref<1x128xi32, #tpu.memory_space<vmem>>
    %dma_start3A_138 = tpu.memref_squeeze %dma_start3A_137 : memref<1x128xi32, #tpu.memory_space<vmem>> -> memref<128xi32, #tpu.memory_space<vmem>>
    %dma_start3A_139 = arith.constant 0 : i32
    %dma_start3A_140 = arith.constant 0 : i32
    %dma_start3A_141 = arith.constant 0 : i32
    %dma_start3A_142 = tpu.memref_slice %arg2[%dma_start3A_139, %dma_start3A_140, %dma_start3A_141] : memref<102400x2x128xf32, #tpu.memory_space<hbm>> -> memref<102400x2x128xf32, #tpu.memory_space<hbm>>
    tpu.enqueue_indirect_dma source(%dma_start3A_142 : memref<102400x2x128xf32, #tpu.memory_space<hbm>>) target(%dma_start3A_135 : memref<128x2x128xf32, #tpu.memory_space<vmem>>) offsets(%dma_start3A_138 : memref<128xi32, #tpu.memory_space<vmem>>) semaphore(%arg14 : memref<!tpu.dma_semaphore, #tpu.memory_space<semaphore_mem>>) {add = true}
    %dma_start3A_143 = arith.constant 2 : i32
    %dma_start3A_144 = arith.constant 128 : i32
    %dma_start3A_145 = arith.constant 0 : i32
    %dma_start3A_146 = arith.constant 0 : i32
    %dma_start3A_147 = tpu.memref_slice %arg10[%dma_start3A_144, %dma_start3A_145, %dma_start3A_146] : memref<200x2x128xf32, #tpu.memory_space<vmem>> -> memref<72x2x128xf32, #tpu.memory_space<vmem>>
    %dma_start3A_148 = arith.constant 0 : i32
    %dma_start3A_149 = tpu.memref_slice %arg8[%dma_start3A_143, %dma_start3A_148] : memref<16x72xi32, #tpu.memory_space<vmem>> -> memref<1x72xi32, #tpu.memory_space<vmem>>
    %dma_start3A_150 = tpu.memref_squeeze %dma_start3A_149 : memref<1x72xi32, #tpu.memory_space<vmem>> -> memref<72xi32, #tpu.memory_space<vmem>>
    %dma_start3A_151 = arith.constant 0 : i32
    %dma_start3A_152 = arith.constant 0 : i32
    %dma_start3A_153 = arith.constant 0 : i32
    %dma_start3A_154 = tpu.memref_slice %arg2[%dma_start3A_151, %dma_start3A_152, %dma_start3A_153] : memref<102400x2x128xf32, #tpu.memory_space<hbm>> -> memref<102400x2x128xf32, #tpu.memory_space<hbm>>
    tpu.enqueue_indirect_dma source(%dma_start3A_154 : memref<102400x2x128xf32, #tpu.memory_space<hbm>>) target(%dma_start3A_147 : memref<72x2x128xf32, #tpu.memory_space<vmem>>) offsets(%dma_start3A_150 : memref<72xi32, #tpu.memory_space<vmem>>) semaphore(%arg14 : memref<!tpu.dma_semaphore, #tpu.memory_space<semaphore_mem>>) {add = true}
    %dma_wait3A_155 = arith.constant 0 : i32
    %dma_wait3A_156 = arith.constant 0 : i32
    %dma_wait3A_157 = tpu.memref_slice %arg6[%mul3A_124, %dma_wait3A_155, %dma_wait3A_156] : memref<102400x2x128xf32, #tpu.memory_space<hbm>> -> memref<200x2x128xf32, #tpu.memory_space<hbm>>
    %dma_wait3A_158 = arith.constant 0 : i32
    %dma_wait3A_159 = arith.constant 0 : i32
    %dma_wait3A_160 = tpu.memref_slice %arg6[%mul3A_124, %dma_wait3A_158, %dma_wait3A_159] : memref<102400x2x128xf32, #tpu.memory_space<hbm>> -> memref<200x2x128xf32, #tpu.memory_space<hbm>>
    tpu.wait_dma2 semaphore(%arg17 : memref<!tpu.dma_semaphore, #tpu.memory_space<semaphore_mem>>) src(%arg11 : memref<200x2x128xf32, #tpu.memory_space<vmem>>) dst(%dma_wait3A_160 : memref<200x2x128xf32, #tpu.memory_space<hbm>>)
    tpu.enqueue_dma source(%arg9 : memref<200x2x128xf32, #tpu.memory_space<vmem_shared>>) target(%arg11 : memref<200x2x128xf32, #tpu.memory_space<vmem>>) target_semaphore(%arg13 : memref<!tpu.dma_semaphore, #tpu.memory_space<semaphore_mem>>)
    %dma_wait3A_161 = arith.constant 2 : i32
    %dma_wait3A_162 = arith.constant 0 : i32
    %dma_wait3A_163 = arith.constant 0 : i32
    %dma_wait3A_164 = arith.constant 0 : i32
    %dma_wait3A_165 = tpu.memref_slice %arg10[%dma_wait3A_162, %dma_wait3A_163, %dma_wait3A_164] : memref<200x2x128xf32, #tpu.memory_space<vmem>> -> memref<128x2x128xf32, #tpu.memory_space<vmem>>
    %dma_wait3A_166 = arith.constant 0 : i32
    %dma_wait3A_167 = tpu.memref_slice %arg7[%dma_wait3A_161, %dma_wait3A_166] : memref<16x128xi32, #tpu.memory_space<vmem>> -> memref<1x128xi32, #tpu.memory_space<vmem>>
    %dma_wait3A_168 = tpu.memref_squeeze %dma_wait3A_167 : memref<1x128xi32, #tpu.memory_space<vmem>> -> memref<128xi32, #tpu.memory_space<vmem>>
    %dma_wait3A_169 = arith.constant 0 : i32
    %dma_wait3A_170 = arith.constant 0 : i32
    %dma_wait3A_171 = arith.constant 0 : i32
    %dma_wait3A_172 = tpu.memref_slice %arg2[%dma_wait3A_169, %dma_wait3A_170, %dma_wait3A_171] : memref<102400x2x128xf32, #tpu.memory_space<hbm>> -> memref<102400x2x128xf32, #tpu.memory_space<hbm>>
    tpu.wait_indirect_dma semaphore(%arg14 : memref<!tpu.dma_semaphore, #tpu.memory_space<semaphore_mem>>) src(%dma_wait3A_172 : memref<102400x2x128xf32, #tpu.memory_space<hbm>>) dst(%dma_wait3A_165 : memref<128x2x128xf32, #tpu.memory_space<vmem>>)
    %dma_wait3A_173 = arith.constant 2 : i32
    %dma_wait3A_174 = arith.constant 128 : i32
    %dma_wait3A_175 = arith.constant 0 : i32
    %dma_wait3A_176 = arith.constant 0 : i32
    %dma_wait3A_177 = tpu.memref_slice %arg10[%dma_wait3A_174, %dma_wait3A_175, %dma_wait3A_176] : memref<200x2x128xf32, #tpu.memory_space<vmem>> -> memref<72x2x128xf32, #tpu.memory_space<vmem>>
    %dma_wait3A_178 = arith.constant 0 : i32
    %dma_wait3A_179 = tpu.memref_slice %arg8[%dma_wait3A_173, %dma_wait3A_178] : memref<16x72xi32, #tpu.memory_space<vmem>> -> memref<1x72xi32, #tpu.memory_space<vmem>>
    %dma_wait3A_180 = tpu.memref_squeeze %dma_wait3A_179 : memref<1x72xi32, #tpu.memory_space<vmem>> -> memref<72xi32, #tpu.memory_space<vmem>>
    %dma_wait3A_181 = arith.constant 0 : i32
    %dma_wait3A_182 = arith.constant 0 : i32
    %dma_wait3A_183 = arith.constant 0 : i32
    %dma_wait3A_184 = tpu.memref_slice %arg2[%dma_wait3A_181, %dma_wait3A_182, %dma_wait3A_183] : memref<102400x2x128xf32, #tpu.memory_space<hbm>> -> memref<102400x2x128xf32, #tpu.memory_space<hbm>>
    tpu.wait_indirect_dma semaphore(%arg14 : memref<!tpu.dma_semaphore, #tpu.memory_space<semaphore_mem>>) src(%dma_wait3A_184 : memref<102400x2x128xf32, #tpu.memory_space<hbm>>) dst(%dma_wait3A_177 : memref<72x2x128xf32, #tpu.memory_space<vmem>>)
    %mul3A_185 = arith.constant 32 : i32
    %mul3A_186 = arith.muli %add3A, %mul3A_185 : i32
    %add3A_187 = arith.constant 4 : i32
    %add3A_188 = arith.addi %mul3A_186, %add3A_187 : i32
    %mul3A_189 = arith.constant 100 : i32
    %mul3A_190 = arith.muli %add3A_188, %mul3A_189 : i32
    %dma_start3A_191 = arith.constant 0 : i32
    %dma_start3A_192 = arith.constant 0 : i32
    %dma_start3A_193 = tpu.memref_slice %arg6[%mul3A_190, %dma_start3A_191, %dma_start3A_192] : memref<102400x2x128xf32, #tpu.memory_space<hbm>> -> memref<200x2x128xf32, #tpu.memory_space<hbm>>
    %dma_start3A_194 = arith.constant 0 : i32
    %dma_start3A_195 = arith.constant 0 : i32
    %dma_start3A_196 = tpu.memref_slice %arg6[%mul3A_190, %dma_start3A_194, %dma_start3A_195] : memref<102400x2x128xf32, #tpu.memory_space<hbm>> -> memref<200x2x128xf32, #tpu.memory_space<hbm>>
    tpu.enqueue_dma source(%arg10 : memref<200x2x128xf32, #tpu.memory_space<vmem>>) target(%dma_start3A_196 : memref<200x2x128xf32, #tpu.memory_space<hbm>>) target_semaphore(%arg16 : memref<!tpu.dma_semaphore, #tpu.memory_space<semaphore_mem>>)
    tpu.wait_dma2 semaphore(%arg13 : memref<!tpu.dma_semaphore, #tpu.memory_space<semaphore_mem>>) src(%arg9 : memref<200x2x128xf32, #tpu.memory_space<vmem_shared>>) dst(%arg11 : memref<200x2x128xf32, #tpu.memory_space<vmem>>)
    %dma_start3A_197 = arith.constant 3 : i32
    %dma_start3A_198 = arith.constant 0 : i32
    %dma_start3A_199 = arith.constant 0 : i32
    %dma_start3A_200 = arith.constant 0 : i32
    %dma_start3A_201 = tpu.memref_slice %arg11[%dma_start3A_198, %dma_start3A_199, %dma_start3A_200] : memref<200x2x128xf32, #tpu.memory_space<vmem>> -> memref<128x2x128xf32, #tpu.memory_space<vmem>>
    %dma_start3A_202 = arith.constant 0 : i32
    %dma_start3A_203 = tpu.memref_slice %arg7[%dma_start3A_197, %dma_start3A_202] : memref<16x128xi32, #tpu.memory_space<vmem>> -> memref<1x128xi32, #tpu.memory_space<vmem>>
    %dma_start3A_204 = tpu.memref_squeeze %dma_start3A_203 : memref<1x128xi32, #tpu.memory_space<vmem>> -> memref<128xi32, #tpu.memory_space<vmem>>
    %dma_start3A_205 = arith.constant 0 : i32
    %dma_start3A_206 = arith.constant 0 : i32
    %dma_start3A_207 = arith.constant 0 : i32
    %dma_start3A_208 = tpu.memref_slice %arg2[%dma_start3A_205, %dma_start3A_206, %dma_start3A_207] : memref<102400x2x128xf32, #tpu.memory_space<hbm>> -> memref<102400x2x128xf32, #tpu.memory_space<hbm>>
    tpu.enqueue_indirect_dma source(%dma_start3A_208 : memref<102400x2x128xf32, #tpu.memory_space<hbm>>) target(%dma_start3A_201 : memref<128x2x128xf32, #tpu.memory_space<vmem>>) offsets(%dma_start3A_204 : memref<128xi32, #tpu.memory_space<vmem>>) semaphore(%arg15 : memref<!tpu.dma_semaphore, #tpu.memory_space<semaphore_mem>>) {add = true}
    %dma_start3A_209 = arith.constant 3 : i32
    %dma_start3A_210 = arith.constant 128 : i32
    %dma_start3A_211 = arith.constant 0 : i32
    %dma_start3A_212 = arith.constant 0 : i32
    %dma_start3A_213 = tpu.memref_slice %arg11[%dma_start3A_210, %dma_start3A_211, %dma_start3A_212] : memref<200x2x128xf32, #tpu.memory_space<vmem>> -> memref<72x2x128xf32, #tpu.memory_space<vmem>>
    %dma_start3A_214 = arith.constant 0 : i32
    %dma_start3A_215 = tpu.memref_slice %arg8[%dma_start3A_209, %dma_start3A_214] : memref<16x72xi32, #tpu.memory_space<vmem>> -> memref<1x72xi32, #tpu.memory_space<vmem>>
    %dma_start3A_216 = tpu.memref_squeeze %dma_start3A_215 : memref<1x72xi32, #tpu.memory_space<vmem>> -> memref<72xi32, #tpu.memory_space<vmem>>
    %dma_start3A_217 = arith.constant 0 : i32
    %dma_start3A_218 = arith.constant 0 : i32
    %dma_start3A_219 = arith.constant 0 : i32
    %dma_start3A_220 = tpu.memref_slice %arg2[%dma_start3A_217, %dma_start3A_218, %dma_start3A_219] : memref<102400x2x128xf32, #tpu.memory_space<hbm>> -> memref<102400x2x128xf32, #tpu.memory_space<hbm>>
    tpu.enqueue_indirect_dma source(%dma_start3A_220 : memref<102400x2x128xf32, #tpu.memory_space<hbm>>) target(%dma_start3A_213 : memref<72x2x128xf32, #tpu.memory_space<vmem>>) offsets(%dma_start3A_216 : memref<72xi32, #tpu.memory_space<vmem>>) semaphore(%arg15 : memref<!tpu.dma_semaphore, #tpu.memory_space<semaphore_mem>>) {add = true}
    %dma_wait3A_221 = arith.constant 0 : i32
    %dma_wait3A_222 = arith.constant 0 : i32
    %dma_wait3A_223 = tpu.memref_slice %arg6[%mul3A_190, %dma_wait3A_221, %dma_wait3A_222] : memref<102400x2x128xf32, #tpu.memory_space<hbm>> -> memref<200x2x128xf32, #tpu.memory_space<hbm>>
    %dma_wait3A_224 = arith.constant 0 : i32
    %dma_wait3A_225 = arith.constant 0 : i32
    %dma_wait3A_226 = tpu.memref_slice %arg6[%mul3A_190, %dma_wait3A_224, %dma_wait3A_225] : memref<102400x2x128xf32, #tpu.memory_space<hbm>> -> memref<200x2x128xf32, #tpu.memory_space<hbm>>
    tpu.wait_dma2 semaphore(%arg16 : memref<!tpu.dma_semaphore, #tpu.memory_space<semaphore_mem>>) src(%arg10 : memref<200x2x128xf32, #tpu.memory_space<vmem>>) dst(%dma_wait3A_226 : memref<200x2x128xf32, #tpu.memory_space<hbm>>)
    tpu.enqueue_dma source(%arg9 : memref<200x2x128xf32, #tpu.memory_space<vmem_shared>>) target(%arg10 : memref<200x2x128xf32, #tpu.memory_space<vmem>>) target_semaphore(%arg12 : memref<!tpu.dma_semaphore, #tpu.memory_space<semaphore_mem>>)
    %dma_wait3A_227 = arith.constant 3 : i32
    %dma_wait3A_228 = arith.constant 0 : i32
    %dma_wait3A_229 = arith.constant 0 : i32
    %dma_wait3A_230 = arith.constant 0 : i32
    %dma_wait3A_231 = tpu.memref_slice %arg11[%dma_wait3A_228, %dma_wait3A_229, %dma_wait3A_230] : memref<200x2x128xf32, #tpu.memory_space<vmem>> -> memref<128x2x128xf32, #tpu.memory_space<vmem>>
    %dma_wait3A_232 = arith.constant 0 : i32
    %dma_wait3A_233 = tpu.memref_slice %arg7[%dma_wait3A_227, %dma_wait3A_232] : memref<16x128xi32, #tpu.memory_space<vmem>> -> memref<1x128xi32, #tpu.memory_space<vmem>>
    %dma_wait3A_234 = tpu.memref_squeeze %dma_wait3A_233 : memref<1x128xi32, #tpu.memory_space<vmem>> -> memref<128xi32, #tpu.memory_space<vmem>>
    %dma_wait3A_235 = arith.constant 0 : i32
    %dma_wait3A_236 = arith.constant 0 : i32
    %dma_wait3A_237 = arith.constant 0 : i32
    %dma_wait3A_238 = tpu.memref_slice %arg2[%dma_wait3A_235, %dma_wait3A_236, %dma_wait3A_237] : memref<102400x2x128xf32, #tpu.memory_space<hbm>> -> memref<102400x2x128xf32, #tpu.memory_space<hbm>>
    tpu.wait_indirect_dma semaphore(%arg15 : memref<!tpu.dma_semaphore, #tpu.memory_space<semaphore_mem>>) src(%dma_wait3A_238 : memref<102400x2x128xf32, #tpu.memory_space<hbm>>) dst(%dma_wait3A_231 : memref<128x2x128xf32, #tpu.memory_space<vmem>>)
    %dma_wait3A_239 = arith.constant 3 : i32
    %dma_wait3A_240 = arith.constant 128 : i32
    %dma_wait3A_241 = arith.constant 0 : i32
    %dma_wait3A_242 = arith.constant 0 : i32
    %dma_wait3A_243 = tpu.memref_slice %arg11[%dma_wait3A_240, %dma_wait3A_241, %dma_wait3A_242] : memref<200x2x128xf32, #tpu.memory_space<vmem>> -> memref<72x2x128xf32, #tpu.memory_space<vmem>>
    %dma_wait3A_244 = arith.constant 0 : i32
    %dma_wait3A_245 = tpu.memref_slice %arg8[%dma_wait3A_239, %dma_wait3A_244] : memref<16x72xi32, #tpu.memory_space<vmem>> -> memref<1x72xi32, #tpu.memory_space<vmem>>
    %dma_wait3A_246 = tpu.memref_squeeze %dma_wait3A_245 : memref<1x72xi32, #tpu.memory_space<vmem>> -> memref<72xi32, #tpu.memory_space<vmem>>
    %dma_wait3A_247 = arith.constant 0 : i32
    %dma_wait3A_248 = arith.constant 0 : i32
    %dma_wait3A_249 = arith.constant 0 : i32
    %dma_wait3A_250 = tpu.memref_slice %arg2[%dma_wait3A_247, %dma_wait3A_248, %dma_wait3A_249] : memref<102400x2x128xf32, #tpu.memory_space<hbm>> -> memref<102400x2x128xf32, #tpu.memory_space<hbm>>
    tpu.wait_indirect_dma semaphore(%arg15 : memref<!tpu.dma_semaphore, #tpu.memory_space<semaphore_mem>>) src(%dma_wait3A_250 : memref<102400x2x128xf32, #tpu.memory_space<hbm>>) dst(%dma_wait3A_243 : memref<72x2x128xf32, #tpu.memory_space<vmem>>)
    %mul3A_251 = arith.constant 32 : i32
    %mul3A_252 = arith.muli %add3A, %mul3A_251 : i32
    %add3A_253 = arith.constant 6 : i32
    %add3A_254 = arith.addi %mul3A_252, %add3A_253 : i32
    %mul3A_255 = arith.constant 100 : i32
    %mul3A_256 = arith.muli %add3A_254, %mul3A_255 : i32
    %dma_start3A_257 = arith.constant 0 : i32
    %dma_start3A_258 = arith.constant 0 : i32
    %dma_start3A_259 = tpu.memref_slice %arg6[%mul3A_256, %dma_start3A_257, %dma_start3A_258] : memref<102400x2x128xf32, #tpu.memory_space<hbm>> -> memref<200x2x128xf32, #tpu.memory_space<hbm>>
    %dma_start3A_260 = arith.constant 0 : i32
    %dma_start3A_261 = arith.constant 0 : i32
    %dma_start3A_262 = tpu.memref_slice %arg6[%mul3A_256, %dma_start3A_260, %dma_start3A_261] : memref<102400x2x128xf32, #tpu.memory_space<hbm>> -> memref<200x2x128xf32, #tpu.memory_space<hbm>>
    tpu.enqueue_dma source(%arg11 : memref<200x2x128xf32, #tpu.memory_space<vmem>>) target(%dma_start3A_262 : memref<200x2x128xf32, #tpu.memory_space<hbm>>) target_semaphore(%arg17 : memref<!tpu.dma_semaphore, #tpu.memory_space<semaphore_mem>>)
    tpu.wait_dma2 semaphore(%arg12 : memref<!tpu.dma_semaphore, #tpu.memory_space<semaphore_mem>>) src(%arg9 : memref<200x2x128xf32, #tpu.memory_space<vmem_shared>>) dst(%arg10 : memref<200x2x128xf32, #tpu.memory_space<vmem>>)
    %dma_start3A_263 = arith.constant 4 : i32
    %dma_start3A_264 = arith.constant 0 : i32
    %dma_start3A_265 = arith.constant 0 : i32
    %dma_start3A_266 = arith.constant 0 : i32
    %dma_start3A_267 = tpu.memref_slice %arg10[%dma_start3A_264, %dma_start3A_265, %dma_start3A_266] : memref<200x2x128xf32, #tpu.memory_space<vmem>> -> memref<128x2x128xf32, #tpu.memory_space<vmem>>
    %dma_start3A_268 = arith.constant 0 : i32
    %dma_start3A_269 = tpu.memref_slice %arg7[%dma_start3A_263, %dma_start3A_268] : memref<16x128xi32, #tpu.memory_space<vmem>> -> memref<1x128xi32, #tpu.memory_space<vmem>>
    %dma_start3A_270 = tpu.memref_squeeze %dma_start3A_269 : memref<1x128xi32, #tpu.memory_space<vmem>> -> memref<128xi32, #tpu.memory_space<vmem>>
    %dma_start3A_271 = arith.constant 0 : i32
    %dma_start3A_272 = arith.constant 0 : i32
    %dma_start3A_273 = arith.constant 0 : i32
    %dma_start3A_274 = tpu.memref_slice %arg2[%dma_start3A_271, %dma_start3A_272, %dma_start3A_273] : memref<102400x2x128xf32, #tpu.memory_space<hbm>> -> memref<102400x2x128xf32, #tpu.memory_space<hbm>>
    tpu.enqueue_indirect_dma source(%dma_start3A_274 : memref<102400x2x128xf32, #tpu.memory_space<hbm>>) target(%dma_start3A_267 : memref<128x2x128xf32, #tpu.memory_space<vmem>>) offsets(%dma_start3A_270 : memref<128xi32, #tpu.memory_space<vmem>>) semaphore(%arg14 : memref<!tpu.dma_semaphore, #tpu.memory_space<semaphore_mem>>) {add = true}
    %dma_start3A_275 = arith.constant 4 : i32
    %dma_start3A_276 = arith.constant 128 : i32
    %dma_start3A_277 = arith.constant 0 : i32
    %dma_start3A_278 = arith.constant 0 : i32
    %dma_start3A_279 = tpu.memref_slice %arg10[%dma_start3A_276, %dma_start3A_277, %dma_start3A_278] : memref<200x2x128xf32, #tpu.memory_space<vmem>> -> memref<72x2x128xf32, #tpu.memory_space<vmem>>
    %dma_start3A_280 = arith.constant 0 : i32
    %dma_start3A_281 = tpu.memref_slice %arg8[%dma_start3A_275, %dma_start3A_280] : memref<16x72xi32, #tpu.memory_space<vmem>> -> memref<1x72xi32, #tpu.memory_space<vmem>>
    %dma_start3A_282 = tpu.memref_squeeze %dma_start3A_281 : memref<1x72xi32, #tpu.memory_space<vmem>> -> memref<72xi32, #tpu.memory_space<vmem>>
    %dma_start3A_283 = arith.constant 0 : i32
    %dma_start3A_284 = arith.constant 0 : i32
    %dma_start3A_285 = arith.constant 0 : i32
    %dma_start3A_286 = tpu.memref_slice %arg2[%dma_start3A_283, %dma_start3A_284, %dma_start3A_285] : memref<102400x2x128xf32, #tpu.memory_space<hbm>> -> memref<102400x2x128xf32, #tpu.memory_space<hbm>>
    tpu.enqueue_indirect_dma source(%dma_start3A_286 : memref<102400x2x128xf32, #tpu.memory_space<hbm>>) target(%dma_start3A_279 : memref<72x2x128xf32, #tpu.memory_space<vmem>>) offsets(%dma_start3A_282 : memref<72xi32, #tpu.memory_space<vmem>>) semaphore(%arg14 : memref<!tpu.dma_semaphore, #tpu.memory_space<semaphore_mem>>) {add = true}
    %dma_wait3A_287 = arith.constant 0 : i32
    %dma_wait3A_288 = arith.constant 0 : i32
    %dma_wait3A_289 = tpu.memref_slice %arg6[%mul3A_256, %dma_wait3A_287, %dma_wait3A_288] : memref<102400x2x128xf32, #tpu.memory_space<hbm>> -> memref<200x2x128xf32, #tpu.memory_space<hbm>>
    %dma_wait3A_290 = arith.constant 0 : i32
    %dma_wait3A_291 = arith.constant 0 : i32
    %dma_wait3A_292 = tpu.memref_slice %arg6[%mul3A_256, %dma_wait3A_290, %dma_wait3A_291] : memref<102400x2x128xf32, #tpu.memory_space<hbm>> -> memref<200x2x128xf32, #tpu.memory_space<hbm>>
    tpu.wait_dma2 semaphore(%arg17 : memref<!tpu.dma_semaphore, #tpu.memory_space<semaphore_mem>>) src(%arg11 : memref<200x2x128xf32, #tpu.memory_space<vmem>>) dst(%dma_wait3A_292 : memref<200x2x128xf32, #tpu.memory_space<hbm>>)
    tpu.enqueue_dma source(%arg9 : memref<200x2x128xf32, #tpu.memory_space<vmem_shared>>) target(%arg11 : memref<200x2x128xf32, #tpu.memory_space<vmem>>) target_semaphore(%arg13 : memref<!tpu.dma_semaphore, #tpu.memory_space<semaphore_mem>>)
    %dma_wait3A_293 = arith.constant 4 : i32
    %dma_wait3A_294 = arith.constant 0 : i32
    %dma_wait3A_295 = arith.constant 0 : i32
    %dma_wait3A_296 = arith.constant 0 : i32
    %dma_wait3A_297 = tpu.memref_slice %arg10[%dma_wait3A_294, %dma_wait3A_295, %dma_wait3A_296] : memref<200x2x128xf32, #tpu.memory_space<vmem>> -> memref<128x2x128xf32, #tpu.memory_space<vmem>>
    %dma_wait3A_298 = arith.constant 0 : i32
    %dma_wait3A_299 = tpu.memref_slice %arg7[%dma_wait3A_293, %dma_wait3A_298] : memref<16x128xi32, #tpu.memory_space<vmem>> -> memref<1x128xi32, #tpu.memory_space<vmem>>
    %dma_wait3A_300 = tpu.memref_squeeze %dma_wait3A_299 : memref<1x128xi32, #tpu.memory_space<vmem>> -> memref<128xi32, #tpu.memory_space<vmem>>
    %dma_wait3A_301 = arith.constant 0 : i32
    %dma_wait3A_302 = arith.constant 0 : i32
    %dma_wait3A_303 = arith.constant 0 : i32
    %dma_wait3A_304 = tpu.memref_slice %arg2[%dma_wait3A_301, %dma_wait3A_302, %dma_wait3A_303] : memref<102400x2x128xf32, #tpu.memory_space<hbm>> -> memref<102400x2x128xf32, #tpu.memory_space<hbm>>
    tpu.wait_indirect_dma semaphore(%arg14 : memref<!tpu.dma_semaphore, #tpu.memory_space<semaphore_mem>>) src(%dma_wait3A_304 : memref<102400x2x128xf32, #tpu.memory_space<hbm>>) dst(%dma_wait3A_297 : memref<128x2x128xf32, #tpu.memory_space<vmem>>)
    %dma_wait3A_305 = arith.constant 4 : i32
    %dma_wait3A_306 = arith.constant 128 : i32
    %dma_wait3A_307 = arith.constant 0 : i32
    %dma_wait3A_308 = arith.constant 0 : i32
    %dma_wait3A_309 = tpu.memref_slice %arg10[%dma_wait3A_306, %dma_wait3A_307, %dma_wait3A_308] : memref<200x2x128xf32, #tpu.memory_space<vmem>> -> memref<72x2x128xf32, #tpu.memory_space<vmem>>
    %dma_wait3A_310 = arith.constant 0 : i32
    %dma_wait3A_311 = tpu.memref_slice %arg8[%dma_wait3A_305, %dma_wait3A_310] : memref<16x72xi32, #tpu.memory_space<vmem>> -> memref<1x72xi32, #tpu.memory_space<vmem>>
    %dma_wait3A_312 = tpu.memref_squeeze %dma_wait3A_311 : memref<1x72xi32, #tpu.memory_space<vmem>> -> memref<72xi32, #tpu.memory_space<vmem>>
    %dma_wait3A_313 = arith.constant 0 : i32
    %dma_wait3A_314 = arith.constant 0 : i32
    %dma_wait3A_315 = arith.constant 0 : i32
    %dma_wait3A_316 = tpu.memref_slice %arg2[%dma_wait3A_313, %dma_wait3A_314, %dma_wait3A_315] : memref<102400x2x128xf32, #tpu.memory_space<hbm>> -> memref<102400x2x128xf32, #tpu.memory_space<hbm>>
    tpu.wait_indirect_dma semaphore(%arg14 : memref<!tpu.dma_semaphore, #tpu.memory_space<semaphore_mem>>) src(%dma_wait3A_316 : memref<102400x2x128xf32, #tpu.memory_space<hbm>>) dst(%dma_wait3A_309 : memref<72x2x128xf32, #tpu.memory_space<vmem>>)
    %mul3A_317 = arith.constant 32 : i32
    %mul3A_318 = arith.muli %add3A, %mul3A_317 : i32
    %add3A_319 = arith.constant 8 : i32
    %add3A_320 = arith.addi %mul3A_318, %add3A_319 : i32
    %mul3A_321 = arith.constant 100 : i32
    %mul3A_322 = arith.muli %add3A_320, %mul3A_321 : i32
    %dma_start3A_323 = arith.constant 0 : i32
    %dma_start3A_324 = arith.constant 0 : i32
    %dma_start3A_325 = tpu.memref_slice %arg6[%mul3A_322, %dma_start3A_323, %dma_start3A_324] : memref<102400x2x128xf32, #tpu.memory_space<hbm>> -> memref<200x2x128xf32, #tpu.memory_space<hbm>>
    %dma_start3A_326 = arith.constant 0 : i32
    %dma_start3A_327 = arith.constant 0 : i32
    %dma_start3A_328 = tpu.memref_slice %arg6[%mul3A_322, %dma_start3A_326, %dma_start3A_327] : memref<102400x2x128xf32, #tpu.memory_space<hbm>> -> memref<200x2x128xf32, #tpu.memory_space<hbm>>
    tpu.enqueue_dma source(%arg10 : memref<200x2x128xf32, #tpu.memory_space<vmem>>) target(%dma_start3A_328 : memref<200x2x128xf32, #tpu.memory_space<hbm>>) target_semaphore(%arg16 : memref<!tpu.dma_semaphore, #tpu.memory_space<semaphore_mem>>)
    tpu.wait_dma2 semaphore(%arg13 : memref<!tpu.dma_semaphore, #tpu.memory_space<semaphore_mem>>) src(%arg9 : memref<200x2x128xf32, #tpu.memory_space<vmem_shared>>) dst(%arg11 : memref<200x2x128xf32, #tpu.memory_space<vmem>>)
    %dma_start3A_329 = arith.constant 5 : i32
    %dma_start3A_330 = arith.constant 0 : i32
    %dma_start3A_331 = arith.constant 0 : i32
    %dma_start3A_332 = arith.constant 0 : i32
    %dma_start3A_333 = tpu.memref_slice %arg11[%dma_start3A_330, %dma_start3A_331, %dma_start3A_332] : memref<200x2x128xf32, #tpu.memory_space<vmem>> -> memref<128x2x128xf32, #tpu.memory_space<vmem>>
    %dma_start3A_334 = arith.constant 0 : i32
    %dma_start3A_335 = tpu.memref_slice %arg7[%dma_start3A_329, %dma_start3A_334] : memref<16x128xi32, #tpu.memory_space<vmem>> -> memref<1x128xi32, #tpu.memory_space<vmem>>
    %dma_start3A_336 = tpu.memref_squeeze %dma_start3A_335 : memref<1x128xi32, #tpu.memory_space<vmem>> -> memref<128xi32, #tpu.memory_space<vmem>>
    %dma_start3A_337 = arith.constant 0 : i32
    %dma_start3A_338 = arith.constant 0 : i32
    %dma_start3A_339 = arith.constant 0 : i32
    %dma_start3A_340 = tpu.memref_slice %arg2[%dma_start3A_337, %dma_start3A_338, %dma_start3A_339] : memref<102400x2x128xf32, #tpu.memory_space<hbm>> -> memref<102400x2x128xf32, #tpu.memory_space<hbm>>
    tpu.enqueue_indirect_dma source(%dma_start3A_340 : memref<102400x2x128xf32, #tpu.memory_space<hbm>>) target(%dma_start3A_333 : memref<128x2x128xf32, #tpu.memory_space<vmem>>) offsets(%dma_start3A_336 : memref<128xi32, #tpu.memory_space<vmem>>) semaphore(%arg15 : memref<!tpu.dma_semaphore, #tpu.memory_space<semaphore_mem>>) {add = true}
    %dma_start3A_341 = arith.constant 5 : i32
    %dma_start3A_342 = arith.constant 128 : i32
    %dma_start3A_343 = arith.constant 0 : i32
    %dma_start3A_344 = arith.constant 0 : i32
    %dma_start3A_345 = tpu.memref_slice %arg11[%dma_start3A_342, %dma_start3A_343, %dma_start3A_344] : memref<200x2x128xf32, #tpu.memory_space<vmem>> -> memref<72x2x128xf32, #tpu.memory_space<vmem>>
    %dma_start3A_346 = arith.constant 0 : i32
    %dma_start3A_347 = tpu.memref_slice %arg8[%dma_start3A_341, %dma_start3A_346] : memref<16x72xi32, #tpu.memory_space<vmem>> -> memref<1x72xi32, #tpu.memory_space<vmem>>
    %dma_start3A_348 = tpu.memref_squeeze %dma_start3A_347 : memref<1x72xi32, #tpu.memory_space<vmem>> -> memref<72xi32, #tpu.memory_space<vmem>>
    %dma_start3A_349 = arith.constant 0 : i32
    %dma_start3A_350 = arith.constant 0 : i32
    %dma_start3A_351 = arith.constant 0 : i32
    %dma_start3A_352 = tpu.memref_slice %arg2[%dma_start3A_349, %dma_start3A_350, %dma_start3A_351] : memref<102400x2x128xf32, #tpu.memory_space<hbm>> -> memref<102400x2x128xf32, #tpu.memory_space<hbm>>
    tpu.enqueue_indirect_dma source(%dma_start3A_352 : memref<102400x2x128xf32, #tpu.memory_space<hbm>>) target(%dma_start3A_345 : memref<72x2x128xf32, #tpu.memory_space<vmem>>) offsets(%dma_start3A_348 : memref<72xi32, #tpu.memory_space<vmem>>) semaphore(%arg15 : memref<!tpu.dma_semaphore, #tpu.memory_space<semaphore_mem>>) {add = true}
    %dma_wait3A_353 = arith.constant 0 : i32
    %dma_wait3A_354 = arith.constant 0 : i32
    %dma_wait3A_355 = tpu.memref_slice %arg6[%mul3A_322, %dma_wait3A_353, %dma_wait3A_354] : memref<102400x2x128xf32, #tpu.memory_space<hbm>> -> memref<200x2x128xf32, #tpu.memory_space<hbm>>
    %dma_wait3A_356 = arith.constant 0 : i32
    %dma_wait3A_357 = arith.constant 0 : i32
    %dma_wait3A_358 = tpu.memref_slice %arg6[%mul3A_322, %dma_wait3A_356, %dma_wait3A_357] : memref<102400x2x128xf32, #tpu.memory_space<hbm>> -> memref<200x2x128xf32, #tpu.memory_space<hbm>>
    tpu.wait_dma2 semaphore(%arg16 : memref<!tpu.dma_semaphore, #tpu.memory_space<semaphore_mem>>) src(%arg10 : memref<200x2x128xf32, #tpu.memory_space<vmem>>) dst(%dma_wait3A_358 : memref<200x2x128xf32, #tpu.memory_space<hbm>>)
    tpu.enqueue_dma source(%arg9 : memref<200x2x128xf32, #tpu.memory_space<vmem_shared>>) target(%arg10 : memref<200x2x128xf32, #tpu.memory_space<vmem>>) target_semaphore(%arg12 : memref<!tpu.dma_semaphore, #tpu.memory_space<semaphore_mem>>)
    %dma_wait3A_359 = arith.constant 5 : i32
    %dma_wait3A_360 = arith.constant 0 : i32
    %dma_wait3A_361 = arith.constant 0 : i32
    %dma_wait3A_362 = arith.constant 0 : i32
    %dma_wait3A_363 = tpu.memref_slice %arg11[%dma_wait3A_360, %dma_wait3A_361, %dma_wait3A_362] : memref<200x2x128xf32, #tpu.memory_space<vmem>> -> memref<128x2x128xf32, #tpu.memory_space<vmem>>
    %dma_wait3A_364 = arith.constant 0 : i32
    %dma_wait3A_365 = tpu.memref_slice %arg7[%dma_wait3A_359, %dma_wait3A_364] : memref<16x128xi32, #tpu.memory_space<vmem>> -> memref<1x128xi32, #tpu.memory_space<vmem>>
    %dma_wait3A_366 = tpu.memref_squeeze %dma_wait3A_365 : memref<1x128xi32, #tpu.memory_space<vmem>> -> memref<128xi32, #tpu.memory_space<vmem>>
    %dma_wait3A_367 = arith.constant 0 : i32
    %dma_wait3A_368 = arith.constant 0 : i32
    %dma_wait3A_369 = arith.constant 0 : i32
    %dma_wait3A_370 = tpu.memref_slice %arg2[%dma_wait3A_367, %dma_wait3A_368, %dma_wait3A_369] : memref<102400x2x128xf32, #tpu.memory_space<hbm>> -> memref<102400x2x128xf32, #tpu.memory_space<hbm>>
    tpu.wait_indirect_dma semaphore(%arg15 : memref<!tpu.dma_semaphore, #tpu.memory_space<semaphore_mem>>) src(%dma_wait3A_370 : memref<102400x2x128xf32, #tpu.memory_space<hbm>>) dst(%dma_wait3A_363 : memref<128x2x128xf32, #tpu.memory_space<vmem>>)
    %dma_wait3A_371 = arith.constant 5 : i32
    %dma_wait3A_372 = arith.constant 128 : i32
    %dma_wait3A_373 = arith.constant 0 : i32
    %dma_wait3A_374 = arith.constant 0 : i32
    %dma_wait3A_375 = tpu.memref_slice %arg11[%dma_wait3A_372, %dma_wait3A_373, %dma_wait3A_374] : memref<200x2x128xf32, #tpu.memory_space<vmem>> -> memref<72x2x128xf32, #tpu.memory_space<vmem>>
    %dma_wait3A_376 = arith.constant 0 : i32
    %dma_wait3A_377 = tpu.memref_slice %arg8[%dma_wait3A_371, %dma_wait3A_376] : memref<16x72xi32, #tpu.memory_space<vmem>> -> memref<1x72xi32, #tpu.memory_space<vmem>>
    %dma_wait3A_378 = tpu.memref_squeeze %dma_wait3A_377 : memref<1x72xi32, #tpu.memory_space<vmem>> -> memref<72xi32, #tpu.memory_space<vmem>>
    %dma_wait3A_379 = arith.constant 0 : i32
    %dma_wait3A_380 = arith.constant 0 : i32
    %dma_wait3A_381 = arith.constant 0 : i32
    %dma_wait3A_382 = tpu.memref_slice %arg2[%dma_wait3A_379, %dma_wait3A_380, %dma_wait3A_381] : memref<102400x2x128xf32, #tpu.memory_space<hbm>> -> memref<102400x2x128xf32, #tpu.memory_space<hbm>>
    tpu.wait_indirect_dma semaphore(%arg15 : memref<!tpu.dma_semaphore, #tpu.memory_space<semaphore_mem>>) src(%dma_wait3A_382 : memref<102400x2x128xf32, #tpu.memory_space<hbm>>) dst(%dma_wait3A_375 : memref<72x2x128xf32, #tpu.memory_space<vmem>>)
    %mul3A_383 = arith.constant 32 : i32
    %mul3A_384 = arith.muli %add3A, %mul3A_383 : i32
    %add3A_385 = arith.constant 10 : i32
    %add3A_386 = arith.addi %mul3A_384, %add3A_385 : i32
    %mul3A_387 = arith.constant 100 : i32
    %mul3A_388 = arith.muli %add3A_386, %mul3A_387 : i32
    %dma_start3A_389 = arith.constant 0 : i32
    %dma_start3A_390 = arith.constant 0 : i32
    %dma_start3A_391 = tpu.memref_slice %arg6[%mul3A_388, %dma_start3A_389, %dma_start3A_390] : memref<102400x2x128xf32, #tpu.memory_space<hbm>> -> memref<200x2x128xf32, #tpu.memory_space<hbm>>
    %dma_start3A_392 = arith.constant 0 : i32
    %dma_start3A_393 = arith.constant 0 : i32
    %dma_start3A_394 = tpu.memref_slice %arg6[%mul3A_388, %dma_start3A_392, %dma_start3A_393] : memref<102400x2x128xf32, #tpu.memory_space<hbm>> -> memref<200x2x128xf32, #tpu.memory_space<hbm>>
    tpu.enqueue_dma source(%arg11 : memref<200x2x128xf32, #tpu.memory_space<vmem>>) target(%dma_start3A_394 : memref<200x2x128xf32, #tpu.memory_space<hbm>>) target_semaphore(%arg17 : memref<!tpu.dma_semaphore, #tpu.memory_space<semaphore_mem>>)
    tpu.wait_dma2 semaphore(%arg12 : memref<!tpu.dma_semaphore, #tpu.memory_space<semaphore_mem>>) src(%arg9 : memref<200x2x128xf32, #tpu.memory_space<vmem_shared>>) dst(%arg10 : memref<200x2x128xf32, #tpu.memory_space<vmem>>)
    %dma_start3A_395 = arith.constant 6 : i32
    %dma_start3A_396 = arith.constant 0 : i32
    %dma_start3A_397 = arith.constant 0 : i32
    %dma_start3A_398 = arith.constant 0 : i32
    %dma_start3A_399 = tpu.memref_slice %arg10[%dma_start3A_396, %dma_start3A_397, %dma_start3A_398] : memref<200x2x128xf32, #tpu.memory_space<vmem>> -> memref<128x2x128xf32, #tpu.memory_space<vmem>>
    %dma_start3A_400 = arith.constant 0 : i32
    %dma_start3A_401 = tpu.memref_slice %arg7[%dma_start3A_395, %dma_start3A_400] : memref<16x128xi32, #tpu.memory_space<vmem>> -> memref<1x128xi32, #tpu.memory_space<vmem>>
    %dma_start3A_402 = tpu.memref_squeeze %dma_start3A_401 : memref<1x128xi32, #tpu.memory_space<vmem>> -> memref<128xi32, #tpu.memory_space<vmem>>
    %dma_start3A_403 = arith.constant 0 : i32
    %dma_start3A_404 = arith.constant 0 : i32
    %dma_start3A_405 = arith.constant 0 : i32
    %dma_start3A_406 = tpu.memref_slice %arg2[%dma_start3A_403, %dma_start3A_404, %dma_start3A_405] : memref<102400x2x128xf32, #tpu.memory_space<hbm>> -> memref<102400x2x128xf32, #tpu.memory_space<hbm>>
    tpu.enqueue_indirect_dma source(%dma_start3A_406 : memref<102400x2x128xf32, #tpu.memory_space<hbm>>) target(%dma_start3A_399 : memref<128x2x128xf32, #tpu.memory_space<vmem>>) offsets(%dma_start3A_402 : memref<128xi32, #tpu.memory_space<vmem>>) semaphore(%arg14 : memref<!tpu.dma_semaphore, #tpu.memory_space<semaphore_mem>>) {add = true}
    %dma_start3A_407 = arith.constant 6 : i32
    %dma_start3A_408 = arith.constant 128 : i32
    %dma_start3A_409 = arith.constant 0 : i32
    %dma_start3A_410 = arith.constant 0 : i32
    %dma_start3A_411 = tpu.memref_slice %arg10[%dma_start3A_408, %dma_start3A_409, %dma_start3A_410] : memref<200x2x128xf32, #tpu.memory_space<vmem>> -> memref<72x2x128xf32, #tpu.memory_space<vmem>>
    %dma_start3A_412 = arith.constant 0 : i32
    %dma_start3A_413 = tpu.memref_slice %arg8[%dma_start3A_407, %dma_start3A_412] : memref<16x72xi32, #tpu.memory_space<vmem>> -> memref<1x72xi32, #tpu.memory_space<vmem>>
    %dma_start3A_414 = tpu.memref_squeeze %dma_start3A_413 : memref<1x72xi32, #tpu.memory_space<vmem>> -> memref<72xi32, #tpu.memory_space<vmem>>
    %dma_start3A_415 = arith.constant 0 : i32
    %dma_start3A_416 = arith.constant 0 : i32
    %dma_start3A_417 = arith.constant 0 : i32
    %dma_start3A_418 = tpu.memref_slice %arg2[%dma_start3A_415, %dma_start3A_416, %dma_start3A_417] : memref<102400x2x128xf32, #tpu.memory_space<hbm>> -> memref<102400x2x128xf32, #tpu.memory_space<hbm>>
    tpu.enqueue_indirect_dma source(%dma_start3A_418 : memref<102400x2x128xf32, #tpu.memory_space<hbm>>) target(%dma_start3A_411 : memref<72x2x128xf32, #tpu.memory_space<vmem>>) offsets(%dma_start3A_414 : memref<72xi32, #tpu.memory_space<vmem>>) semaphore(%arg14 : memref<!tpu.dma_semaphore, #tpu.memory_space<semaphore_mem>>) {add = true}
    %dma_wait3A_419 = arith.constant 0 : i32
    %dma_wait3A_420 = arith.constant 0 : i32
    %dma_wait3A_421 = tpu.memref_slice %arg6[%mul3A_388, %dma_wait3A_419, %dma_wait3A_420] : memref<102400x2x128xf32, #tpu.memory_space<hbm>> -> memref<200x2x128xf32, #tpu.memory_space<hbm>>
    %dma_wait3A_422 = arith.constant 0 : i32
    %dma_wait3A_423 = arith.constant 0 : i32
    %dma_wait3A_424 = tpu.memref_slice %arg6[%mul3A_388, %dma_wait3A_422, %dma_wait3A_423] : memref<102400x2x128xf32, #tpu.memory_space<hbm>> -> memref<200x2x128xf32, #tpu.memory_space<hbm>>
    tpu.wait_dma2 semaphore(%arg17 : memref<!tpu.dma_semaphore, #tpu.memory_space<semaphore_mem>>) src(%arg11 : memref<200x2x128xf32, #tpu.memory_space<vmem>>) dst(%dma_wait3A_424 : memref<200x2x128xf32, #tpu.memory_space<hbm>>)
    tpu.enqueue_dma source(%arg9 : memref<200x2x128xf32, #tpu.memory_space<vmem_shared>>) target(%arg11 : memref<200x2x128xf32, #tpu.memory_space<vmem>>) target_semaphore(%arg13 : memref<!tpu.dma_semaphore, #tpu.memory_space<semaphore_mem>>)
    %dma_wait3A_425 = arith.constant 6 : i32
    %dma_wait3A_426 = arith.constant 0 : i32
    %dma_wait3A_427 = arith.constant 0 : i32
    %dma_wait3A_428 = arith.constant 0 : i32
    %dma_wait3A_429 = tpu.memref_slice %arg10[%dma_wait3A_426, %dma_wait3A_427, %dma_wait3A_428] : memref<200x2x128xf32, #tpu.memory_space<vmem>> -> memref<128x2x128xf32, #tpu.memory_space<vmem>>
    %dma_wait3A_430 = arith.constant 0 : i32
    %dma_wait3A_431 = tpu.memref_slice %arg7[%dma_wait3A_425, %dma_wait3A_430] : memref<16x128xi32, #tpu.memory_space<vmem>> -> memref<1x128xi32, #tpu.memory_space<vmem>>
    %dma_wait3A_432 = tpu.memref_squeeze %dma_wait3A_431 : memref<1x128xi32, #tpu.memory_space<vmem>> -> memref<128xi32, #tpu.memory_space<vmem>>
    %dma_wait3A_433 = arith.constant 0 : i32
    %dma_wait3A_434 = arith.constant 0 : i32
    %dma_wait3A_435 = arith.constant 0 : i32
    %dma_wait3A_436 = tpu.memref_slice %arg2[%dma_wait3A_433, %dma_wait3A_434, %dma_wait3A_435] : memref<102400x2x128xf32, #tpu.memory_space<hbm>> -> memref<102400x2x128xf32, #tpu.memory_space<hbm>>
    tpu.wait_indirect_dma semaphore(%arg14 : memref<!tpu.dma_semaphore, #tpu.memory_space<semaphore_mem>>) src(%dma_wait3A_436 : memref<102400x2x128xf32, #tpu.memory_space<hbm>>) dst(%dma_wait3A_429 : memref<128x2x128xf32, #tpu.memory_space<vmem>>)
    %dma_wait3A_437 = arith.constant 6 : i32
    %dma_wait3A_438 = arith.constant 128 : i32
    %dma_wait3A_439 = arith.constant 0 : i32
    %dma_wait3A_440 = arith.constant 0 : i32
    %dma_wait3A_441 = tpu.memref_slice %arg10[%dma_wait3A_438, %dma_wait3A_439, %dma_wait3A_440] : memref<200x2x128xf32, #tpu.memory_space<vmem>> -> memref<72x2x128xf32, #tpu.memory_space<vmem>>
    %dma_wait3A_442 = arith.constant 0 : i32
    %dma_wait3A_443 = tpu.memref_slice %arg8[%dma_wait3A_437, %dma_wait3A_442] : memref<16x72xi32, #tpu.memory_space<vmem>> -> memref<1x72xi32, #tpu.memory_space<vmem>>
    %dma_wait3A_444 = tpu.memref_squeeze %dma_wait3A_443 : memref<1x72xi32, #tpu.memory_space<vmem>> -> memref<72xi32, #tpu.memory_space<vmem>>
    %dma_wait3A_445 = arith.constant 0 : i32
    %dma_wait3A_446 = arith.constant 0 : i32
    %dma_wait3A_447 = arith.constant 0 : i32
    %dma_wait3A_448 = tpu.memref_slice %arg2[%dma_wait3A_445, %dma_wait3A_446, %dma_wait3A_447] : memref<102400x2x128xf32, #tpu.memory_space<hbm>> -> memref<102400x2x128xf32, #tpu.memory_space<hbm>>
    tpu.wait_indirect_dma semaphore(%arg14 : memref<!tpu.dma_semaphore, #tpu.memory_space<semaphore_mem>>) src(%dma_wait3A_448 : memref<102400x2x128xf32, #tpu.memory_space<hbm>>) dst(%dma_wait3A_441 : memref<72x2x128xf32, #tpu.memory_space<vmem>>)
    %mul3A_449 = arith.constant 32 : i32
    %mul3A_450 = arith.muli %add3A, %mul3A_449 : i32
    %add3A_451 = arith.constant 12 : i32
    %add3A_452 = arith.addi %mul3A_450, %add3A_451 : i32
    %mul3A_453 = arith.constant 100 : i32
    %mul3A_454 = arith.muli %add3A_452, %mul3A_453 : i32
    %dma_start3A_455 = arith.constant 0 : i32
    %dma_start3A_456 = arith.constant 0 : i32
    %dma_start3A_457 = tpu.memref_slice %arg6[%mul3A_454, %dma_start3A_455, %dma_start3A_456] : memref<102400x2x128xf32, #tpu.memory_space<hbm>> -> memref<200x2x128xf32, #tpu.memory_space<hbm>>
    %dma_start3A_458 = arith.constant 0 : i32
    %dma_start3A_459 = arith.constant 0 : i32
    %dma_start3A_460 = tpu.memref_slice %arg6[%mul3A_454, %dma_start3A_458, %dma_start3A_459] : memref<102400x2x128xf32, #tpu.memory_space<hbm>> -> memref<200x2x128xf32, #tpu.memory_space<hbm>>
    tpu.enqueue_dma source(%arg10 : memref<200x2x128xf32, #tpu.memory_space<vmem>>) target(%dma_start3A_460 : memref<200x2x128xf32, #tpu.memory_space<hbm>>) target_semaphore(%arg16 : memref<!tpu.dma_semaphore, #tpu.memory_space<semaphore_mem>>)
    tpu.wait_dma2 semaphore(%arg13 : memref<!tpu.dma_semaphore, #tpu.memory_space<semaphore_mem>>) src(%arg9 : memref<200x2x128xf32, #tpu.memory_space<vmem_shared>>) dst(%arg11 : memref<200x2x128xf32, #tpu.memory_space<vmem>>)
    %dma_start3A_461 = arith.constant 7 : i32
    %dma_start3A_462 = arith.constant 0 : i32
    %dma_start3A_463 = arith.constant 0 : i32
    %dma_start3A_464 = arith.constant 0 : i32
    %dma_start3A_465 = tpu.memref_slice %arg11[%dma_start3A_462, %dma_start3A_463, %dma_start3A_464] : memref<200x2x128xf32, #tpu.memory_space<vmem>> -> memref<128x2x128xf32, #tpu.memory_space<vmem>>
    %dma_start3A_466 = arith.constant 0 : i32
    %dma_start3A_467 = tpu.memref_slice %arg7[%dma_start3A_461, %dma_start3A_466] : memref<16x128xi32, #tpu.memory_space<vmem>> -> memref<1x128xi32, #tpu.memory_space<vmem>>
    %dma_start3A_468 = tpu.memref_squeeze %dma_start3A_467 : memref<1x128xi32, #tpu.memory_space<vmem>> -> memref<128xi32, #tpu.memory_space<vmem>>
    %dma_start3A_469 = arith.constant 0 : i32
    %dma_start3A_470 = arith.constant 0 : i32
    %dma_start3A_471 = arith.constant 0 : i32
    %dma_start3A_472 = tpu.memref_slice %arg2[%dma_start3A_469, %dma_start3A_470, %dma_start3A_471] : memref<102400x2x128xf32, #tpu.memory_space<hbm>> -> memref<102400x2x128xf32, #tpu.memory_space<hbm>>
    tpu.enqueue_indirect_dma source(%dma_start3A_472 : memref<102400x2x128xf32, #tpu.memory_space<hbm>>) target(%dma_start3A_465 : memref<128x2x128xf32, #tpu.memory_space<vmem>>) offsets(%dma_start3A_468 : memref<128xi32, #tpu.memory_space<vmem>>) semaphore(%arg15 : memref<!tpu.dma_semaphore, #tpu.memory_space<semaphore_mem>>) {add = true}
    %dma_start3A_473 = arith.constant 7 : i32
    %dma_start3A_474 = arith.constant 128 : i32
    %dma_start3A_475 = arith.constant 0 : i32
    %dma_start3A_476 = arith.constant 0 : i32
    %dma_start3A_477 = tpu.memref_slice %arg11[%dma_start3A_474, %dma_start3A_475, %dma_start3A_476] : memref<200x2x128xf32, #tpu.memory_space<vmem>> -> memref<72x2x128xf32, #tpu.memory_space<vmem>>
    %dma_start3A_478 = arith.constant 0 : i32
    %dma_start3A_479 = tpu.memref_slice %arg8[%dma_start3A_473, %dma_start3A_478] : memref<16x72xi32, #tpu.memory_space<vmem>> -> memref<1x72xi32, #tpu.memory_space<vmem>>
    %dma_start3A_480 = tpu.memref_squeeze %dma_start3A_479 : memref<1x72xi32, #tpu.memory_space<vmem>> -> memref<72xi32, #tpu.memory_space<vmem>>
    %dma_start3A_481 = arith.constant 0 : i32
    %dma_start3A_482 = arith.constant 0 : i32
    %dma_start3A_483 = arith.constant 0 : i32
    %dma_start3A_484 = tpu.memref_slice %arg2[%dma_start3A_481, %dma_start3A_482, %dma_start3A_483] : memref<102400x2x128xf32, #tpu.memory_space<hbm>> -> memref<102400x2x128xf32, #tpu.memory_space<hbm>>
    tpu.enqueue_indirect_dma source(%dma_start3A_484 : memref<102400x2x128xf32, #tpu.memory_space<hbm>>) target(%dma_start3A_477 : memref<72x2x128xf32, #tpu.memory_space<vmem>>) offsets(%dma_start3A_480 : memref<72xi32, #tpu.memory_space<vmem>>) semaphore(%arg15 : memref<!tpu.dma_semaphore, #tpu.memory_space<semaphore_mem>>) {add = true}
    %dma_wait3A_485 = arith.constant 0 : i32
    %dma_wait3A_486 = arith.constant 0 : i32
    %dma_wait3A_487 = tpu.memref_slice %arg6[%mul3A_454, %dma_wait3A_485, %dma_wait3A_486] : memref<102400x2x128xf32, #tpu.memory_space<hbm>> -> memref<200x2x128xf32, #tpu.memory_space<hbm>>
    %dma_wait3A_488 = arith.constant 0 : i32
    %dma_wait3A_489 = arith.constant 0 : i32
    %dma_wait3A_490 = tpu.memref_slice %arg6[%mul3A_454, %dma_wait3A_488, %dma_wait3A_489] : memref<102400x2x128xf32, #tpu.memory_space<hbm>> -> memref<200x2x128xf32, #tpu.memory_space<hbm>>
    tpu.wait_dma2 semaphore(%arg16 : memref<!tpu.dma_semaphore, #tpu.memory_space<semaphore_mem>>) src(%arg10 : memref<200x2x128xf32, #tpu.memory_space<vmem>>) dst(%dma_wait3A_490 : memref<200x2x128xf32, #tpu.memory_space<hbm>>)
    tpu.enqueue_dma source(%arg9 : memref<200x2x128xf32, #tpu.memory_space<vmem_shared>>) target(%arg10 : memref<200x2x128xf32, #tpu.memory_space<vmem>>) target_semaphore(%arg12 : memref<!tpu.dma_semaphore, #tpu.memory_space<semaphore_mem>>)
    %dma_wait3A_491 = arith.constant 7 : i32
    %dma_wait3A_492 = arith.constant 0 : i32
    %dma_wait3A_493 = arith.constant 0 : i32
    %dma_wait3A_494 = arith.constant 0 : i32
    %dma_wait3A_495 = tpu.memref_slice %arg11[%dma_wait3A_492, %dma_wait3A_493, %dma_wait3A_494] : memref<200x2x128xf32, #tpu.memory_space<vmem>> -> memref<128x2x128xf32, #tpu.memory_space<vmem>>
    %dma_wait3A_496 = arith.constant 0 : i32
    %dma_wait3A_497 = tpu.memref_slice %arg7[%dma_wait3A_491, %dma_wait3A_496] : memref<16x128xi32, #tpu.memory_space<vmem>> -> memref<1x128xi32, #tpu.memory_space<vmem>>
    %dma_wait3A_498 = tpu.memref_squeeze %dma_wait3A_497 : memref<1x128xi32, #tpu.memory_space<vmem>> -> memref<128xi32, #tpu.memory_space<vmem>>
    %dma_wait3A_499 = arith.constant 0 : i32
    %dma_wait3A_500 = arith.constant 0 : i32
    %dma_wait3A_501 = arith.constant 0 : i32
    %dma_wait3A_502 = tpu.memref_slice %arg2[%dma_wait3A_499, %dma_wait3A_500, %dma_wait3A_501] : memref<102400x2x128xf32, #tpu.memory_space<hbm>> -> memref<102400x2x128xf32, #tpu.memory_space<hbm>>
    tpu.wait_indirect_dma semaphore(%arg15 : memref<!tpu.dma_semaphore, #tpu.memory_space<semaphore_mem>>) src(%dma_wait3A_502 : memref<102400x2x128xf32, #tpu.memory_space<hbm>>) dst(%dma_wait3A_495 : memref<128x2x128xf32, #tpu.memory_space<vmem>>)
    %dma_wait3A_503 = arith.constant 7 : i32
    %dma_wait3A_504 = arith.constant 128 : i32
    %dma_wait3A_505 = arith.constant 0 : i32
    %dma_wait3A_506 = arith.constant 0 : i32
    %dma_wait3A_507 = tpu.memref_slice %arg11[%dma_wait3A_504, %dma_wait3A_505, %dma_wait3A_506] : memref<200x2x128xf32, #tpu.memory_space<vmem>> -> memref<72x2x128xf32, #tpu.memory_space<vmem>>
    %dma_wait3A_508 = arith.constant 0 : i32
    %dma_wait3A_509 = tpu.memref_slice %arg8[%dma_wait3A_503, %dma_wait3A_508] : memref<16x72xi32, #tpu.memory_space<vmem>> -> memref<1x72xi32, #tpu.memory_space<vmem>>
    %dma_wait3A_510 = tpu.memref_squeeze %dma_wait3A_509 : memref<1x72xi32, #tpu.memory_space<vmem>> -> memref<72xi32, #tpu.memory_space<vmem>>
    %dma_wait3A_511 = arith.constant 0 : i32
    %dma_wait3A_512 = arith.constant 0 : i32
    %dma_wait3A_513 = arith.constant 0 : i32
    %dma_wait3A_514 = tpu.memref_slice %arg2[%dma_wait3A_511, %dma_wait3A_512, %dma_wait3A_513] : memref<102400x2x128xf32, #tpu.memory_space<hbm>> -> memref<102400x2x128xf32, #tpu.memory_space<hbm>>
    tpu.wait_indirect_dma semaphore(%arg15 : memref<!tpu.dma_semaphore, #tpu.memory_space<semaphore_mem>>) src(%dma_wait3A_514 : memref<102400x2x128xf32, #tpu.memory_space<hbm>>) dst(%dma_wait3A_507 : memref<72x2x128xf32, #tpu.memory_space<vmem>>)
    %mul3A_515 = arith.constant 32 : i32
    %mul3A_516 = arith.muli %add3A, %mul3A_515 : i32
    %add3A_517 = arith.constant 14 : i32
    %add3A_518 = arith.addi %mul3A_516, %add3A_517 : i32
    %mul3A_519 = arith.constant 100 : i32
    %mul3A_520 = arith.muli %add3A_518, %mul3A_519 : i32
    %dma_start3A_521 = arith.constant 0 : i32
    %dma_start3A_522 = arith.constant 0 : i32
    %dma_start3A_523 = tpu.memref_slice %arg6[%mul3A_520, %dma_start3A_521, %dma_start3A_522] : memref<102400x2x128xf32, #tpu.memory_space<hbm>> -> memref<200x2x128xf32, #tpu.memory_space<hbm>>
    %dma_start3A_524 = arith.constant 0 : i32
    %dma_start3A_525 = arith.constant 0 : i32
    %dma_start3A_526 = tpu.memref_slice %arg6[%mul3A_520, %dma_start3A_524, %dma_start3A_525] : memref<102400x2x128xf32, #tpu.memory_space<hbm>> -> memref<200x2x128xf32, #tpu.memory_space<hbm>>
    tpu.enqueue_dma source(%arg11 : memref<200x2x128xf32, #tpu.memory_space<vmem>>) target(%dma_start3A_526 : memref<200x2x128xf32, #tpu.memory_space<hbm>>) target_semaphore(%arg17 : memref<!tpu.dma_semaphore, #tpu.memory_space<semaphore_mem>>)
    tpu.wait_dma2 semaphore(%arg12 : memref<!tpu.dma_semaphore, #tpu.memory_space<semaphore_mem>>) src(%arg9 : memref<200x2x128xf32, #tpu.memory_space<vmem_shared>>) dst(%arg10 : memref<200x2x128xf32, #tpu.memory_space<vmem>>)
    %dma_start3A_527 = arith.constant 8 : i32
    %dma_start3A_528 = arith.constant 0 : i32
    %dma_start3A_529 = arith.constant 0 : i32
    %dma_start3A_530 = arith.constant 0 : i32
    %dma_start3A_531 = tpu.memref_slice %arg10[%dma_start3A_528, %dma_start3A_529, %dma_start3A_530] : memref<200x2x128xf32, #tpu.memory_space<vmem>> -> memref<128x2x128xf32, #tpu.memory_space<vmem>>
    %dma_start3A_532 = arith.constant 0 : i32
    %dma_start3A_533 = tpu.memref_slice %arg7[%dma_start3A_527, %dma_start3A_532] : memref<16x128xi32, #tpu.memory_space<vmem>> -> memref<1x128xi32, #tpu.memory_space<vmem>>
    %dma_start3A_534 = tpu.memref_squeeze %dma_start3A_533 : memref<1x128xi32, #tpu.memory_space<vmem>> -> memref<128xi32, #tpu.memory_space<vmem>>
    %dma_start3A_535 = arith.constant 0 : i32
    %dma_start3A_536 = arith.constant 0 : i32
    %dma_start3A_537 = arith.constant 0 : i32
    %dma_start3A_538 = tpu.memref_slice %arg2[%dma_start3A_535, %dma_start3A_536, %dma_start3A_537] : memref<102400x2x128xf32, #tpu.memory_space<hbm>> -> memref<102400x2x128xf32, #tpu.memory_space<hbm>>
    tpu.enqueue_indirect_dma source(%dma_start3A_538 : memref<102400x2x128xf32, #tpu.memory_space<hbm>>) target(%dma_start3A_531 : memref<128x2x128xf32, #tpu.memory_space<vmem>>) offsets(%dma_start3A_534 : memref<128xi32, #tpu.memory_space<vmem>>) semaphore(%arg14 : memref<!tpu.dma_semaphore, #tpu.memory_space<semaphore_mem>>) {add = true}
    %dma_start3A_539 = arith.constant 8 : i32
    %dma_start3A_540 = arith.constant 128 : i32
    %dma_start3A_541 = arith.constant 0 : i32
    %dma_start3A_542 = arith.constant 0 : i32
    %dma_start3A_543 = tpu.memref_slice %arg10[%dma_start3A_540, %dma_start3A_541, %dma_start3A_542] : memref<200x2x128xf32, #tpu.memory_space<vmem>> -> memref<72x2x128xf32, #tpu.memory_space<vmem>>
    %dma_start3A_544 = arith.constant 0 : i32
    %dma_start3A_545 = tpu.memref_slice %arg8[%dma_start3A_539, %dma_start3A_544] : memref<16x72xi32, #tpu.memory_space<vmem>> -> memref<1x72xi32, #tpu.memory_space<vmem>>
    %dma_start3A_546 = tpu.memref_squeeze %dma_start3A_545 : memref<1x72xi32, #tpu.memory_space<vmem>> -> memref<72xi32, #tpu.memory_space<vmem>>
    %dma_start3A_547 = arith.constant 0 : i32
    %dma_start3A_548 = arith.constant 0 : i32
    %dma_start3A_549 = arith.constant 0 : i32
    %dma_start3A_550 = tpu.memref_slice %arg2[%dma_start3A_547, %dma_start3A_548, %dma_start3A_549] : memref<102400x2x128xf32, #tpu.memory_space<hbm>> -> memref<102400x2x128xf32, #tpu.memory_space<hbm>>
    tpu.enqueue_indirect_dma source(%dma_start3A_550 : memref<102400x2x128xf32, #tpu.memory_space<hbm>>) target(%dma_start3A_543 : memref<72x2x128xf32, #tpu.memory_space<vmem>>) offsets(%dma_start3A_546 : memref<72xi32, #tpu.memory_space<vmem>>) semaphore(%arg14 : memref<!tpu.dma_semaphore, #tpu.memory_space<semaphore_mem>>) {add = true}
    %dma_wait3A_551 = arith.constant 0 : i32
    %dma_wait3A_552 = arith.constant 0 : i32
    %dma_wait3A_553 = tpu.memref_slice %arg6[%mul3A_520, %dma_wait3A_551, %dma_wait3A_552] : memref<102400x2x128xf32, #tpu.memory_space<hbm>> -> memref<200x2x128xf32, #tpu.memory_space<hbm>>
    %dma_wait3A_554 = arith.constant 0 : i32
    %dma_wait3A_555 = arith.constant 0 : i32
    %dma_wait3A_556 = tpu.memref_slice %arg6[%mul3A_520, %dma_wait3A_554, %dma_wait3A_555] : memref<102400x2x128xf32, #tpu.memory_space<hbm>> -> memref<200x2x128xf32, #tpu.memory_space<hbm>>
    tpu.wait_dma2 semaphore(%arg17 : memref<!tpu.dma_semaphore, #tpu.memory_space<semaphore_mem>>) src(%arg11 : memref<200x2x128xf32, #tpu.memory_space<vmem>>) dst(%dma_wait3A_556 : memref<200x2x128xf32, #tpu.memory_space<hbm>>)
    tpu.enqueue_dma source(%arg9 : memref<200x2x128xf32, #tpu.memory_space<vmem_shared>>) target(%arg11 : memref<200x2x128xf32, #tpu.memory_space<vmem>>) target_semaphore(%arg13 : memref<!tpu.dma_semaphore, #tpu.memory_space<semaphore_mem>>)
    %dma_wait3A_557 = arith.constant 8 : i32
    %dma_wait3A_558 = arith.constant 0 : i32
    %dma_wait3A_559 = arith.constant 0 : i32
    %dma_wait3A_560 = arith.constant 0 : i32
    %dma_wait3A_561 = tpu.memref_slice %arg10[%dma_wait3A_558, %dma_wait3A_559, %dma_wait3A_560] : memref<200x2x128xf32, #tpu.memory_space<vmem>> -> memref<128x2x128xf32, #tpu.memory_space<vmem>>
    %dma_wait3A_562 = arith.constant 0 : i32
    %dma_wait3A_563 = tpu.memref_slice %arg7[%dma_wait3A_557, %dma_wait3A_562] : memref<16x128xi32, #tpu.memory_space<vmem>> -> memref<1x128xi32, #tpu.memory_space<vmem>>
    %dma_wait3A_564 = tpu.memref_squeeze %dma_wait3A_563 : memref<1x128xi32, #tpu.memory_space<vmem>> -> memref<128xi32, #tpu.memory_space<vmem>>
    %dma_wait3A_565 = arith.constant 0 : i32
    %dma_wait3A_566 = arith.constant 0 : i32
    %dma_wait3A_567 = arith.constant 0 : i32
    %dma_wait3A_568 = tpu.memref_slice %arg2[%dma_wait3A_565, %dma_wait3A_566, %dma_wait3A_567] : memref<102400x2x128xf32, #tpu.memory_space<hbm>> -> memref<102400x2x128xf32, #tpu.memory_space<hbm>>
    tpu.wait_indirect_dma semaphore(%arg14 : memref<!tpu.dma_semaphore, #tpu.memory_space<semaphore_mem>>) src(%dma_wait3A_568 : memref<102400x2x128xf32, #tpu.memory_space<hbm>>) dst(%dma_wait3A_561 : memref<128x2x128xf32, #tpu.memory_space<vmem>>)
    %dma_wait3A_569 = arith.constant 8 : i32
    %dma_wait3A_570 = arith.constant 128 : i32
    %dma_wait3A_571 = arith.constant 0 : i32
    %dma_wait3A_572 = arith.constant 0 : i32
    %dma_wait3A_573 = tpu.memref_slice %arg10[%dma_wait3A_570, %dma_wait3A_571, %dma_wait3A_572] : memref<200x2x128xf32, #tpu.memory_space<vmem>> -> memref<72x2x128xf32, #tpu.memory_space<vmem>>
    %dma_wait3A_574 = arith.constant 0 : i32
    %dma_wait3A_575 = tpu.memref_slice %arg8[%dma_wait3A_569, %dma_wait3A_574] : memref<16x72xi32, #tpu.memory_space<vmem>> -> memref<1x72xi32, #tpu.memory_space<vmem>>
    %dma_wait3A_576 = tpu.memref_squeeze %dma_wait3A_575 : memref<1x72xi32, #tpu.memory_space<vmem>> -> memref<72xi32, #tpu.memory_space<vmem>>
    %dma_wait3A_577 = arith.constant 0 : i32
    %dma_wait3A_578 = arith.constant 0 : i32
    %dma_wait3A_579 = arith.constant 0 : i32
    %dma_wait3A_580 = tpu.memref_slice %arg2[%dma_wait3A_577, %dma_wait3A_578, %dma_wait3A_579] : memref<102400x2x128xf32, #tpu.memory_space<hbm>> -> memref<102400x2x128xf32, #tpu.memory_space<hbm>>
    tpu.wait_indirect_dma semaphore(%arg14 : memref<!tpu.dma_semaphore, #tpu.memory_space<semaphore_mem>>) src(%dma_wait3A_580 : memref<102400x2x128xf32, #tpu.memory_space<hbm>>) dst(%dma_wait3A_573 : memref<72x2x128xf32, #tpu.memory_space<vmem>>)
    %mul3A_581 = arith.constant 32 : i32
    %mul3A_582 = arith.muli %add3A, %mul3A_581 : i32
    %add3A_583 = arith.constant 16 : i32
    %add3A_584 = arith.addi %mul3A_582, %add3A_583 : i32
    %mul3A_585 = arith.constant 100 : i32
    %mul3A_586 = arith.muli %add3A_584, %mul3A_585 : i32
    %dma_start3A_587 = arith.constant 0 : i32
    %dma_start3A_588 = arith.constant 0 : i32
    %dma_start3A_589 = tpu.memref_slice %arg6[%mul3A_586, %dma_start3A_587, %dma_start3A_588] : memref<102400x2x128xf32, #tpu.memory_space<hbm>> -> memref<200x2x128xf32, #tpu.memory_space<hbm>>
    %dma_start3A_590 = arith.constant 0 : i32
    %dma_start3A_591 = arith.constant 0 : i32
    %dma_start3A_592 = tpu.memref_slice %arg6[%mul3A_586, %dma_start3A_590, %dma_start3A_591] : memref<102400x2x128xf32, #tpu.memory_space<hbm>> -> memref<200x2x128xf32, #tpu.memory_space<hbm>>
    tpu.enqueue_dma source(%arg10 : memref<200x2x128xf32, #tpu.memory_space<vmem>>) target(%dma_start3A_592 : memref<200x2x128xf32, #tpu.memory_space<hbm>>) target_semaphore(%arg16 : memref<!tpu.dma_semaphore, #tpu.memory_space<semaphore_mem>>)
    tpu.wait_dma2 semaphore(%arg13 : memref<!tpu.dma_semaphore, #tpu.memory_space<semaphore_mem>>) src(%arg9 : memref<200x2x128xf32, #tpu.memory_space<vmem_shared>>) dst(%arg11 : memref<200x2x128xf32, #tpu.memory_space<vmem>>)
    %dma_start3A_593 = arith.constant 9 : i32
    %dma_start3A_594 = arith.constant 0 : i32
    %dma_start3A_595 = arith.constant 0 : i32
    %dma_start3A_596 = arith.constant 0 : i32
    %dma_start3A_597 = tpu.memref_slice %arg11[%dma_start3A_594, %dma_start3A_595, %dma_start3A_596] : memref<200x2x128xf32, #tpu.memory_space<vmem>> -> memref<128x2x128xf32, #tpu.memory_space<vmem>>
    %dma_start3A_598 = arith.constant 0 : i32
    %dma_start3A_599 = tpu.memref_slice %arg7[%dma_start3A_593, %dma_start3A_598] : memref<16x128xi32, #tpu.memory_space<vmem>> -> memref<1x128xi32, #tpu.memory_space<vmem>>
    %dma_start3A_600 = tpu.memref_squeeze %dma_start3A_599 : memref<1x128xi32, #tpu.memory_space<vmem>> -> memref<128xi32, #tpu.memory_space<vmem>>
    %dma_start3A_601 = arith.constant 0 : i32
    %dma_start3A_602 = arith.constant 0 : i32
    %dma_start3A_603 = arith.constant 0 : i32
    %dma_start3A_604 = tpu.memref_slice %arg2[%dma_start3A_601, %dma_start3A_602, %dma_start3A_603] : memref<102400x2x128xf32, #tpu.memory_space<hbm>> -> memref<102400x2x128xf32, #tpu.memory_space<hbm>>
    tpu.enqueue_indirect_dma source(%dma_start3A_604 : memref<102400x2x128xf32, #tpu.memory_space<hbm>>) target(%dma_start3A_597 : memref<128x2x128xf32, #tpu.memory_space<vmem>>) offsets(%dma_start3A_600 : memref<128xi32, #tpu.memory_space<vmem>>) semaphore(%arg15 : memref<!tpu.dma_semaphore, #tpu.memory_space<semaphore_mem>>) {add = true}
    %dma_start3A_605 = arith.constant 9 : i32
    %dma_start3A_606 = arith.constant 128 : i32
    %dma_start3A_607 = arith.constant 0 : i32
    %dma_start3A_608 = arith.constant 0 : i32
    %dma_start3A_609 = tpu.memref_slice %arg11[%dma_start3A_606, %dma_start3A_607, %dma_start3A_608] : memref<200x2x128xf32, #tpu.memory_space<vmem>> -> memref<72x2x128xf32, #tpu.memory_space<vmem>>
    %dma_start3A_610 = arith.constant 0 : i32
    %dma_start3A_611 = tpu.memref_slice %arg8[%dma_start3A_605, %dma_start3A_610] : memref<16x72xi32, #tpu.memory_space<vmem>> -> memref<1x72xi32, #tpu.memory_space<vmem>>
    %dma_start3A_612 = tpu.memref_squeeze %dma_start3A_611 : memref<1x72xi32, #tpu.memory_space<vmem>> -> memref<72xi32, #tpu.memory_space<vmem>>
    %dma_start3A_613 = arith.constant 0 : i32
    %dma_start3A_614 = arith.constant 0 : i32
    %dma_start3A_615 = arith.constant 0 : i32
    %dma_start3A_616 = tpu.memref_slice %arg2[%dma_start3A_613, %dma_start3A_614, %dma_start3A_615] : memref<102400x2x128xf32, #tpu.memory_space<hbm>> -> memref<102400x2x128xf32, #tpu.memory_space<hbm>>
    tpu.enqueue_indirect_dma source(%dma_start3A_616 : memref<102400x2x128xf32, #tpu.memory_space<hbm>>) target(%dma_start3A_609 : memref<72x2x128xf32, #tpu.memory_space<vmem>>) offsets(%dma_start3A_612 : memref<72xi32, #tpu.memory_space<vmem>>) semaphore(%arg15 : memref<!tpu.dma_semaphore, #tpu.memory_space<semaphore_mem>>) {add = true}
    %dma_wait3A_617 = arith.constant 0 : i32
    %dma_wait3A_618 = arith.constant 0 : i32
    %dma_wait3A_619 = tpu.memref_slice %arg6[%mul3A_586, %dma_wait3A_617, %dma_wait3A_618] : memref<102400x2x128xf32, #tpu.memory_space<hbm>> -> memref<200x2x128xf32, #tpu.memory_space<hbm>>
    %dma_wait3A_620 = arith.constant 0 : i32
    %dma_wait3A_621 = arith.constant 0 : i32
    %dma_wait3A_622 = tpu.memref_slice %arg6[%mul3A_586, %dma_wait3A_620, %dma_wait3A_621] : memref<102400x2x128xf32, #tpu.memory_space<hbm>> -> memref<200x2x128xf32, #tpu.memory_space<hbm>>
    tpu.wait_dma2 semaphore(%arg16 : memref<!tpu.dma_semaphore, #tpu.memory_space<semaphore_mem>>) src(%arg10 : memref<200x2x128xf32, #tpu.memory_space<vmem>>) dst(%dma_wait3A_622 : memref<200x2x128xf32, #tpu.memory_space<hbm>>)
    tpu.enqueue_dma source(%arg9 : memref<200x2x128xf32, #tpu.memory_space<vmem_shared>>) target(%arg10 : memref<200x2x128xf32, #tpu.memory_space<vmem>>) target_semaphore(%arg12 : memref<!tpu.dma_semaphore, #tpu.memory_space<semaphore_mem>>)
    %dma_wait3A_623 = arith.constant 9 : i32
    %dma_wait3A_624 = arith.constant 0 : i32
    %dma_wait3A_625 = arith.constant 0 : i32
    %dma_wait3A_626 = arith.constant 0 : i32
    %dma_wait3A_627 = tpu.memref_slice %arg11[%dma_wait3A_624, %dma_wait3A_625, %dma_wait3A_626] : memref<200x2x128xf32, #tpu.memory_space<vmem>> -> memref<128x2x128xf32, #tpu.memory_space<vmem>>
    %dma_wait3A_628 = arith.constant 0 : i32
    %dma_wait3A_629 = tpu.memref_slice %arg7[%dma_wait3A_623, %dma_wait3A_628] : memref<16x128xi32, #tpu.memory_space<vmem>> -> memref<1x128xi32, #tpu.memory_space<vmem>>
    %dma_wait3A_630 = tpu.memref_squeeze %dma_wait3A_629 : memref<1x128xi32, #tpu.memory_space<vmem>> -> memref<128xi32, #tpu.memory_space<vmem>>
    %dma_wait3A_631 = arith.constant 0 : i32
    %dma_wait3A_632 = arith.constant 0 : i32
    %dma_wait3A_633 = arith.constant 0 : i32
    %dma_wait3A_634 = tpu.memref_slice %arg2[%dma_wait3A_631, %dma_wait3A_632, %dma_wait3A_633] : memref<102400x2x128xf32, #tpu.memory_space<hbm>> -> memref<102400x2x128xf32, #tpu.memory_space<hbm>>
    tpu.wait_indirect_dma semaphore(%arg15 : memref<!tpu.dma_semaphore, #tpu.memory_space<semaphore_mem>>) src(%dma_wait3A_634 : memref<102400x2x128xf32, #tpu.memory_space<hbm>>) dst(%dma_wait3A_627 : memref<128x2x128xf32, #tpu.memory_space<vmem>>)
    %dma_wait3A_635 = arith.constant 9 : i32
    %dma_wait3A_636 = arith.constant 128 : i32
    %dma_wait3A_637 = arith.constant 0 : i32
    %dma_wait3A_638 = arith.constant 0 : i32
    %dma_wait3A_639 = tpu.memref_slice %arg11[%dma_wait3A_636, %dma_wait3A_637, %dma_wait3A_638] : memref<200x2x128xf32, #tpu.memory_space<vmem>> -> memref<72x2x128xf32, #tpu.memory_space<vmem>>
    %dma_wait3A_640 = arith.constant 0 : i32
    %dma_wait3A_641 = tpu.memref_slice %arg8[%dma_wait3A_635, %dma_wait3A_640] : memref<16x72xi32, #tpu.memory_space<vmem>> -> memref<1x72xi32, #tpu.memory_space<vmem>>
    %dma_wait3A_642 = tpu.memref_squeeze %dma_wait3A_641 : memref<1x72xi32, #tpu.memory_space<vmem>> -> memref<72xi32, #tpu.memory_space<vmem>>
    %dma_wait3A_643 = arith.constant 0 : i32
    %dma_wait3A_644 = arith.constant 0 : i32
    %dma_wait3A_645 = arith.constant 0 : i32
    %dma_wait3A_646 = tpu.memref_slice %arg2[%dma_wait3A_643, %dma_wait3A_644, %dma_wait3A_645] : memref<102400x2x128xf32, #tpu.memory_space<hbm>> -> memref<102400x2x128xf32, #tpu.memory_space<hbm>>
    tpu.wait_indirect_dma semaphore(%arg15 : memref<!tpu.dma_semaphore, #tpu.memory_space<semaphore_mem>>) src(%dma_wait3A_646 : memref<102400x2x128xf32, #tpu.memory_space<hbm>>) dst(%dma_wait3A_639 : memref<72x2x128xf32, #tpu.memory_space<vmem>>)
    %mul3A_647 = arith.constant 32 : i32
    %mul3A_648 = arith.muli %add3A, %mul3A_647 : i32
    %add3A_649 = arith.constant 18 : i32
    %add3A_650 = arith.addi %mul3A_648, %add3A_649 : i32
    %mul3A_651 = arith.constant 100 : i32
    %mul3A_652 = arith.muli %add3A_650, %mul3A_651 : i32
    %dma_start3A_653 = arith.constant 0 : i32
    %dma_start3A_654 = arith.constant 0 : i32
    %dma_start3A_655 = tpu.memref_slice %arg6[%mul3A_652, %dma_start3A_653, %dma_start3A_654] : memref<102400x2x128xf32, #tpu.memory_space<hbm>> -> memref<200x2x128xf32, #tpu.memory_space<hbm>>
    %dma_start3A_656 = arith.constant 0 : i32
    %dma_start3A_657 = arith.constant 0 : i32
    %dma_start3A_658 = tpu.memref_slice %arg6[%mul3A_652, %dma_start3A_656, %dma_start3A_657] : memref<102400x2x128xf32, #tpu.memory_space<hbm>> -> memref<200x2x128xf32, #tpu.memory_space<hbm>>
    tpu.enqueue_dma source(%arg11 : memref<200x2x128xf32, #tpu.memory_space<vmem>>) target(%dma_start3A_658 : memref<200x2x128xf32, #tpu.memory_space<hbm>>) target_semaphore(%arg17 : memref<!tpu.dma_semaphore, #tpu.memory_space<semaphore_mem>>)
    tpu.wait_dma2 semaphore(%arg12 : memref<!tpu.dma_semaphore, #tpu.memory_space<semaphore_mem>>) src(%arg9 : memref<200x2x128xf32, #tpu.memory_space<vmem_shared>>) dst(%arg10 : memref<200x2x128xf32, #tpu.memory_space<vmem>>)
    %dma_start3A_659 = arith.constant 10 : i32
    %dma_start3A_660 = arith.constant 0 : i32
    %dma_start3A_661 = arith.constant 0 : i32
    %dma_start3A_662 = arith.constant 0 : i32
    %dma_start3A_663 = tpu.memref_slice %arg10[%dma_start3A_660, %dma_start3A_661, %dma_start3A_662] : memref<200x2x128xf32, #tpu.memory_space<vmem>> -> memref<128x2x128xf32, #tpu.memory_space<vmem>>
    %dma_start3A_664 = arith.constant 0 : i32
    %dma_start3A_665 = tpu.memref_slice %arg7[%dma_start3A_659, %dma_start3A_664] : memref<16x128xi32, #tpu.memory_space<vmem>> -> memref<1x128xi32, #tpu.memory_space<vmem>>
    %dma_start3A_666 = tpu.memref_squeeze %dma_start3A_665 : memref<1x128xi32, #tpu.memory_space<vmem>> -> memref<128xi32, #tpu.memory_space<vmem>>
    %dma_start3A_667 = arith.constant 0 : i32
    %dma_start3A_668 = arith.constant 0 : i32
    %dma_start3A_669 = arith.constant 0 : i32
    %dma_start3A_670 = tpu.memref_slice %arg2[%dma_start3A_667, %dma_start3A_668, %dma_start3A_669] : memref<102400x2x128xf32, #tpu.memory_space<hbm>> -> memref<102400x2x128xf32, #tpu.memory_space<hbm>>
    tpu.enqueue_indirect_dma source(%dma_start3A_670 : memref<102400x2x128xf32, #tpu.memory_space<hbm>>) target(%dma_start3A_663 : memref<128x2x128xf32, #tpu.memory_space<vmem>>) offsets(%dma_start3A_666 : memref<128xi32, #tpu.memory_space<vmem>>) semaphore(%arg14 : memref<!tpu.dma_semaphore, #tpu.memory_space<semaphore_mem>>) {add = true}
    %dma_start3A_671 = arith.constant 10 : i32
    %dma_start3A_672 = arith.constant 128 : i32
    %dma_start3A_673 = arith.constant 0 : i32
    %dma_start3A_674 = arith.constant 0 : i32
    %dma_start3A_675 = tpu.memref_slice %arg10[%dma_start3A_672, %dma_start3A_673, %dma_start3A_674] : memref<200x2x128xf32, #tpu.memory_space<vmem>> -> memref<72x2x128xf32, #tpu.memory_space<vmem>>
    %dma_start3A_676 = arith.constant 0 : i32
    %dma_start3A_677 = tpu.memref_slice %arg8[%dma_start3A_671, %dma_start3A_676] : memref<16x72xi32, #tpu.memory_space<vmem>> -> memref<1x72xi32, #tpu.memory_space<vmem>>
    %dma_start3A_678 = tpu.memref_squeeze %dma_start3A_677 : memref<1x72xi32, #tpu.memory_space<vmem>> -> memref<72xi32, #tpu.memory_space<vmem>>
    %dma_start3A_679 = arith.constant 0 : i32
    %dma_start3A_680 = arith.constant 0 : i32
    %dma_start3A_681 = arith.constant 0 : i32
    %dma_start3A_682 = tpu.memref_slice %arg2[%dma_start3A_679, %dma_start3A_680, %dma_start3A_681] : memref<102400x2x128xf32, #tpu.memory_space<hbm>> -> memref<102400x2x128xf32, #tpu.memory_space<hbm>>
    tpu.enqueue_indirect_dma source(%dma_start3A_682 : memref<102400x2x128xf32, #tpu.memory_space<hbm>>) target(%dma_start3A_675 : memref<72x2x128xf32, #tpu.memory_space<vmem>>) offsets(%dma_start3A_678 : memref<72xi32, #tpu.memory_space<vmem>>) semaphore(%arg14 : memref<!tpu.dma_semaphore, #tpu.memory_space<semaphore_mem>>) {add = true}
    %dma_wait3A_683 = arith.constant 0 : i32
    %dma_wait3A_684 = arith.constant 0 : i32
    %dma_wait3A_685 = tpu.memref_slice %arg6[%mul3A_652, %dma_wait3A_683, %dma_wait3A_684] : memref<102400x2x128xf32, #tpu.memory_space<hbm>> -> memref<200x2x128xf32, #tpu.memory_space<hbm>>
    %dma_wait3A_686 = arith.constant 0 : i32
    %dma_wait3A_687 = arith.constant 0 : i32
    %dma_wait3A_688 = tpu.memref_slice %arg6[%mul3A_652, %dma_wait3A_686, %dma_wait3A_687] : memref<102400x2x128xf32, #tpu.memory_space<hbm>> -> memref<200x2x128xf32, #tpu.memory_space<hbm>>
    tpu.wait_dma2 semaphore(%arg17 : memref<!tpu.dma_semaphore, #tpu.memory_space<semaphore_mem>>) src(%arg11 : memref<200x2x128xf32, #tpu.memory_space<vmem>>) dst(%dma_wait3A_688 : memref<200x2x128xf32, #tpu.memory_space<hbm>>)
    tpu.enqueue_dma source(%arg9 : memref<200x2x128xf32, #tpu.memory_space<vmem_shared>>) target(%arg11 : memref<200x2x128xf32, #tpu.memory_space<vmem>>) target_semaphore(%arg13 : memref<!tpu.dma_semaphore, #tpu.memory_space<semaphore_mem>>)
    %dma_wait3A_689 = arith.constant 10 : i32
    %dma_wait3A_690 = arith.constant 0 : i32
    %dma_wait3A_691 = arith.constant 0 : i32
    %dma_wait3A_692 = arith.constant 0 : i32
    %dma_wait3A_693 = tpu.memref_slice %arg10[%dma_wait3A_690, %dma_wait3A_691, %dma_wait3A_692] : memref<200x2x128xf32, #tpu.memory_space<vmem>> -> memref<128x2x128xf32, #tpu.memory_space<vmem>>
    %dma_wait3A_694 = arith.constant 0 : i32
    %dma_wait3A_695 = tpu.memref_slice %arg7[%dma_wait3A_689, %dma_wait3A_694] : memref<16x128xi32, #tpu.memory_space<vmem>> -> memref<1x128xi32, #tpu.memory_space<vmem>>
    %dma_wait3A_696 = tpu.memref_squeeze %dma_wait3A_695 : memref<1x128xi32, #tpu.memory_space<vmem>> -> memref<128xi32, #tpu.memory_space<vmem>>
    %dma_wait3A_697 = arith.constant 0 : i32
    %dma_wait3A_698 = arith.constant 0 : i32
    %dma_wait3A_699 = arith.constant 0 : i32
    %dma_wait3A_700 = tpu.memref_slice %arg2[%dma_wait3A_697, %dma_wait3A_698, %dma_wait3A_699] : memref<102400x2x128xf32, #tpu.memory_space<hbm>> -> memref<102400x2x128xf32, #tpu.memory_space<hbm>>
    tpu.wait_indirect_dma semaphore(%arg14 : memref<!tpu.dma_semaphore, #tpu.memory_space<semaphore_mem>>) src(%dma_wait3A_700 : memref<102400x2x128xf32, #tpu.memory_space<hbm>>) dst(%dma_wait3A_693 : memref<128x2x128xf32, #tpu.memory_space<vmem>>)
    %dma_wait3A_701 = arith.constant 10 : i32
    %dma_wait3A_702 = arith.constant 128 : i32
    %dma_wait3A_703 = arith.constant 0 : i32
    %dma_wait3A_704 = arith.constant 0 : i32
    %dma_wait3A_705 = tpu.memref_slice %arg10[%dma_wait3A_702, %dma_wait3A_703, %dma_wait3A_704] : memref<200x2x128xf32, #tpu.memory_space<vmem>> -> memref<72x2x128xf32, #tpu.memory_space<vmem>>
    %dma_wait3A_706 = arith.constant 0 : i32
    %dma_wait3A_707 = tpu.memref_slice %arg8[%dma_wait3A_701, %dma_wait3A_706] : memref<16x72xi32, #tpu.memory_space<vmem>> -> memref<1x72xi32, #tpu.memory_space<vmem>>
    %dma_wait3A_708 = tpu.memref_squeeze %dma_wait3A_707 : memref<1x72xi32, #tpu.memory_space<vmem>> -> memref<72xi32, #tpu.memory_space<vmem>>
    %dma_wait3A_709 = arith.constant 0 : i32
    %dma_wait3A_710 = arith.constant 0 : i32
    %dma_wait3A_711 = arith.constant 0 : i32
    %dma_wait3A_712 = tpu.memref_slice %arg2[%dma_wait3A_709, %dma_wait3A_710, %dma_wait3A_711] : memref<102400x2x128xf32, #tpu.memory_space<hbm>> -> memref<102400x2x128xf32, #tpu.memory_space<hbm>>
    tpu.wait_indirect_dma semaphore(%arg14 : memref<!tpu.dma_semaphore, #tpu.memory_space<semaphore_mem>>) src(%dma_wait3A_712 : memref<102400x2x128xf32, #tpu.memory_space<hbm>>) dst(%dma_wait3A_705 : memref<72x2x128xf32, #tpu.memory_space<vmem>>)
    %mul3A_713 = arith.constant 32 : i32
    %mul3A_714 = arith.muli %add3A, %mul3A_713 : i32
    %add3A_715 = arith.constant 20 : i32
    %add3A_716 = arith.addi %mul3A_714, %add3A_715 : i32
    %mul3A_717 = arith.constant 100 : i32
    %mul3A_718 = arith.muli %add3A_716, %mul3A_717 : i32
    %dma_start3A_719 = arith.constant 0 : i32
    %dma_start3A_720 = arith.constant 0 : i32
    %dma_start3A_721 = tpu.memref_slice %arg6[%mul3A_718, %dma_start3A_719, %dma_start3A_720] : memref<102400x2x128xf32, #tpu.memory_space<hbm>> -> memref<200x2x128xf32, #tpu.memory_space<hbm>>
    %dma_start3A_722 = arith.constant 0 : i32
    %dma_start3A_723 = arith.constant 0 : i32
    %dma_start3A_724 = tpu.memref_slice %arg6[%mul3A_718, %dma_start3A_722, %dma_start3A_723] : memref<102400x2x128xf32, #tpu.memory_space<hbm>> -> memref<200x2x128xf32, #tpu.memory_space<hbm>>
    tpu.enqueue_dma source(%arg10 : memref<200x2x128xf32, #tpu.memory_space<vmem>>) target(%dma_start3A_724 : memref<200x2x128xf32, #tpu.memory_space<hbm>>) target_semaphore(%arg16 : memref<!tpu.dma_semaphore, #tpu.memory_space<semaphore_mem>>)
    tpu.wait_dma2 semaphore(%arg13 : memref<!tpu.dma_semaphore, #tpu.memory_space<semaphore_mem>>) src(%arg9 : memref<200x2x128xf32, #tpu.memory_space<vmem_shared>>) dst(%arg11 : memref<200x2x128xf32, #tpu.memory_space<vmem>>)
    %dma_start3A_725 = arith.constant 11 : i32
    %dma_start3A_726 = arith.constant 0 : i32
    %dma_start3A_727 = arith.constant 0 : i32
    %dma_start3A_728 = arith.constant 0 : i32
    %dma_start3A_729 = tpu.memref_slice %arg11[%dma_start3A_726, %dma_start3A_727, %dma_start3A_728] : memref<200x2x128xf32, #tpu.memory_space<vmem>> -> memref<128x2x128xf32, #tpu.memory_space<vmem>>
    %dma_start3A_730 = arith.constant 0 : i32
    %dma_start3A_731 = tpu.memref_slice %arg7[%dma_start3A_725, %dma_start3A_730] : memref<16x128xi32, #tpu.memory_space<vmem>> -> memref<1x128xi32, #tpu.memory_space<vmem>>
    %dma_start3A_732 = tpu.memref_squeeze %dma_start3A_731 : memref<1x128xi32, #tpu.memory_space<vmem>> -> memref<128xi32, #tpu.memory_space<vmem>>
    %dma_start3A_733 = arith.constant 0 : i32
    %dma_start3A_734 = arith.constant 0 : i32
    %dma_start3A_735 = arith.constant 0 : i32
    %dma_start3A_736 = tpu.memref_slice %arg2[%dma_start3A_733, %dma_start3A_734, %dma_start3A_735] : memref<102400x2x128xf32, #tpu.memory_space<hbm>> -> memref<102400x2x128xf32, #tpu.memory_space<hbm>>
    tpu.enqueue_indirect_dma source(%dma_start3A_736 : memref<102400x2x128xf32, #tpu.memory_space<hbm>>) target(%dma_start3A_729 : memref<128x2x128xf32, #tpu.memory_space<vmem>>) offsets(%dma_start3A_732 : memref<128xi32, #tpu.memory_space<vmem>>) semaphore(%arg15 : memref<!tpu.dma_semaphore, #tpu.memory_space<semaphore_mem>>) {add = true}
    %dma_start3A_737 = arith.constant 11 : i32
    %dma_start3A_738 = arith.constant 128 : i32
    %dma_start3A_739 = arith.constant 0 : i32
    %dma_start3A_740 = arith.constant 0 : i32
    %dma_start3A_741 = tpu.memref_slice %arg11[%dma_start3A_738, %dma_start3A_739, %dma_start3A_740] : memref<200x2x128xf32, #tpu.memory_space<vmem>> -> memref<72x2x128xf32, #tpu.memory_space<vmem>>
    %dma_start3A_742 = arith.constant 0 : i32
    %dma_start3A_743 = tpu.memref_slice %arg8[%dma_start3A_737, %dma_start3A_742] : memref<16x72xi32, #tpu.memory_space<vmem>> -> memref<1x72xi32, #tpu.memory_space<vmem>>
    %dma_start3A_744 = tpu.memref_squeeze %dma_start3A_743 : memref<1x72xi32, #tpu.memory_space<vmem>> -> memref<72xi32, #tpu.memory_space<vmem>>
    %dma_start3A_745 = arith.constant 0 : i32
    %dma_start3A_746 = arith.constant 0 : i32
    %dma_start3A_747 = arith.constant 0 : i32
    %dma_start3A_748 = tpu.memref_slice %arg2[%dma_start3A_745, %dma_start3A_746, %dma_start3A_747] : memref<102400x2x128xf32, #tpu.memory_space<hbm>> -> memref<102400x2x128xf32, #tpu.memory_space<hbm>>
    tpu.enqueue_indirect_dma source(%dma_start3A_748 : memref<102400x2x128xf32, #tpu.memory_space<hbm>>) target(%dma_start3A_741 : memref<72x2x128xf32, #tpu.memory_space<vmem>>) offsets(%dma_start3A_744 : memref<72xi32, #tpu.memory_space<vmem>>) semaphore(%arg15 : memref<!tpu.dma_semaphore, #tpu.memory_space<semaphore_mem>>) {add = true}
    %dma_wait3A_749 = arith.constant 0 : i32
    %dma_wait3A_750 = arith.constant 0 : i32
    %dma_wait3A_751 = tpu.memref_slice %arg6[%mul3A_718, %dma_wait3A_749, %dma_wait3A_750] : memref<102400x2x128xf32, #tpu.memory_space<hbm>> -> memref<200x2x128xf32, #tpu.memory_space<hbm>>
    %dma_wait3A_752 = arith.constant 0 : i32
    %dma_wait3A_753 = arith.constant 0 : i32
    %dma_wait3A_754 = tpu.memref_slice %arg6[%mul3A_718, %dma_wait3A_752, %dma_wait3A_753] : memref<102400x2x128xf32, #tpu.memory_space<hbm>> -> memref<200x2x128xf32, #tpu.memory_space<hbm>>
    tpu.wait_dma2 semaphore(%arg16 : memref<!tpu.dma_semaphore, #tpu.memory_space<semaphore_mem>>) src(%arg10 : memref<200x2x128xf32, #tpu.memory_space<vmem>>) dst(%dma_wait3A_754 : memref<200x2x128xf32, #tpu.memory_space<hbm>>)
    tpu.enqueue_dma source(%arg9 : memref<200x2x128xf32, #tpu.memory_space<vmem_shared>>) target(%arg10 : memref<200x2x128xf32, #tpu.memory_space<vmem>>) target_semaphore(%arg12 : memref<!tpu.dma_semaphore, #tpu.memory_space<semaphore_mem>>)
    %dma_wait3A_755 = arith.constant 11 : i32
    %dma_wait3A_756 = arith.constant 0 : i32
    %dma_wait3A_757 = arith.constant 0 : i32
    %dma_wait3A_758 = arith.constant 0 : i32
    %dma_wait3A_759 = tpu.memref_slice %arg11[%dma_wait3A_756, %dma_wait3A_757, %dma_wait3A_758] : memref<200x2x128xf32, #tpu.memory_space<vmem>> -> memref<128x2x128xf32, #tpu.memory_space<vmem>>
    %dma_wait3A_760 = arith.constant 0 : i32
    %dma_wait3A_761 = tpu.memref_slice %arg7[%dma_wait3A_755, %dma_wait3A_760] : memref<16x128xi32, #tpu.memory_space<vmem>> -> memref<1x128xi32, #tpu.memory_space<vmem>>
    %dma_wait3A_762 = tpu.memref_squeeze %dma_wait3A_761 : memref<1x128xi32, #tpu.memory_space<vmem>> -> memref<128xi32, #tpu.memory_space<vmem>>
    %dma_wait3A_763 = arith.constant 0 : i32
    %dma_wait3A_764 = arith.constant 0 : i32
    %dma_wait3A_765 = arith.constant 0 : i32
    %dma_wait3A_766 = tpu.memref_slice %arg2[%dma_wait3A_763, %dma_wait3A_764, %dma_wait3A_765] : memref<102400x2x128xf32, #tpu.memory_space<hbm>> -> memref<102400x2x128xf32, #tpu.memory_space<hbm>>
    tpu.wait_indirect_dma semaphore(%arg15 : memref<!tpu.dma_semaphore, #tpu.memory_space<semaphore_mem>>) src(%dma_wait3A_766 : memref<102400x2x128xf32, #tpu.memory_space<hbm>>) dst(%dma_wait3A_759 : memref<128x2x128xf32, #tpu.memory_space<vmem>>)
    %dma_wait3A_767 = arith.constant 11 : i32
    %dma_wait3A_768 = arith.constant 128 : i32
    %dma_wait3A_769 = arith.constant 0 : i32
    %dma_wait3A_770 = arith.constant 0 : i32
    %dma_wait3A_771 = tpu.memref_slice %arg11[%dma_wait3A_768, %dma_wait3A_769, %dma_wait3A_770] : memref<200x2x128xf32, #tpu.memory_space<vmem>> -> memref<72x2x128xf32, #tpu.memory_space<vmem>>
    %dma_wait3A_772 = arith.constant 0 : i32
    %dma_wait3A_773 = tpu.memref_slice %arg8[%dma_wait3A_767, %dma_wait3A_772] : memref<16x72xi32, #tpu.memory_space<vmem>> -> memref<1x72xi32, #tpu.memory_space<vmem>>
    %dma_wait3A_774 = tpu.memref_squeeze %dma_wait3A_773 : memref<1x72xi32, #tpu.memory_space<vmem>> -> memref<72xi32, #tpu.memory_space<vmem>>
    %dma_wait3A_775 = arith.constant 0 : i32
    %dma_wait3A_776 = arith.constant 0 : i32
    %dma_wait3A_777 = arith.constant 0 : i32
    %dma_wait3A_778 = tpu.memref_slice %arg2[%dma_wait3A_775, %dma_wait3A_776, %dma_wait3A_777] : memref<102400x2x128xf32, #tpu.memory_space<hbm>> -> memref<102400x2x128xf32, #tpu.memory_space<hbm>>
    tpu.wait_indirect_dma semaphore(%arg15 : memref<!tpu.dma_semaphore, #tpu.memory_space<semaphore_mem>>) src(%dma_wait3A_778 : memref<102400x2x128xf32, #tpu.memory_space<hbm>>) dst(%dma_wait3A_771 : memref<72x2x128xf32, #tpu.memory_space<vmem>>)
    %mul3A_779 = arith.constant 32 : i32
    %mul3A_780 = arith.muli %add3A, %mul3A_779 : i32
    %add3A_781 = arith.constant 22 : i32
    %add3A_782 = arith.addi %mul3A_780, %add3A_781 : i32
    %mul3A_783 = arith.constant 100 : i32
    %mul3A_784 = arith.muli %add3A_782, %mul3A_783 : i32
    %dma_start3A_785 = arith.constant 0 : i32
    %dma_start3A_786 = arith.constant 0 : i32
    %dma_start3A_787 = tpu.memref_slice %arg6[%mul3A_784, %dma_start3A_785, %dma_start3A_786] : memref<102400x2x128xf32, #tpu.memory_space<hbm>> -> memref<200x2x128xf32, #tpu.memory_space<hbm>>
    %dma_start3A_788 = arith.constant 0 : i32
    %dma_start3A_789 = arith.constant 0 : i32
    %dma_start3A_790 = tpu.memref_slice %arg6[%mul3A_784, %dma_start3A_788, %dma_start3A_789] : memref<102400x2x128xf32, #tpu.memory_space<hbm>> -> memref<200x2x128xf32, #tpu.memory_space<hbm>>
    tpu.enqueue_dma source(%arg11 : memref<200x2x128xf32, #tpu.memory_space<vmem>>) target(%dma_start3A_790 : memref<200x2x128xf32, #tpu.memory_space<hbm>>) target_semaphore(%arg17 : memref<!tpu.dma_semaphore, #tpu.memory_space<semaphore_mem>>)
    tpu.wait_dma2 semaphore(%arg12 : memref<!tpu.dma_semaphore, #tpu.memory_space<semaphore_mem>>) src(%arg9 : memref<200x2x128xf32, #tpu.memory_space<vmem_shared>>) dst(%arg10 : memref<200x2x128xf32, #tpu.memory_space<vmem>>)
    %dma_start3A_791 = arith.constant 12 : i32
    %dma_start3A_792 = arith.constant 0 : i32
    %dma_start3A_793 = arith.constant 0 : i32
    %dma_start3A_794 = arith.constant 0 : i32
    %dma_start3A_795 = tpu.memref_slice %arg10[%dma_start3A_792, %dma_start3A_793, %dma_start3A_794] : memref<200x2x128xf32, #tpu.memory_space<vmem>> -> memref<128x2x128xf32, #tpu.memory_space<vmem>>
    %dma_start3A_796 = arith.constant 0 : i32
    %dma_start3A_797 = tpu.memref_slice %arg7[%dma_start3A_791, %dma_start3A_796] : memref<16x128xi32, #tpu.memory_space<vmem>> -> memref<1x128xi32, #tpu.memory_space<vmem>>
    %dma_start3A_798 = tpu.memref_squeeze %dma_start3A_797 : memref<1x128xi32, #tpu.memory_space<vmem>> -> memref<128xi32, #tpu.memory_space<vmem>>
    %dma_start3A_799 = arith.constant 0 : i32
    %dma_start3A_800 = arith.constant 0 : i32
    %dma_start3A_801 = arith.constant 0 : i32
    %dma_start3A_802 = tpu.memref_slice %arg2[%dma_start3A_799, %dma_start3A_800, %dma_start3A_801] : memref<102400x2x128xf32, #tpu.memory_space<hbm>> -> memref<102400x2x128xf32, #tpu.memory_space<hbm>>
    tpu.enqueue_indirect_dma source(%dma_start3A_802 : memref<102400x2x128xf32, #tpu.memory_space<hbm>>) target(%dma_start3A_795 : memref<128x2x128xf32, #tpu.memory_space<vmem>>) offsets(%dma_start3A_798 : memref<128xi32, #tpu.memory_space<vmem>>) semaphore(%arg14 : memref<!tpu.dma_semaphore, #tpu.memory_space<semaphore_mem>>) {add = true}
    %dma_start3A_803 = arith.constant 12 : i32
    %dma_start3A_804 = arith.constant 128 : i32
    %dma_start3A_805 = arith.constant 0 : i32
    %dma_start3A_806 = arith.constant 0 : i32
    %dma_start3A_807 = tpu.memref_slice %arg10[%dma_start3A_804, %dma_start3A_805, %dma_start3A_806] : memref<200x2x128xf32, #tpu.memory_space<vmem>> -> memref<72x2x128xf32, #tpu.memory_space<vmem>>
    %dma_start3A_808 = arith.constant 0 : i32
    %dma_start3A_809 = tpu.memref_slice %arg8[%dma_start3A_803, %dma_start3A_808] : memref<16x72xi32, #tpu.memory_space<vmem>> -> memref<1x72xi32, #tpu.memory_space<vmem>>
    %dma_start3A_810 = tpu.memref_squeeze %dma_start3A_809 : memref<1x72xi32, #tpu.memory_space<vmem>> -> memref<72xi32, #tpu.memory_space<vmem>>
    %dma_start3A_811 = arith.constant 0 : i32
    %dma_start3A_812 = arith.constant 0 : i32
    %dma_start3A_813 = arith.constant 0 : i32
    %dma_start3A_814 = tpu.memref_slice %arg2[%dma_start3A_811, %dma_start3A_812, %dma_start3A_813] : memref<102400x2x128xf32, #tpu.memory_space<hbm>> -> memref<102400x2x128xf32, #tpu.memory_space<hbm>>
    tpu.enqueue_indirect_dma source(%dma_start3A_814 : memref<102400x2x128xf32, #tpu.memory_space<hbm>>) target(%dma_start3A_807 : memref<72x2x128xf32, #tpu.memory_space<vmem>>) offsets(%dma_start3A_810 : memref<72xi32, #tpu.memory_space<vmem>>) semaphore(%arg14 : memref<!tpu.dma_semaphore, #tpu.memory_space<semaphore_mem>>) {add = true}
    %dma_wait3A_815 = arith.constant 0 : i32
    %dma_wait3A_816 = arith.constant 0 : i32
    %dma_wait3A_817 = tpu.memref_slice %arg6[%mul3A_784, %dma_wait3A_815, %dma_wait3A_816] : memref<102400x2x128xf32, #tpu.memory_space<hbm>> -> memref<200x2x128xf32, #tpu.memory_space<hbm>>
    %dma_wait3A_818 = arith.constant 0 : i32
    %dma_wait3A_819 = arith.constant 0 : i32
    %dma_wait3A_820 = tpu.memref_slice %arg6[%mul3A_784, %dma_wait3A_818, %dma_wait3A_819] : memref<102400x2x128xf32, #tpu.memory_space<hbm>> -> memref<200x2x128xf32, #tpu.memory_space<hbm>>
    tpu.wait_dma2 semaphore(%arg17 : memref<!tpu.dma_semaphore, #tpu.memory_space<semaphore_mem>>) src(%arg11 : memref<200x2x128xf32, #tpu.memory_space<vmem>>) dst(%dma_wait3A_820 : memref<200x2x128xf32, #tpu.memory_space<hbm>>)
    tpu.enqueue_dma source(%arg9 : memref<200x2x128xf32, #tpu.memory_space<vmem_shared>>) target(%arg11 : memref<200x2x128xf32, #tpu.memory_space<vmem>>) target_semaphore(%arg13 : memref<!tpu.dma_semaphore, #tpu.memory_space<semaphore_mem>>)
    %dma_wait3A_821 = arith.constant 12 : i32
    %dma_wait3A_822 = arith.constant 0 : i32
    %dma_wait3A_823 = arith.constant 0 : i32
    %dma_wait3A_824 = arith.constant 0 : i32
    %dma_wait3A_825 = tpu.memref_slice %arg10[%dma_wait3A_822, %dma_wait3A_823, %dma_wait3A_824] : memref<200x2x128xf32, #tpu.memory_space<vmem>> -> memref<128x2x128xf32, #tpu.memory_space<vmem>>
    %dma_wait3A_826 = arith.constant 0 : i32
    %dma_wait3A_827 = tpu.memref_slice %arg7[%dma_wait3A_821, %dma_wait3A_826] : memref<16x128xi32, #tpu.memory_space<vmem>> -> memref<1x128xi32, #tpu.memory_space<vmem>>
    %dma_wait3A_828 = tpu.memref_squeeze %dma_wait3A_827 : memref<1x128xi32, #tpu.memory_space<vmem>> -> memref<128xi32, #tpu.memory_space<vmem>>
    %dma_wait3A_829 = arith.constant 0 : i32
    %dma_wait3A_830 = arith.constant 0 : i32
    %dma_wait3A_831 = arith.constant 0 : i32
    %dma_wait3A_832 = tpu.memref_slice %arg2[%dma_wait3A_829, %dma_wait3A_830, %dma_wait3A_831] : memref<102400x2x128xf32, #tpu.memory_space<hbm>> -> memref<102400x2x128xf32, #tpu.memory_space<hbm>>
    tpu.wait_indirect_dma semaphore(%arg14 : memref<!tpu.dma_semaphore, #tpu.memory_space<semaphore_mem>>) src(%dma_wait3A_832 : memref<102400x2x128xf32, #tpu.memory_space<hbm>>) dst(%dma_wait3A_825 : memref<128x2x128xf32, #tpu.memory_space<vmem>>)
    %dma_wait3A_833 = arith.constant 12 : i32
    %dma_wait3A_834 = arith.constant 128 : i32
    %dma_wait3A_835 = arith.constant 0 : i32
    %dma_wait3A_836 = arith.constant 0 : i32
    %dma_wait3A_837 = tpu.memref_slice %arg10[%dma_wait3A_834, %dma_wait3A_835, %dma_wait3A_836] : memref<200x2x128xf32, #tpu.memory_space<vmem>> -> memref<72x2x128xf32, #tpu.memory_space<vmem>>
    %dma_wait3A_838 = arith.constant 0 : i32
    %dma_wait3A_839 = tpu.memref_slice %arg8[%dma_wait3A_833, %dma_wait3A_838] : memref<16x72xi32, #tpu.memory_space<vmem>> -> memref<1x72xi32, #tpu.memory_space<vmem>>
    %dma_wait3A_840 = tpu.memref_squeeze %dma_wait3A_839 : memref<1x72xi32, #tpu.memory_space<vmem>> -> memref<72xi32, #tpu.memory_space<vmem>>
    %dma_wait3A_841 = arith.constant 0 : i32
    %dma_wait3A_842 = arith.constant 0 : i32
    %dma_wait3A_843 = arith.constant 0 : i32
    %dma_wait3A_844 = tpu.memref_slice %arg2[%dma_wait3A_841, %dma_wait3A_842, %dma_wait3A_843] : memref<102400x2x128xf32, #tpu.memory_space<hbm>> -> memref<102400x2x128xf32, #tpu.memory_space<hbm>>
    tpu.wait_indirect_dma semaphore(%arg14 : memref<!tpu.dma_semaphore, #tpu.memory_space<semaphore_mem>>) src(%dma_wait3A_844 : memref<102400x2x128xf32, #tpu.memory_space<hbm>>) dst(%dma_wait3A_837 : memref<72x2x128xf32, #tpu.memory_space<vmem>>)
    %mul3A_845 = arith.constant 32 : i32
    %mul3A_846 = arith.muli %add3A, %mul3A_845 : i32
    %add3A_847 = arith.constant 24 : i32
    %add3A_848 = arith.addi %mul3A_846, %add3A_847 : i32
    %mul3A_849 = arith.constant 100 : i32
    %mul3A_850 = arith.muli %add3A_848, %mul3A_849 : i32
    %dma_start3A_851 = arith.constant 0 : i32
    %dma_start3A_852 = arith.constant 0 : i32
    %dma_start3A_853 = tpu.memref_slice %arg6[%mul3A_850, %dma_start3A_851, %dma_start3A_852] : memref<102400x2x128xf32, #tpu.memory_space<hbm>> -> memref<200x2x128xf32, #tpu.memory_space<hbm>>
    %dma_start3A_854 = arith.constant 0 : i32
    %dma_start3A_855 = arith.constant 0 : i32
    %dma_start3A_856 = tpu.memref_slice %arg6[%mul3A_850, %dma_start3A_854, %dma_start3A_855] : memref<102400x2x128xf32, #tpu.memory_space<hbm>> -> memref<200x2x128xf32, #tpu.memory_space<hbm>>
    tpu.enqueue_dma source(%arg10 : memref<200x2x128xf32, #tpu.memory_space<vmem>>) target(%dma_start3A_856 : memref<200x2x128xf32, #tpu.memory_space<hbm>>) target_semaphore(%arg16 : memref<!tpu.dma_semaphore, #tpu.memory_space<semaphore_mem>>)
    tpu.wait_dma2 semaphore(%arg13 : memref<!tpu.dma_semaphore, #tpu.memory_space<semaphore_mem>>) src(%arg9 : memref<200x2x128xf32, #tpu.memory_space<vmem_shared>>) dst(%arg11 : memref<200x2x128xf32, #tpu.memory_space<vmem>>)
    %dma_start3A_857 = arith.constant 13 : i32
    %dma_start3A_858 = arith.constant 0 : i32
    %dma_start3A_859 = arith.constant 0 : i32
    %dma_start3A_860 = arith.constant 0 : i32
    %dma_start3A_861 = tpu.memref_slice %arg11[%dma_start3A_858, %dma_start3A_859, %dma_start3A_860] : memref<200x2x128xf32, #tpu.memory_space<vmem>> -> memref<128x2x128xf32, #tpu.memory_space<vmem>>
    %dma_start3A_862 = arith.constant 0 : i32
    %dma_start3A_863 = tpu.memref_slice %arg7[%dma_start3A_857, %dma_start3A_862] : memref<16x128xi32, #tpu.memory_space<vmem>> -> memref<1x128xi32, #tpu.memory_space<vmem>>
    %dma_start3A_864 = tpu.memref_squeeze %dma_start3A_863 : memref<1x128xi32, #tpu.memory_space<vmem>> -> memref<128xi32, #tpu.memory_space<vmem>>
    %dma_start3A_865 = arith.constant 0 : i32
    %dma_start3A_866 = arith.constant 0 : i32
    %dma_start3A_867 = arith.constant 0 : i32
    %dma_start3A_868 = tpu.memref_slice %arg2[%dma_start3A_865, %dma_start3A_866, %dma_start3A_867] : memref<102400x2x128xf32, #tpu.memory_space<hbm>> -> memref<102400x2x128xf32, #tpu.memory_space<hbm>>
    tpu.enqueue_indirect_dma source(%dma_start3A_868 : memref<102400x2x128xf32, #tpu.memory_space<hbm>>) target(%dma_start3A_861 : memref<128x2x128xf32, #tpu.memory_space<vmem>>) offsets(%dma_start3A_864 : memref<128xi32, #tpu.memory_space<vmem>>) semaphore(%arg15 : memref<!tpu.dma_semaphore, #tpu.memory_space<semaphore_mem>>) {add = true}
    %dma_start3A_869 = arith.constant 13 : i32
    %dma_start3A_870 = arith.constant 128 : i32
    %dma_start3A_871 = arith.constant 0 : i32
    %dma_start3A_872 = arith.constant 0 : i32
    %dma_start3A_873 = tpu.memref_slice %arg11[%dma_start3A_870, %dma_start3A_871, %dma_start3A_872] : memref<200x2x128xf32, #tpu.memory_space<vmem>> -> memref<72x2x128xf32, #tpu.memory_space<vmem>>
    %dma_start3A_874 = arith.constant 0 : i32
    %dma_start3A_875 = tpu.memref_slice %arg8[%dma_start3A_869, %dma_start3A_874] : memref<16x72xi32, #tpu.memory_space<vmem>> -> memref<1x72xi32, #tpu.memory_space<vmem>>
    %dma_start3A_876 = tpu.memref_squeeze %dma_start3A_875 : memref<1x72xi32, #tpu.memory_space<vmem>> -> memref<72xi32, #tpu.memory_space<vmem>>
    %dma_start3A_877 = arith.constant 0 : i32
    %dma_start3A_878 = arith.constant 0 : i32
    %dma_start3A_879 = arith.constant 0 : i32
    %dma_start3A_880 = tpu.memref_slice %arg2[%dma_start3A_877, %dma_start3A_878, %dma_start3A_879] : memref<102400x2x128xf32, #tpu.memory_space<hbm>> -> memref<102400x2x128xf32, #tpu.memory_space<hbm>>
    tpu.enqueue_indirect_dma source(%dma_start3A_880 : memref<102400x2x128xf32, #tpu.memory_space<hbm>>) target(%dma_start3A_873 : memref<72x2x128xf32, #tpu.memory_space<vmem>>) offsets(%dma_start3A_876 : memref<72xi32, #tpu.memory_space<vmem>>) semaphore(%arg15 : memref<!tpu.dma_semaphore, #tpu.memory_space<semaphore_mem>>) {add = true}
    %dma_wait3A_881 = arith.constant 0 : i32
    %dma_wait3A_882 = arith.constant 0 : i32
    %dma_wait3A_883 = tpu.memref_slice %arg6[%mul3A_850, %dma_wait3A_881, %dma_wait3A_882] : memref<102400x2x128xf32, #tpu.memory_space<hbm>> -> memref<200x2x128xf32, #tpu.memory_space<hbm>>
    %dma_wait3A_884 = arith.constant 0 : i32
    %dma_wait3A_885 = arith.constant 0 : i32
    %dma_wait3A_886 = tpu.memref_slice %arg6[%mul3A_850, %dma_wait3A_884, %dma_wait3A_885] : memref<102400x2x128xf32, #tpu.memory_space<hbm>> -> memref<200x2x128xf32, #tpu.memory_space<hbm>>
    tpu.wait_dma2 semaphore(%arg16 : memref<!tpu.dma_semaphore, #tpu.memory_space<semaphore_mem>>) src(%arg10 : memref<200x2x128xf32, #tpu.memory_space<vmem>>) dst(%dma_wait3A_886 : memref<200x2x128xf32, #tpu.memory_space<hbm>>)
    tpu.enqueue_dma source(%arg9 : memref<200x2x128xf32, #tpu.memory_space<vmem_shared>>) target(%arg10 : memref<200x2x128xf32, #tpu.memory_space<vmem>>) target_semaphore(%arg12 : memref<!tpu.dma_semaphore, #tpu.memory_space<semaphore_mem>>)
    %dma_wait3A_887 = arith.constant 13 : i32
    %dma_wait3A_888 = arith.constant 0 : i32
    %dma_wait3A_889 = arith.constant 0 : i32
    %dma_wait3A_890 = arith.constant 0 : i32
    %dma_wait3A_891 = tpu.memref_slice %arg11[%dma_wait3A_888, %dma_wait3A_889, %dma_wait3A_890] : memref<200x2x128xf32, #tpu.memory_space<vmem>> -> memref<128x2x128xf32, #tpu.memory_space<vmem>>
    %dma_wait3A_892 = arith.constant 0 : i32
    %dma_wait3A_893 = tpu.memref_slice %arg7[%dma_wait3A_887, %dma_wait3A_892] : memref<16x128xi32, #tpu.memory_space<vmem>> -> memref<1x128xi32, #tpu.memory_space<vmem>>
    %dma_wait3A_894 = tpu.memref_squeeze %dma_wait3A_893 : memref<1x128xi32, #tpu.memory_space<vmem>> -> memref<128xi32, #tpu.memory_space<vmem>>
    %dma_wait3A_895 = arith.constant 0 : i32
    %dma_wait3A_896 = arith.constant 0 : i32
    %dma_wait3A_897 = arith.constant 0 : i32
    %dma_wait3A_898 = tpu.memref_slice %arg2[%dma_wait3A_895, %dma_wait3A_896, %dma_wait3A_897] : memref<102400x2x128xf32, #tpu.memory_space<hbm>> -> memref<102400x2x128xf32, #tpu.memory_space<hbm>>
    tpu.wait_indirect_dma semaphore(%arg15 : memref<!tpu.dma_semaphore, #tpu.memory_space<semaphore_mem>>) src(%dma_wait3A_898 : memref<102400x2x128xf32, #tpu.memory_space<hbm>>) dst(%dma_wait3A_891 : memref<128x2x128xf32, #tpu.memory_space<vmem>>)
    %dma_wait3A_899 = arith.constant 13 : i32
    %dma_wait3A_900 = arith.constant 128 : i32
    %dma_wait3A_901 = arith.constant 0 : i32
    %dma_wait3A_902 = arith.constant 0 : i32
    %dma_wait3A_903 = tpu.memref_slice %arg11[%dma_wait3A_900, %dma_wait3A_901, %dma_wait3A_902] : memref<200x2x128xf32, #tpu.memory_space<vmem>> -> memref<72x2x128xf32, #tpu.memory_space<vmem>>
    %dma_wait3A_904 = arith.constant 0 : i32
    %dma_wait3A_905 = tpu.memref_slice %arg8[%dma_wait3A_899, %dma_wait3A_904] : memref<16x72xi32, #tpu.memory_space<vmem>> -> memref<1x72xi32, #tpu.memory_space<vmem>>
    %dma_wait3A_906 = tpu.memref_squeeze %dma_wait3A_905 : memref<1x72xi32, #tpu.memory_space<vmem>> -> memref<72xi32, #tpu.memory_space<vmem>>
    %dma_wait3A_907 = arith.constant 0 : i32
    %dma_wait3A_908 = arith.constant 0 : i32
    %dma_wait3A_909 = arith.constant 0 : i32
    %dma_wait3A_910 = tpu.memref_slice %arg2[%dma_wait3A_907, %dma_wait3A_908, %dma_wait3A_909] : memref<102400x2x128xf32, #tpu.memory_space<hbm>> -> memref<102400x2x128xf32, #tpu.memory_space<hbm>>
    tpu.wait_indirect_dma semaphore(%arg15 : memref<!tpu.dma_semaphore, #tpu.memory_space<semaphore_mem>>) src(%dma_wait3A_910 : memref<102400x2x128xf32, #tpu.memory_space<hbm>>) dst(%dma_wait3A_903 : memref<72x2x128xf32, #tpu.memory_space<vmem>>)
    %mul3A_911 = arith.constant 32 : i32
    %mul3A_912 = arith.muli %add3A, %mul3A_911 : i32
    %add3A_913 = arith.constant 26 : i32
    %add3A_914 = arith.addi %mul3A_912, %add3A_913 : i32
    %mul3A_915 = arith.constant 100 : i32
    %mul3A_916 = arith.muli %add3A_914, %mul3A_915 : i32
    %dma_start3A_917 = arith.constant 0 : i32
    %dma_start3A_918 = arith.constant 0 : i32
    %dma_start3A_919 = tpu.memref_slice %arg6[%mul3A_916, %dma_start3A_917, %dma_start3A_918] : memref<102400x2x128xf32, #tpu.memory_space<hbm>> -> memref<200x2x128xf32, #tpu.memory_space<hbm>>
    %dma_start3A_920 = arith.constant 0 : i32
    %dma_start3A_921 = arith.constant 0 : i32
    %dma_start3A_922 = tpu.memref_slice %arg6[%mul3A_916, %dma_start3A_920, %dma_start3A_921] : memref<102400x2x128xf32, #tpu.memory_space<hbm>> -> memref<200x2x128xf32, #tpu.memory_space<hbm>>
    tpu.enqueue_dma source(%arg11 : memref<200x2x128xf32, #tpu.memory_space<vmem>>) target(%dma_start3A_922 : memref<200x2x128xf32, #tpu.memory_space<hbm>>) target_semaphore(%arg17 : memref<!tpu.dma_semaphore, #tpu.memory_space<semaphore_mem>>)
    tpu.wait_dma2 semaphore(%arg12 : memref<!tpu.dma_semaphore, #tpu.memory_space<semaphore_mem>>) src(%arg9 : memref<200x2x128xf32, #tpu.memory_space<vmem_shared>>) dst(%arg10 : memref<200x2x128xf32, #tpu.memory_space<vmem>>)
    %dma_start3A_923 = arith.constant 14 : i32
    %dma_start3A_924 = arith.constant 0 : i32
    %dma_start3A_925 = arith.constant 0 : i32
    %dma_start3A_926 = arith.constant 0 : i32
    %dma_start3A_927 = tpu.memref_slice %arg10[%dma_start3A_924, %dma_start3A_925, %dma_start3A_926] : memref<200x2x128xf32, #tpu.memory_space<vmem>> -> memref<128x2x128xf32, #tpu.memory_space<vmem>>
    %dma_start3A_928 = arith.constant 0 : i32
    %dma_start3A_929 = tpu.memref_slice %arg7[%dma_start3A_923, %dma_start3A_928] : memref<16x128xi32, #tpu.memory_space<vmem>> -> memref<1x128xi32, #tpu.memory_space<vmem>>
    %dma_start3A_930 = tpu.memref_squeeze %dma_start3A_929 : memref<1x128xi32, #tpu.memory_space<vmem>> -> memref<128xi32, #tpu.memory_space<vmem>>
    %dma_start3A_931 = arith.constant 0 : i32
    %dma_start3A_932 = arith.constant 0 : i32
    %dma_start3A_933 = arith.constant 0 : i32
    %dma_start3A_934 = tpu.memref_slice %arg2[%dma_start3A_931, %dma_start3A_932, %dma_start3A_933] : memref<102400x2x128xf32, #tpu.memory_space<hbm>> -> memref<102400x2x128xf32, #tpu.memory_space<hbm>>
    tpu.enqueue_indirect_dma source(%dma_start3A_934 : memref<102400x2x128xf32, #tpu.memory_space<hbm>>) target(%dma_start3A_927 : memref<128x2x128xf32, #tpu.memory_space<vmem>>) offsets(%dma_start3A_930 : memref<128xi32, #tpu.memory_space<vmem>>) semaphore(%arg14 : memref<!tpu.dma_semaphore, #tpu.memory_space<semaphore_mem>>) {add = true}
    %dma_start3A_935 = arith.constant 14 : i32
    %dma_start3A_936 = arith.constant 128 : i32
    %dma_start3A_937 = arith.constant 0 : i32
    %dma_start3A_938 = arith.constant 0 : i32
    %dma_start3A_939 = tpu.memref_slice %arg10[%dma_start3A_936, %dma_start3A_937, %dma_start3A_938] : memref<200x2x128xf32, #tpu.memory_space<vmem>> -> memref<72x2x128xf32, #tpu.memory_space<vmem>>
    %dma_start3A_940 = arith.constant 0 : i32
    %dma_start3A_941 = tpu.memref_slice %arg8[%dma_start3A_935, %dma_start3A_940] : memref<16x72xi32, #tpu.memory_space<vmem>> -> memref<1x72xi32, #tpu.memory_space<vmem>>
    %dma_start3A_942 = tpu.memref_squeeze %dma_start3A_941 : memref<1x72xi32, #tpu.memory_space<vmem>> -> memref<72xi32, #tpu.memory_space<vmem>>
    %dma_start3A_943 = arith.constant 0 : i32
    %dma_start3A_944 = arith.constant 0 : i32
    %dma_start3A_945 = arith.constant 0 : i32
    %dma_start3A_946 = tpu.memref_slice %arg2[%dma_start3A_943, %dma_start3A_944, %dma_start3A_945] : memref<102400x2x128xf32, #tpu.memory_space<hbm>> -> memref<102400x2x128xf32, #tpu.memory_space<hbm>>
    tpu.enqueue_indirect_dma source(%dma_start3A_946 : memref<102400x2x128xf32, #tpu.memory_space<hbm>>) target(%dma_start3A_939 : memref<72x2x128xf32, #tpu.memory_space<vmem>>) offsets(%dma_start3A_942 : memref<72xi32, #tpu.memory_space<vmem>>) semaphore(%arg14 : memref<!tpu.dma_semaphore, #tpu.memory_space<semaphore_mem>>) {add = true}
    %dma_wait3A_947 = arith.constant 0 : i32
    %dma_wait3A_948 = arith.constant 0 : i32
    %dma_wait3A_949 = tpu.memref_slice %arg6[%mul3A_916, %dma_wait3A_947, %dma_wait3A_948] : memref<102400x2x128xf32, #tpu.memory_space<hbm>> -> memref<200x2x128xf32, #tpu.memory_space<hbm>>
    %dma_wait3A_950 = arith.constant 0 : i32
    %dma_wait3A_951 = arith.constant 0 : i32
    %dma_wait3A_952 = tpu.memref_slice %arg6[%mul3A_916, %dma_wait3A_950, %dma_wait3A_951] : memref<102400x2x128xf32, #tpu.memory_space<hbm>> -> memref<200x2x128xf32, #tpu.memory_space<hbm>>
    tpu.wait_dma2 semaphore(%arg17 : memref<!tpu.dma_semaphore, #tpu.memory_space<semaphore_mem>>) src(%arg11 : memref<200x2x128xf32, #tpu.memory_space<vmem>>) dst(%dma_wait3A_952 : memref<200x2x128xf32, #tpu.memory_space<hbm>>)
    tpu.enqueue_dma source(%arg9 : memref<200x2x128xf32, #tpu.memory_space<vmem_shared>>) target(%arg11 : memref<200x2x128xf32, #tpu.memory_space<vmem>>) target_semaphore(%arg13 : memref<!tpu.dma_semaphore, #tpu.memory_space<semaphore_mem>>)
    %dma_wait3A_953 = arith.constant 14 : i32
    %dma_wait3A_954 = arith.constant 0 : i32
    %dma_wait3A_955 = arith.constant 0 : i32
    %dma_wait3A_956 = arith.constant 0 : i32
    %dma_wait3A_957 = tpu.memref_slice %arg10[%dma_wait3A_954, %dma_wait3A_955, %dma_wait3A_956] : memref<200x2x128xf32, #tpu.memory_space<vmem>> -> memref<128x2x128xf32, #tpu.memory_space<vmem>>
    %dma_wait3A_958 = arith.constant 0 : i32
    %dma_wait3A_959 = tpu.memref_slice %arg7[%dma_wait3A_953, %dma_wait3A_958] : memref<16x128xi32, #tpu.memory_space<vmem>> -> memref<1x128xi32, #tpu.memory_space<vmem>>
    %dma_wait3A_960 = tpu.memref_squeeze %dma_wait3A_959 : memref<1x128xi32, #tpu.memory_space<vmem>> -> memref<128xi32, #tpu.memory_space<vmem>>
    %dma_wait3A_961 = arith.constant 0 : i32
    %dma_wait3A_962 = arith.constant 0 : i32
    %dma_wait3A_963 = arith.constant 0 : i32
    %dma_wait3A_964 = tpu.memref_slice %arg2[%dma_wait3A_961, %dma_wait3A_962, %dma_wait3A_963] : memref<102400x2x128xf32, #tpu.memory_space<hbm>> -> memref<102400x2x128xf32, #tpu.memory_space<hbm>>
    tpu.wait_indirect_dma semaphore(%arg14 : memref<!tpu.dma_semaphore, #tpu.memory_space<semaphore_mem>>) src(%dma_wait3A_964 : memref<102400x2x128xf32, #tpu.memory_space<hbm>>) dst(%dma_wait3A_957 : memref<128x2x128xf32, #tpu.memory_space<vmem>>)
    %dma_wait3A_965 = arith.constant 14 : i32
    %dma_wait3A_966 = arith.constant 128 : i32
    %dma_wait3A_967 = arith.constant 0 : i32
    %dma_wait3A_968 = arith.constant 0 : i32
    %dma_wait3A_969 = tpu.memref_slice %arg10[%dma_wait3A_966, %dma_wait3A_967, %dma_wait3A_968] : memref<200x2x128xf32, #tpu.memory_space<vmem>> -> memref<72x2x128xf32, #tpu.memory_space<vmem>>
    %dma_wait3A_970 = arith.constant 0 : i32
    %dma_wait3A_971 = tpu.memref_slice %arg8[%dma_wait3A_965, %dma_wait3A_970] : memref<16x72xi32, #tpu.memory_space<vmem>> -> memref<1x72xi32, #tpu.memory_space<vmem>>
    %dma_wait3A_972 = tpu.memref_squeeze %dma_wait3A_971 : memref<1x72xi32, #tpu.memory_space<vmem>> -> memref<72xi32, #tpu.memory_space<vmem>>
    %dma_wait3A_973 = arith.constant 0 : i32
    %dma_wait3A_974 = arith.constant 0 : i32
    %dma_wait3A_975 = arith.constant 0 : i32
    %dma_wait3A_976 = tpu.memref_slice %arg2[%dma_wait3A_973, %dma_wait3A_974, %dma_wait3A_975] : memref<102400x2x128xf32, #tpu.memory_space<hbm>> -> memref<102400x2x128xf32, #tpu.memory_space<hbm>>
    tpu.wait_indirect_dma semaphore(%arg14 : memref<!tpu.dma_semaphore, #tpu.memory_space<semaphore_mem>>) src(%dma_wait3A_976 : memref<102400x2x128xf32, #tpu.memory_space<hbm>>) dst(%dma_wait3A_969 : memref<72x2x128xf32, #tpu.memory_space<vmem>>)
    %mul3A_977 = arith.constant 32 : i32
    %mul3A_978 = arith.muli %add3A, %mul3A_977 : i32
    %add3A_979 = arith.constant 28 : i32
    %add3A_980 = arith.addi %mul3A_978, %add3A_979 : i32
    %mul3A_981 = arith.constant 100 : i32
    %mul3A_982 = arith.muli %add3A_980, %mul3A_981 : i32
    %dma_start3A_983 = arith.constant 0 : i32
    %dma_start3A_984 = arith.constant 0 : i32
    %dma_start3A_985 = tpu.memref_slice %arg6[%mul3A_982, %dma_start3A_983, %dma_start3A_984] : memref<102400x2x128xf32, #tpu.memory_space<hbm>> -> memref<200x2x128xf32, #tpu.memory_space<hbm>>
    %dma_start3A_986 = arith.constant 0 : i32
    %dma_start3A_987 = arith.constant 0 : i32
    %dma_start3A_988 = tpu.memref_slice %arg6[%mul3A_982, %dma_start3A_986, %dma_start3A_987] : memref<102400x2x128xf32, #tpu.memory_space<hbm>> -> memref<200x2x128xf32, #tpu.memory_space<hbm>>
    tpu.enqueue_dma source(%arg10 : memref<200x2x128xf32, #tpu.memory_space<vmem>>) target(%dma_start3A_988 : memref<200x2x128xf32, #tpu.memory_space<hbm>>) target_semaphore(%arg16 : memref<!tpu.dma_semaphore, #tpu.memory_space<semaphore_mem>>)
    tpu.wait_dma2 semaphore(%arg13 : memref<!tpu.dma_semaphore, #tpu.memory_space<semaphore_mem>>) src(%arg9 : memref<200x2x128xf32, #tpu.memory_space<vmem_shared>>) dst(%arg11 : memref<200x2x128xf32, #tpu.memory_space<vmem>>)
    %dma_start3A_989 = arith.constant 15 : i32
    %dma_start3A_990 = arith.constant 0 : i32
    %dma_start3A_991 = arith.constant 0 : i32
    %dma_start3A_992 = arith.constant 0 : i32
    %dma_start3A_993 = tpu.memref_slice %arg11[%dma_start3A_990, %dma_start3A_991, %dma_start3A_992] : memref<200x2x128xf32, #tpu.memory_space<vmem>> -> memref<128x2x128xf32, #tpu.memory_space<vmem>>
    %dma_start3A_994 = arith.constant 0 : i32
    %dma_start3A_995 = tpu.memref_slice %arg7[%dma_start3A_989, %dma_start3A_994] : memref<16x128xi32, #tpu.memory_space<vmem>> -> memref<1x128xi32, #tpu.memory_space<vmem>>
    %dma_start3A_996 = tpu.memref_squeeze %dma_start3A_995 : memref<1x128xi32, #tpu.memory_space<vmem>> -> memref<128xi32, #tpu.memory_space<vmem>>
    %dma_start3A_997 = arith.constant 0 : i32
    %dma_start3A_998 = arith.constant 0 : i32
    %dma_start3A_999 = arith.constant 0 : i32
    %dma_start3A_1000 = tpu.memref_slice %arg2[%dma_start3A_997, %dma_start3A_998, %dma_start3A_999] : memref<102400x2x128xf32, #tpu.memory_space<hbm>> -> memref<102400x2x128xf32, #tpu.memory_space<hbm>>
    tpu.enqueue_indirect_dma source(%dma_start3A_1000 : memref<102400x2x128xf32, #tpu.memory_space<hbm>>) target(%dma_start3A_993 : memref<128x2x128xf32, #tpu.memory_space<vmem>>) offsets(%dma_start3A_996 : memref<128xi32, #tpu.memory_space<vmem>>) semaphore(%arg15 : memref<!tpu.dma_semaphore, #tpu.memory_space<semaphore_mem>>) {add = true}
    %dma_start3A_1001 = arith.constant 15 : i32
    %dma_start3A_1002 = arith.constant 128 : i32
    %dma_start3A_1003 = arith.constant 0 : i32
    %dma_start3A_1004 = arith.constant 0 : i32
    %dma_start3A_1005 = tpu.memref_slice %arg11[%dma_start3A_1002, %dma_start3A_1003, %dma_start3A_1004] : memref<200x2x128xf32, #tpu.memory_space<vmem>> -> memref<72x2x128xf32, #tpu.memory_space<vmem>>
    %dma_start3A_1006 = arith.constant 0 : i32
    %dma_start3A_1007 = tpu.memref_slice %arg8[%dma_start3A_1001, %dma_start3A_1006] : memref<16x72xi32, #tpu.memory_space<vmem>> -> memref<1x72xi32, #tpu.memory_space<vmem>>
    %dma_start3A_1008 = tpu.memref_squeeze %dma_start3A_1007 : memref<1x72xi32, #tpu.memory_space<vmem>> -> memref<72xi32, #tpu.memory_space<vmem>>
    %dma_start3A_1009 = arith.constant 0 : i32
    %dma_start3A_1010 = arith.constant 0 : i32
    %dma_start3A_1011 = arith.constant 0 : i32
    %dma_start3A_1012 = tpu.memref_slice %arg2[%dma_start3A_1009, %dma_start3A_1010, %dma_start3A_1011] : memref<102400x2x128xf32, #tpu.memory_space<hbm>> -> memref<102400x2x128xf32, #tpu.memory_space<hbm>>
    tpu.enqueue_indirect_dma source(%dma_start3A_1012 : memref<102400x2x128xf32, #tpu.memory_space<hbm>>) target(%dma_start3A_1005 : memref<72x2x128xf32, #tpu.memory_space<vmem>>) offsets(%dma_start3A_1008 : memref<72xi32, #tpu.memory_space<vmem>>) semaphore(%arg15 : memref<!tpu.dma_semaphore, #tpu.memory_space<semaphore_mem>>) {add = true}
    %dma_wait3A_1013 = arith.constant 15 : i32
    %dma_wait3A_1014 = arith.constant 0 : i32
    %dma_wait3A_1015 = arith.constant 0 : i32
    %dma_wait3A_1016 = arith.constant 0 : i32
    %dma_wait3A_1017 = tpu.memref_slice %arg11[%dma_wait3A_1014, %dma_wait3A_1015, %dma_wait3A_1016] : memref<200x2x128xf32, #tpu.memory_space<vmem>> -> memref<128x2x128xf32, #tpu.memory_space<vmem>>
    %dma_wait3A_1018 = arith.constant 0 : i32
    %dma_wait3A_1019 = tpu.memref_slice %arg7[%dma_wait3A_1013, %dma_wait3A_1018] : memref<16x128xi32, #tpu.memory_space<vmem>> -> memref<1x128xi32, #tpu.memory_space<vmem>>
    %dma_wait3A_1020 = tpu.memref_squeeze %dma_wait3A_1019 : memref<1x128xi32, #tpu.memory_space<vmem>> -> memref<128xi32, #tpu.memory_space<vmem>>
    %dma_wait3A_1021 = arith.constant 0 : i32
    %dma_wait3A_1022 = arith.constant 0 : i32
    %dma_wait3A_1023 = arith.constant 0 : i32
    %dma_wait3A_1024 = tpu.memref_slice %arg2[%dma_wait3A_1021, %dma_wait3A_1022, %dma_wait3A_1023] : memref<102400x2x128xf32, #tpu.memory_space<hbm>> -> memref<102400x2x128xf32, #tpu.memory_space<hbm>>
    tpu.wait_indirect_dma semaphore(%arg15 : memref<!tpu.dma_semaphore, #tpu.memory_space<semaphore_mem>>) src(%dma_wait3A_1024 : memref<102400x2x128xf32, #tpu.memory_space<hbm>>) dst(%dma_wait3A_1017 : memref<128x2x128xf32, #tpu.memory_space<vmem>>)
    %dma_wait3A_1025 = arith.constant 15 : i32
    %dma_wait3A_1026 = arith.constant 128 : i32
    %dma_wait3A_1027 = arith.constant 0 : i32
    %dma_wait3A_1028 = arith.constant 0 : i32
    %dma_wait3A_1029 = tpu.memref_slice %arg11[%dma_wait3A_1026, %dma_wait3A_1027, %dma_wait3A_1028] : memref<200x2x128xf32, #tpu.memory_space<vmem>> -> memref<72x2x128xf32, #tpu.memory_space<vmem>>
    %dma_wait3A_1030 = arith.constant 0 : i32
    %dma_wait3A_1031 = tpu.memref_slice %arg8[%dma_wait3A_1025, %dma_wait3A_1030] : memref<16x72xi32, #tpu.memory_space<vmem>> -> memref<1x72xi32, #tpu.memory_space<vmem>>
    %dma_wait3A_1032 = tpu.memref_squeeze %dma_wait3A_1031 : memref<1x72xi32, #tpu.memory_space<vmem>> -> memref<72xi32, #tpu.memory_space<vmem>>
    %dma_wait3A_1033 = arith.constant 0 : i32
    %dma_wait3A_1034 = arith.constant 0 : i32
    %dma_wait3A_1035 = arith.constant 0 : i32
    %dma_wait3A_1036 = tpu.memref_slice %arg2[%dma_wait3A_1033, %dma_wait3A_1034, %dma_wait3A_1035] : memref<102400x2x128xf32, #tpu.memory_space<hbm>> -> memref<102400x2x128xf32, #tpu.memory_space<hbm>>
    tpu.wait_indirect_dma semaphore(%arg15 : memref<!tpu.dma_semaphore, #tpu.memory_space<semaphore_mem>>) src(%dma_wait3A_1036 : memref<102400x2x128xf32, #tpu.memory_space<hbm>>) dst(%dma_wait3A_1029 : memref<72x2x128xf32, #tpu.memory_space<vmem>>)
    %mul3A_1037 = arith.constant 32 : i32
    %mul3A_1038 = arith.muli %add3A, %mul3A_1037 : i32
    %add3A_1039 = arith.constant 30 : i32
    %add3A_1040 = arith.addi %mul3A_1038, %add3A_1039 : i32
    %mul3A_1041 = arith.constant 100 : i32
    %mul3A_1042 = arith.muli %add3A_1040, %mul3A_1041 : i32
    %dma_start3A_1043 = arith.constant 0 : i32
    %dma_start3A_1044 = arith.constant 0 : i32
    %dma_start3A_1045 = tpu.memref_slice %arg6[%mul3A_1042, %dma_start3A_1043, %dma_start3A_1044] : memref<102400x2x128xf32, #tpu.memory_space<hbm>> -> memref<200x2x128xf32, #tpu.memory_space<hbm>>
    %dma_start3A_1046 = arith.constant 0 : i32
    %dma_start3A_1047 = arith.constant 0 : i32
    %dma_start3A_1048 = tpu.memref_slice %arg6[%mul3A_1042, %dma_start3A_1046, %dma_start3A_1047] : memref<102400x2x128xf32, #tpu.memory_space<hbm>> -> memref<200x2x128xf32, #tpu.memory_space<hbm>>
    tpu.enqueue_dma source(%arg11 : memref<200x2x128xf32, #tpu.memory_space<vmem>>) target(%dma_start3A_1048 : memref<200x2x128xf32, #tpu.memory_space<hbm>>) target_semaphore(%arg17 : memref<!tpu.dma_semaphore, #tpu.memory_space<semaphore_mem>>)
    %dma_wait3A_1049 = arith.constant 0 : i32
    %dma_wait3A_1050 = arith.constant 0 : i32
    %dma_wait3A_1051 = tpu.memref_slice %arg6[%mul3A_982, %dma_wait3A_1049, %dma_wait3A_1050] : memref<102400x2x128xf32, #tpu.memory_space<hbm>> -> memref<200x2x128xf32, #tpu.memory_space<hbm>>
    %dma_wait3A_1052 = arith.constant 0 : i32
    %dma_wait3A_1053 = arith.constant 0 : i32
    %dma_wait3A_1054 = tpu.memref_slice %arg6[%mul3A_982, %dma_wait3A_1052, %dma_wait3A_1053] : memref<102400x2x128xf32, #tpu.memory_space<hbm>> -> memref<200x2x128xf32, #tpu.memory_space<hbm>>
    tpu.wait_dma2 semaphore(%arg16 : memref<!tpu.dma_semaphore, #tpu.memory_space<semaphore_mem>>) src(%arg10 : memref<200x2x128xf32, #tpu.memory_space<vmem>>) dst(%dma_wait3A_1054 : memref<200x2x128xf32, #tpu.memory_space<hbm>>)
    %dma_wait3A_1055 = arith.constant 0 : i32
    %dma_wait3A_1056 = arith.constant 0 : i32
    %dma_wait3A_1057 = tpu.memref_slice %arg6[%mul3A_1042, %dma_wait3A_1055, %dma_wait3A_1056] : memref<102400x2x128xf32, #tpu.memory_space<hbm>> -> memref<200x2x128xf32, #tpu.memory_space<hbm>>
    %dma_wait3A_1058 = arith.constant 0 : i32
    %dma_wait3A_1059 = arith.constant 0 : i32
    %dma_wait3A_1060 = tpu.memref_slice %arg6[%mul3A_1042, %dma_wait3A_1058, %dma_wait3A_1059] : memref<102400x2x128xf32, #tpu.memory_space<hbm>> -> memref<200x2x128xf32, #tpu.memory_space<hbm>>
    tpu.wait_dma2 semaphore(%arg17 : memref<!tpu.dma_semaphore, #tpu.memory_space<semaphore_mem>>) src(%arg11 : memref<200x2x128xf32, #tpu.memory_space<vmem>>) dst(%dma_wait3A_1060 : memref<200x2x128xf32, #tpu.memory_space<hbm>>)
    return
  }
}

</mosaic_0001>

<sc_bundles>
// kernel: kernel.3.cloned.1.call-start
scs
__scs_entry_jumppad:
0x0: {  	(pc) =	sbr.rel $0x88, $3  }
0x1: {  	(tag) =	ssettag $0x0;
	lr =	simm.s32 $0x1  }
0x2: {  	[smem:$0x3F9F] =	sst lr;
	_ =	strace $0xD0000000  }
0x3: {  	_ = 	snop  }
0x4: {  	_ = 	snop  }
0x5: {  	_ = 	snop  }
0x6: {  	_ = 	snop  }
0x7: {  	_ = 	snop  }
__scs_overlays_trampoline_lowered:
0x8: {  	[smem:$0x3FAE] =	sst s0  }
0x9: {  	[smem:$0x3FAF] =	sst s1  }
0xa: {  	[smem:$0x3FB0] =	sst s2  }
0xb: {  	[smem:$0x3FB1] =	sst s3  }
0xc: {  	[smem:$0x3FB2] =	sst s4  }
0xd: {  	[smem:$0x3FB3] =	sst s5  }
0xe: {  	[smem:$0x3FB4] =	sst s6  }
0xf: {  	[smem:$0x3FB5] =	sst s7  }
0x10: {  	[smem:$0x3FB6] =	sst s8  }
0x11: {  	[smem:$0x3FB7] =	sst s9;
	s0 =	simm.s32 @!p0 $0x0  }
0x12: {  	s1 =	sld [smem:$0x3F9D];
	s0 =	simm.s32 @p0 $0x1  }
0x13: {  	[smem:$0x3FB8] =	sst s0;
	s0 =	simm.s32 @!p1 $0x0  }
0x14: {  	s2 =	sld [smem:$0x3F9C];
	s0 =	simm.s32 @p1 $0x1  }
0x15: {  	[smem:$0x3FB9] =	sst s0;
	s0 =	simm.s32 @!p2 $0x0  }
0x16: {  	s3 =	sld [smem:$0x3FDB];
	s0 =	simm.s32 @p2 $0x1  }
0x17: {  	s4 =	simm.s32 $0x1BF5;
	[smem:$0x3FBB] =	sst s0  }
0x18: {  	s0 =	sld [smem:$0x3F9E];
	_ =	swait.ge [sflag:s4], $0x0  }
0x19: {  	s7 =	sld [smem:$0x3F9F]  }
0x1a: {  	s8 =	sadd.s32 $0xFFFFE003, lr  }
0x1b: {  	s9 =	sadd.s32 $0xFFFFFEF7, lr;
	s5 =	simm.s32 $0xFFFFFFFF;
	p2 =	slt.u32 s8, $0xFFFFF086  }
0x1c: {  	p1 =	slt.u32 s9, $0xF7A;
	s5 =	simm.s32 @!p2 $0x0  }
0x1d: {  	s5 =	simm.s32 @p1 $0x1;
	p0 =	seq.s32 s7, s2  }
0x1e: {  	s7 =	smul.u32 @!p0 $0xF7A, s2;
	p2 =	seq.s32 @!p0 s5, $0x0  }
0x1f: {  	s9 =	smul.u32 $0xF7A, s1;
	s8 =	simm.s32 @!p0 $0x1BF5;
	p2 =	por !p2, p0  }
0x20: {  	[sflag:s8] =	ssyncset.s32 @!p0 $0xFFFFF086;
	s6 =	sadd.s32 @!p0 s3, s7;
	s7 =	simm.s32 @!p0 $0x108  }
0x21: {  	s3 =	sadd.s32 s3, s9;
	s6 =	sadd.s32 @!p0 $0x88, s6;
	s7 =	simm.s32 @p2 $0x1082  }
0x22: {  	[simem:s7], [sflag:s8] =	dma.local @!p0 [hbm:s6], $0xF7A  }
0x23: {  	s9 =	sor.u32 $0xD0000000, s2;
	s6 =	simm.s32 $0x108;
	_ =	swait.ge @!p0 [sflag:s8], $0x0  }
0x24: {  	s3 =	sadd.s32 $0x88, s3;
	s6 =	simm.s32 @!p1 $0x1082;
	[sflag:s4] =	ssyncset.s32 $0xFFFFF086  }
0x25: {  	[simem:s6], [sflag:s4] =	dma.local [hbm:s3], $0xF7A  }
0x26: {  	[smem:$0x3F9F] =	sst s1;
	(tag) =	ssettag s2;
	_ =	strace s9  }
0x27: {  	s1 =	sld [smem:$0x3FAF]  }
0x28: {  	s2 =	sld [smem:$0x3FB0]  }
0x29: {  	s4 =	sld [smem:$0x3FB2]  }
0x2a: {  	p0 =	seq.s32 s5, $0x0;
	s5 =	sld [smem:$0x3FB3]  }
0x2b: {  	s6 =	sld [smem:$0x3FB4]  }
0x2c: {  	s7 =	sld [smem:$0x3FB5]  }
0x2d: {  	s3 =	simm.s32 $0x108;
	s8 =	sld [smem:$0x3FB6]  }
0x2e: {  	s3 =	simm.s32 @!p0 $0x1082;
	s9 =	sld [smem:$0x3FB7]  }
0x2f: {  	lr =	sadd.s32 s0, s3;
	s0 =	sld [smem:$0x3FAE]  }
0x30: {  	s3 =	sld [smem:$0x3FB1]  }
0x31: {  	[smem:$0x3FBA] =	sst s10  }
0x32: {  	s10 =	sld [smem:$0x3FB8];
	_ =	sdelay $0x3  }
0x33: {  	p0 =	seq.s32 s10, $0x1;
	s10 =	sld [smem:$0x3FBA];
	_ =	sdelay $0x3  }
0x34: {  	[smem:$0x3FBA] =	sst s10  }
0x35: {  	s10 =	sld [smem:$0x3FB9];
	_ =	sdelay $0x3  }
0x36: {  	p1 =	seq.s32 s10, $0x1;
	s10 =	sld [smem:$0x3FBA];
	_ =	sdelay $0x3  }
0x37: {  	[smem:$0x3FBA] =	sst s10  }
0x38: {  	s10 =	sld [smem:$0x3FBB]  }
0x39: {  	_ = 	snop;
	(pc) =	sbr.ind lr, $3  }
0x3a: {  	_ = 	snop  }
0x3b: {  	_ = 	snop  }
0x3c: {  	p2 =	seq.s32 s10, $0x1;
	s10 =	sld [smem:$0x3FBA]  }
0x3d: {  	_ =	shalt  }
0x3e: {  	_ =	shalt  }
0x3f: {  	_ =	shalt  }
0x40: {  	_ =	shalt  }
0x41: {  	_ =	shalt  }
0x42: {  	_ =	shalt  }
0x43: {  	_ =	shalt  }
0x44: {  	_ =	shalt  }
0x45: {  	_ =	shalt  }
0x46: {  	_ =	shalt  }
0x47: {  	_ =	shalt  }
0x48: {  	_ =	shalt  }
0x49: {  	_ =	shalt  }
0x4a: {  	_ =	shalt  }
0x4b: {  	_ =	shalt  }
0x4c: {  	_ =	shalt  }
0x4d: {  	_ =	shalt  }
0x4e: {  	_ =	shalt  }
0x4f: {  	_ =	shalt  }
0x50: {  	_ =	shalt  }
0x51: {  	_ =	shalt  }
0x52: {  	_ =	shalt  }
0x53: {  	_ =	shalt  }
0x54: {  	_ =	shalt  }
0x55: {  	_ =	shalt  }
0x56: {  	_ =	shalt  }
0x57: {  	_ =	shalt  }
0x58: {  	_ =	shalt  }
0x59: {  	_ =	shalt  }
0x5a: {  	_ =	shalt  }
0x5b: {  	_ =	shalt  }
0x5c: {  	_ =	shalt  }
0x5d: {  	_ =	shalt  }
0x5e: {  	_ =	shalt  }
0x5f: {  	_ =	shalt  }
0x60: {  	_ =	shalt  }
0x61: {  	_ =	shalt  }
0x62: {  	_ =	shalt  }
0x63: {  	_ =	shalt  }
0x64: {  	_ =	shalt  }
0x65: {  	_ =	shalt  }
0x66: {  	_ =	shalt  }
0x67: {  	_ =	shalt  }
0x68: {  	_ =	shalt  }
0x69: {  	_ =	shalt  }
0x6a: {  	_ =	shalt  }
0x6b: {  	_ =	shalt  }
0x6c: {  	_ =	shalt  }
0x6d: {  	_ =	shalt  }
0x6e: {  	_ =	shalt  }
0x6f: {  	_ =	shalt  }
0x70: {  	_ =	shalt  }
0x71: {  	_ =	shalt  }
0x72: {  	_ =	shalt  }
0x73: {  	_ =	shalt  }
0x74: {  	_ =	shalt  }
0x75: {  	_ =	shalt  }
0x76: {  	_ =	shalt  }
0x77: {  	_ =	shalt  }
0x78: {  	_ =	shalt  }
0x79: {  	_ =	shalt  }
0x7a: {  	_ =	shalt  }
0x7b: {  	_ =	shalt  }
0x7c: {  	_ =	shalt  }
0x7d: {  	_ =	shalt  }
0x7e: {  	_ =	shalt  }
0x7f: {  	_ =	shalt  }
0x80: {  	_ =	shalt  }
0x81: {  	_ =	shalt  }
0x82: {  	_ =	shalt  }
0x83: {  	_ =	shalt  }
0x84: {  	_ =	shalt  }
0x85: {  	_ =	shalt  }
0x86: {  	_ =	shalt  }
0x87: {  	_ =	shalt  }
.Lfunc_end0:
.L_simem_size_0:
called_computation_lowered:
.L_overlay_start_0:
0x88: {  	s2 =	sld [smem:$0x3FD9]  }
0x89: {  	s3 =	sld [smem:$0x3FFE];
	_ =	sdelay $0x1  }
0x8a: {  	s1 =	srdreg.scid  }
0x8b: {  	s0 =	sand.u32 $0x1, s1  }
0x8c: {  	s17 =	sshll.u32 s0, $0xA;
	s2 =	sadd.s32 s3, s2  }
0x8d: {  	s2 =	sadd.s32 s2, s17  }
0x8e: {  	[smem:$0x3FC6] =	sst s2  }
0x8f: {  	_ = 	snop  }
0x90: {  	s2 =	sld [smem:$0x3FC9]  }
0x91: {  	s18 =	sld [smem:$0x3FD0];
	(tm) =	ssettm $0x1  }
0x92: {  	s4 =	sld [smem:$0x3FFB];
	_ =	sdelay $0x3  }
0x93: {  	_ =	strace s4  }
0x94: {  	s4 =	sld [smem:$0x3FFC];
	_ =	sdelay $0x3  }
0x95: {  	_ =	strace s4  }
0x96: {  	s4 =	sld [smem:$0x3FFD];
	_ =	sdelay $0x3  }
0x97: {  	_ =	strace s4  }
0x98: {  	_ =	strace $0x8FFFFFFF  }
0x99: {  	s19 =	sld [smem:$0x3FDB];
	_ =	sdelay $0x1  }
0x9a: {  	s5 =	simm.s32 $_scs_section_size  }
0x9b: {  	s6 =	simm.s32 $_size__tile_overlayer_lowered;
	s7 =	simm.s32 $_tile_overlayer_lowered  }
0x9c: {  	s22 =	simm.s32 $0x1BFF;
	s21 =	sshll.u32 s7, $0x1;
	s4 =	sadd.s32 s5, s19  }
0x9d: {  	s8 =	simm.s32 $0x0;
	s20 =	sshll.u32 s6, $0x1;
	s6 =	sadd.s32 s21, s4  }
0x9e: {  	[timem:s8], [sflag:s22] =	dma.local [hbm:s6], s20  }
0x9f: {  	_ =	swait.ge [sflag:s22], s20  }
0xa0: {  	s5 =	ssub.s32 $0x0, s20;
	[sflag:s22] =	ssyncset.done $0x0  }
0xa1: {  	[sflag:s22] =	ssyncadd.s32 s5;
	_ =	sdelay $0x1  }
0xa2: {  	s23 =	simm.s32 $0x1B8B  }
0xa3: {  	_ =	swait.ge [sflag:s23], $0x1  }
0xa4: {  	[sflag:s23] =	ssyncset.done $0x0  }
0xa5: {  	s25 =	simm.s32 $0x1B8E;
	s24 =	sld [smem:$0x3FFE];
	[sflag:s23] =	ssyncadd.s32 $0xFFFFFFFF  }
0xa6: {  	s26 =	simm.s32 $execute0_lowered;
	[smem:$0x3FD2] =	sst s25  }
0xa7: {  	s6 =	sshll.u32 s26, $0x1;
	_ =	strace $0x80000046;
	[dreg:$0x1] =	wrdreg $0xFFFFFFFF  }
0xa8: {  	s28 =	simm.s32 $_size_execute0_lowered;
	s4 =	sadd.s32 s4, s6;
	[dreg:$0x0] =	wrdreg $0x0  }
0xa9: {  	s6 =	sshll.u32 s28, $0x1;
	[dreg:$0x2] =	wrdreg s4  }
0xaa: {  	[dreg:$0x3] =	wrdreg s6  }
0xab: {  	[dreg:$0x4] =	wrdreg $0xC0  }
0xac: {  	_ =	task [dreg:s8], $0x5FFFF  }
0xad: {  	[dreg:$0x1] =	wrdreg $0xFFFFFFFF  }
0xae: {  	[dreg:$0x0] =	wrdreg $0x60  }
0xaf: {  	[dreg:$0x2] =	wrdreg s2  }
0xb0: {  	[dreg:$0x3] =	wrdreg s24  }
0xb1: {  	[dreg:$0x4] =	wrdreg s18  }
0xb2: {  	[dreg:$0x5] =	wrdreg $0x10000  }
0xb3: {  	[dreg:$0x6] =	wrdreg $0x9  }
0xb4: {  	_ =	task.clear_ibuf [dreg:s8], $0x7FFFF;
	_ =	strace $0x90000046  }
0xb5: {  	s29 =	simm.s32 $0x9;
	_ =	strace $0x80000048  }
0xb6: {  	_ =	swait.ge [sflag:s29], $0x1  }
0xb7: {  	[sflag:s29] =	ssyncadd.s32 $0xFFFFFFFF  }
0xb8: {  	_ =	strace $0x90000048  }
0xb9: {  	_ =	sfence  }
0xba: {  	s30 =	sld [smem:$0x0];
	_ =	sdelay $0x2  }
0xbb: {  	s31 =	sshll.u32 s1, $0xD;
	s1 =	sshrl.u32 s1, $0x2  }
0xbc: {  	s3 =	sand.u32 $0x4000, s31;
	s1 =	sadd.s32 s1, s30  }
0xbd: {  	s0 =	sor.u32 s3, s0;
	s1 =	sshll.u32 s1, $0x11  }
0xbe: {  	s0 =	sor.u32 s1, s0  }
0xbf: {  	s0 =	sadd.s32 $0x8F2B, s0  }
0xc0: {  	[sflag:s0] =	ssyncadd.remote.s32 $0x1  }
0xc1: {  	_ =	sfence.sel $0xFFFF  }
0xc2: {  	[dreg:$0x0] =	wrdreg $0xFFFFFFFF;
	(pc) =	sbr.abs _section_cstart, $3  }
0xc3: {  	[dreg:$0x1] =	wrdreg $0xFFFFFFFF  }
0xc4: {  	_ =	task.clear_ibuf [dreg:s8], $0x2FFFF;
	_ =	strace $0x9FFFFFFF  }
0xc5: {  	(tm) =	ssettm $0x7FFFFFFF  }
tec
execute0_lowered:
.L_overlay_start_1:
0x0: {  	(tag) =	ssettag $0x1  }
0x1: {  	s2 =	rddreg [dreg:$0x0]  }
0x2: {  	s0 =	rddreg [dreg:$0x1]  }
0x3: {  	s5 =	rddreg [dreg:$0x2]  }
0x4: {  	s3 =	rddreg [dreg:$0x3]  }
0x5: {  	s29 =	rddreg [dreg:$0x4];
	s6 =	srdreg.scid  }
0x6: {  	s4 =	stileid.u32;
	s1 =	simm.s32 $0x0;
	s30 =	simm.s32 $0x880  }
0x7: {  	s6 =	sand.u32 $0x1, s6;
	[smem:$0x7FF] =	sst s1;
	s9 =	sadd.s32 $0x4400, s0  }
0x8: {  	s7 =	sshll.u32 s4, $0x1;
	_ =	strace $0x80000047;
	[dreg:$0x5] =	wrdreg s9  }
0x9: {  	s7 =	sor.u32 s6, s7;
	[dreg:$0x18] =	wrdreg s30  }
0xa: {  	s9 =	simm.s32 $0x180;
	s30 =	simm.s32 $0xD00;
	s8 =	sshll.u32 s7, $0x8  }
0xb: {  	s31 =	smul.u32 $0xC8000, s7;
	[dreg:$0x1b] =	wrdreg s9;
	s0 =	sadd.s32 s8, s0  }
0xc: {  	s7 =	smul.u32 $0x19000, s7;
	[smem:$0x7FC] =	sst s30;
	s10 =	sadd.s32 $0x2400, s0  }
0xd: {  	s0 =	sadd.s32 $0x400, s0;
	[dreg:$0x6] =	wrdreg s10  }
0xe: {  	s11 =	sadd.s32 s5, s7;
	[dreg:$0x7] =	wrdreg s0  }
0xf: {  	s7 =	simm.s32 $0x100;
	[dreg:$0x8] =	wrdreg s11  }
0x10: {  	s8 =	sshrl.u32 s31, $0x3;
	[dreg:$0x19] =	wrdreg s7  }
0x11: {  	s5 =	sadd.s32 s5, s8;
	s8 =	simm.s32 $0x900;
	s0 =	rddreg [dreg:$0x5]  }
0x12: {  	s10 =	simm.s32 $0x980;
	[dreg:$0x1a] =	wrdreg s8  }
0x13: {  	s11 =	simm.s32 $0x200;
	[dreg:$0x1c] =	wrdreg s10  }
0x14: {  	s12 =	sadd.s32 $0x1900, s5;
	[dreg:$0x1d] =	wrdreg s11  }
0x15: {  	s13 =	sadd.s32 $0x3200, s5;
	[dreg:$0x9] =	wrdreg s12  }
0x16: {  	s14 =	sadd.s32 $0x4B00, s5;
	[dreg:$0xa] =	wrdreg s13  }
0x17: {  	s15 =	sadd.s32 $0x6400, s5;
	[dreg:$0xb] =	wrdreg s14  }
0x18: {  	p1 =	por $0x0, $0x0;
	s16 =	sadd.s32 $0x7D00, s5;
	[dreg:$0xc] =	wrdreg s15  }
0x19: {  	p0 =	sne.s32 s4, $0x0;
	s17 =	sadd.s32 $0x9600, s5;
	[dreg:$0xd] =	wrdreg s16  }
0x1a: {  	s4 =	simm.s32 $0x1C80;
	s18 =	sadd.s32 $0xAF00, s5;
	[dreg:$0xe] =	wrdreg s17  }
0x1b: {  	s28 =	sshrl.u32 @!p0 s3, $0x3;
	s19 =	sadd.s32 $0xC800, s5;
	[dreg:$0xf] =	wrdreg s18  }
0x1c: {  	s9 =	simm.s32 $0x6;
	s20 =	sadd.s32 $0xE100, s5;
	[dreg:$0x10] =	wrdreg s19  }
0x1d: {  	s31 =	ssub.s32 $0x2, s6;
	s21 =	sadd.s32 $0xFA00, s5;
	[dreg:$0x11] =	wrdreg s20  }
0x1e: {  	s6 =	sshrl.u32 s31, $0x1;
	s22 =	sadd.s32 $0x11300, s5;
	[dreg:$0x12] =	wrdreg s21  }
0x1f: {  	s7 =	simm.s32 $0x48;
	s23 =	sadd.s32 $0x12C00, s5;
	[dreg:$0x13] =	wrdreg s22  }
0x20: {  	s24 =	sadd.s32 $0x14500, s5;
	s25 =	sadd.s32 $0x15E00, s5;
	[dreg:$0x14] =	wrdreg s23  }
0x21: {  	s26 =	sadd.s32 $0x17700, s5;
	s5 =	ssub.s32 s31, s6;
	[dreg:$0x15] =	wrdreg s24  }
0x22: {  	s10 =	simm.s32 $0x1;
	s6 =	simm.s32 $0xE480;
	[dreg:$0x16] =	wrdreg s25  }
0x23: {  	s11 =	simm.s32 $0x2;
	s31 =	simm.s32 $0x580;
	[dreg:$0x17] =	wrdreg s26  }
0x24: {  	s8 =	simm.s32 $0x5;
	s12 =	simm.s32 $0xA00;
	[smem:$0x7FD] =	sst s31  }
0x25: {  	s16 =	smax.u32 s5, $0x1;
	s13 =	simm.s32 $0x280;
	[dreg:$0x1e] =	wrdreg s12  }
0x26: {  	s26 =	simm.s32 $0x7;
	s14 =	simm.s32 $0xA80;
	[dreg:$0x1f] =	wrdreg s13  }
0x27: {  	s25 =	simm.s32 $0x800;
	s15 =	simm.s32 $0x300;
	[smem:$0x7F2] =	sst s14  }
0x28: {  	s5 =	simm.s32 $0x80;
	s17 =	simm.s32 $0xB00;
	[smem:$0x7F3] =	sst s15  }
0x29: {  	s18 =	simm.s32 $0x380;
	s19 =	simm.s32 $0xB80;
	[smem:$0x7F4] =	sst s17  }
0x2a: {  	s20 =	simm.s32 $0x400;
	s21 =	simm.s32 $0xC00;
	[smem:$0x7F5] =	sst s18  }
0x2b: {  	s22 =	simm.s32 $0x480;
	s23 =	simm.s32 $0xC80;
	[smem:$0x7F6] =	sst s19  }
0x2c: {  	s24 =	simm.s32 $0x500;
	[smem:$0x7F7] =	sst s20;
	s16 =	sadd.s32 $0xFFFFFFFF, s16  }
0x2d: {  	s15 =	simm.s32 $0x9C80;
	[smem:$0x7F8] =	sst s21;
	p2 =	sne.s32 s16, $0x0  }
.Ltmp0:
0x2e: {  	s13 =	simm.s32 $0x3;
	[smem:$0x7F9] =	sst s22;
	(pc) =	sbr.rel @!p2 .LBB2_1-.Ltmp0, $4  }
0x2f: {  	s14 =	simm.s32 $0x16480;
	[smem:$0x7FA] =	sst s23;
	s12 =	simm.s32 $0x4  }
0x30: {  	[smem:$0x7FB] =	sst s24;
	s24 =	simm.s32 $0xD80;
	s22 =	simm.s32 $0x600  }
0x31: {  	s23 =	simm.s32 $0xE00;
	s20 =	simm.s32 $0x680;
	s21 =	simm.s32 $0xE80  }
0x32: {  	s18 =	simm.s32 $0x700;
	s19 =	simm.s32 $0xF00;
	s17 =	simm.s32 $0xF80  }
0x33: {  	s29 =	simm.s32 @!p0 $0x1C07;
	s30 =	simm.s32 @!p0 $0x7  }
0x34: {  	[spmem:s28], [sflag:s29] =	dma.local @!p0 [hbm:s0], $0x1900  }
0x35: {  	_ =	swait.ge @!p0 [sflag:s30], $0x1900  }
0x36: {  	[sflag:s30] =	ssyncset.done @!p0 $0x0  }
0x37: {  	s0 =	rddreg [dreg:$0x6];
	[sflag:s30] =	ssyncadd.s32 @!p0 $0xFFFFE700  }
0x38: {  	[tilespmem:s1], [sflag:$0x7] =	stream.linear.gather [hbm4b:s0+s1], $0x800, $0x38;
	[tilespmem:$0x1AC80] =	vst v63  }
0x39: {  	_ =	swait.ge [sflag:s26], $0x800  }
0x3a: {  	[sflag:s26] =	ssyncset.done $0x0  }
0x3b: {  	s0 =	rddreg [dreg:$0x7];
	[sflag:s26] =	ssyncadd.s32 $0xFFFFF800  }
0x3c: {  	[tilespmem:s25], [sflag:$0x7] =	stream.linear.gather [hbm4b:s0+s1], $0x800, $0x38;
	[tilespmem:$0x1AC80] =	vst v63  }
0x3d: {  	_ =	swait.ge [sflag:s26], $0x800  }
0x3e: {  	[sflag:s26] =	ssyncset.done $0x0  }
0x3f: {  	[sflag:s26] =	ssyncadd.s32 $0xFFFFF800  }
0x40: {  	[bflag:$0x0] =	sbarrier.arrive $0xFFFF  }
0x41: {  	[tilespmem:s4], [sflag:$0x1] =	stream.linear.gather [spmem:s3], $0xC800, $0x38;
	[tilespmem:$0x1AC80] =	vst v63  }
0x42: {  	_ =	swait.ge [sflag:s10], $0xC800  }
0x43: {  	[sflag:s10] =	ssyncset.done $0x0  }
0x44: {  	[sflag:s10] =	ssyncadd.s32 $0xFFFF3800  }
0x45: {  	[tilespmem:s4], [sflag:$0x3] =	stream.indirect.gather.add.f32 [hbm:s2], $0x100, s1, s5, $0xb8;
	[tilespmem:$0x1AC80] =	vst v63  }
0x46: {  	_ = 	snop  }
0x47: {  	[tilespmem:s15], [sflag:$0x3] =	stream.indirect.gather.add.f32 [hbm:s2], $0x100, s25, s7, $0xb8;
	[tilespmem:$0x1AC80] =	vst v63  }
0x48: {  	_ = 	snop  }
0x49: {  	[tilespmem:s6], [sflag:$0x2] =	stream.linear.gather [spmem:s3], $0xC800, $0x38;
	[tilespmem:$0x1AC80] =	vst v63  }
0x4a: {  	_ =	swait.ge [sflag:s13], $0x8000  }
0x4b: {  	[sflag:s13] =	ssyncset.done $0x0  }
0x4c: {  	[sflag:s13] =	ssyncadd.s32 $0xFFFF8000  }
0x4d: {  	_ =	swait.ge [sflag:s13], $0x4800  }
0x4e: {  	[sflag:s13] =	ssyncset.done $0x0  }
0x4f: {  	s0 =	rddreg [dreg:$0x8];
	[sflag:s13] =	ssyncadd.s32 $0xFFFFB800  }
0x50: {  	[hbm4b:s0+s1] =	stream.linear.scatter [tilespmem:s4], [sflag:$0x5], $0xC800, $0x38;
	[tilespmem:$0x1AC80] =	vst v63  }
0x51: {  	_ =	swait.ge [sflag:s11], $0xC800  }
0x52: {  	[sflag:s11] =	ssyncset.done $0x0  }
0x53: {  	[sflag:s11] =	ssyncadd.s32 $0xFFFF3800  }
0x54: {  	[tilespmem:s6], [sflag:$0x4] =	stream.indirect.gather.add.f32 [hbm:s2], $0x100, s5, s5, $0xb8;
	[tilespmem:$0x1AC80] =	vst v63  }
0x55: {  	s0 =	rddreg [dreg:$0x18]  }
0x56: {  	[tilespmem:s14], [sflag:$0x4] =	stream.indirect.gather.add.f32 [hbm:s2], $0x100, s0, s7, $0xb8;
	[tilespmem:$0x1AC80] =	vst v63  }
0x57: {  	_ =	swait.ge [sflag:s8], $0xC800  }
0x58: {  	[sflag:s8] =	ssyncset.done $0x0  }
0x59: {  	[sflag:s8] =	ssyncadd.s32 $0xFFFF3800  }
0x5a: {  	[tilespmem:s4], [sflag:$0x1] =	stream.linear.gather [spmem:s3], $0xC800, $0x38;
	[tilespmem:$0x1AC80] =	vst v63  }
0x5b: {  	_ =	swait.ge [sflag:s12], $0x8000  }
0x5c: {  	[sflag:s12] =	ssyncset.done $0x0  }
0x5d: {  	[sflag:s12] =	ssyncadd.s32 $0xFFFF8000  }
0x5e: {  	_ =	swait.ge [sflag:s12], $0x4800  }
0x5f: {  	[sflag:s12] =	ssyncset.done $0x0  }
0x60: {  	s0 =	rddreg [dreg:$0x9];
	[sflag:s12] =	ssyncadd.s32 $0xFFFFB800  }
0x61: {  	[hbm4b:s0+s1] =	stream.linear.scatter [tilespmem:s6], [sflag:$0x6], $0xC800, $0x38;
	[tilespmem:$0x1AC80] =	vst v63  }
0x62: {  	_ =	swait.ge [sflag:s10], $0xC800  }
0x63: {  	[sflag:s10] =	ssyncset.done $0x0  }
0x64: {  	s0 =	rddreg [dreg:$0x19];
	[sflag:s10] =	ssyncadd.s32 $0xFFFF3800  }
0x65: {  	[tilespmem:s4], [sflag:$0x3] =	stream.indirect.gather.add.f32 [hbm:s2], $0x100, s0, s5, $0xb8;
	[tilespmem:$0x1AC80] =	vst v63  }
0x66: {  	s31 =	rddreg [dreg:$0x1a]  }
0x67: {  	[tilespmem:s15], [sflag:$0x3] =	stream.indirect.gather.add.f32 [hbm:s2], $0x100, s31, s7, $0xb8;
	[tilespmem:$0x1AC80] =	vst v63  }
0x68: {  	_ =	swait.ge [sflag:s9], $0xC800  }
0x69: {  	[sflag:s9] =	ssyncset.done $0x0  }
0x6a: {  	[sflag:s9] =	ssyncadd.s32 $0xFFFF3800  }
0x6b: {  	[tilespmem:s6], [sflag:$0x2] =	stream.linear.gather [spmem:s3], $0xC800, $0x38;
	[tilespmem:$0x1AC80] =	vst v63  }
0x6c: {  	_ =	swait.ge [sflag:s13], $0x8000  }
0x6d: {  	[sflag:s13] =	ssyncset.done $0x0  }
0x6e: {  	[sflag:s13] =	ssyncadd.s32 $0xFFFF8000  }
0x6f: {  	_ =	swait.ge [sflag:s13], $0x4800  }
0x70: {  	[sflag:s13] =	ssyncset.done $0x0  }
0x71: {  	s0 =	rddreg [dreg:$0xa];
	[sflag:s13] =	ssyncadd.s32 $0xFFFFB800  }
0x72: {  	[hbm4b:s0+s1] =	stream.linear.scatter [tilespmem:s4], [sflag:$0x5], $0xC800, $0x38;
	[tilespmem:$0x1AC80] =	vst v63  }
0x73: {  	_ =	swait.ge [sflag:s11], $0xC800  }
0x74: {  	[sflag:s11] =	ssyncset.done $0x0  }
0x75: {  	s0 =	rddreg [dreg:$0x1b];
	[sflag:s11] =	ssyncadd.s32 $0xFFFF3800  }
0x76: {  	[tilespmem:s6], [sflag:$0x4] =	stream.indirect.gather.add.f32 [hbm:s2], $0x100, s0, s5, $0xb8;
	[tilespmem:$0x1AC80] =	vst v63  }
0x77: {  	s31 =	rddreg [dreg:$0x1c]  }
0x78: {  	[tilespmem:s14], [sflag:$0x4] =	stream.indirect.gather.add.f32 [hbm:s2], $0x100, s31, s7, $0xb8;
	[tilespmem:$0x1AC80] =	vst v63  }
0x79: {  	_ =	swait.ge [sflag:s8], $0xC800  }
0x7a: {  	[sflag:s8] =	ssyncset.done $0x0  }
0x7b: {  	[sflag:s8] =	ssyncadd.s32 $0xFFFF3800  }
0x7c: {  	[tilespmem:s4], [sflag:$0x1] =	stream.linear.gather [spmem:s3], $0xC800, $0x38;
	[tilespmem:$0x1AC80] =	vst v63  }
0x7d: {  	_ =	swait.ge [sflag:s12], $0x8000  }
0x7e: {  	[sflag:s12] =	ssyncset.done $0x0  }
0x7f: {  	[sflag:s12] =	ssyncadd.s32 $0xFFFF8000  }
0x80: {  	_ =	swait.ge [sflag:s12], $0x4800  }
0x81: {  	[sflag:s12] =	ssyncset.done $0x0  }
0x82: {  	s0 =	rddreg [dreg:$0xb];
	[sflag:s12] =	ssyncadd.s32 $0xFFFFB800  }
0x83: {  	[hbm4b:s0+s1] =	stream.linear.scatter [tilespmem:s6], [sflag:$0x6], $0xC800, $0x38;
	[tilespmem:$0x1AC80] =	vst v63  }
0x84: {  	_ =	swait.ge [sflag:s10], $0xC800  }
0x85: {  	[sflag:s10] =	ssyncset.done $0x0  }
0x86: {  	s0 =	rddreg [dreg:$0x1d];
	[sflag:s10] =	ssyncadd.s32 $0xFFFF3800  }
0x87: {  	[tilespmem:s4], [sflag:$0x3] =	stream.indirect.gather.add.f32 [hbm:s2], $0x100, s0, s5, $0xb8;
	[tilespmem:$0x1AC80] =	vst v63  }
0x88: {  	s31 =	rddreg [dreg:$0x1e]  }
0x89: {  	[tilespmem:s15], [sflag:$0x3] =	stream.indirect.gather.add.f32 [hbm:s2], $0x100, s31, s7, $0xb8;
	[tilespmem:$0x1AC80] =	vst v63  }
0x8a: {  	_ =	swait.ge [sflag:s9], $0xC800  }
0x8b: {  	[sflag:s9] =	ssyncset.done $0x0  }
0x8c: {  	[sflag:s9] =	ssyncadd.s32 $0xFFFF3800  }
0x8d: {  	[tilespmem:s6], [sflag:$0x2] =	stream.linear.gather [spmem:s3], $0xC800, $0x38;
	[tilespmem:$0x1AC80] =	vst v63  }
0x8e: {  	_ =	swait.ge [sflag:s13], $0x8000  }
0x8f: {  	[sflag:s13] =	ssyncset.done $0x0  }
0x90: {  	[sflag:s13] =	ssyncadd.s32 $0xFFFF8000  }
0x91: {  	_ =	swait.ge [sflag:s13], $0x4800  }
0x92: {  	[sflag:s13] =	ssyncset.done $0x0  }
0x93: {  	s0 =	rddreg [dreg:$0xc];
	[sflag:s13] =	ssyncadd.s32 $0xFFFFB800  }
0x94: {  	[hbm4b:s0+s1] =	stream.linear.scatter [tilespmem:s4], [sflag:$0x5], $0xC800, $0x38;
	[tilespmem:$0x1AC80] =	vst v63  }
0x95: {  	_ =	swait.ge [sflag:s11], $0xC800  }
0x96: {  	s0 =	rddreg [dreg:$0x1f];
	[sflag:s11] =	ssyncset.done $0x0  }
0x97: {  	s31 =	sld [smem:$0x7F2];
	[sflag:s11] =	ssyncadd.s32 $0xFFFF3800  }
0x98: {  	[tilespmem:s6], [sflag:$0x4] =	stream.indirect.gather.add.f32 [hbm:s2], $0x100, s0, s5, $0xb8;
	[tilespmem:$0x1AC80] =	vst v63  }
0x99: {  	_ = 	snop  }
0x9a: {  	[tilespmem:s14], [sflag:$0x4] =	stream.indirect.gather.add.f32 [hbm:s2], $0x100, s31, s7, $0xb8;
	[tilespmem:$0x1AC80] =	vst v63  }
0x9b: {  	_ =	swait.ge [sflag:s8], $0xC800  }
0x9c: {  	[sflag:s8] =	ssyncset.done $0x0  }
0x9d: {  	[sflag:s8] =	ssyncadd.s32 $0xFFFF3800  }
0x9e: {  	[tilespmem:s4], [sflag:$0x1] =	stream.linear.gather [spmem:s3], $0xC800, $0x38;
	[tilespmem:$0x1AC80] =	vst v63  }
0x9f: {  	_ =	swait.ge [sflag:s12], $0x8000  }
0xa0: {  	[sflag:s12] =	ssyncset.done $0x0  }
0xa1: {  	[sflag:s12] =	ssyncadd.s32 $0xFFFF8000  }
0xa2: {  	_ =	swait.ge [sflag:s12], $0x4800  }
0xa3: {  	[sflag:s12] =	ssyncset.done $0x0  }
0xa4: {  	s0 =	rddreg [dreg:$0xd];
	[sflag:s12] =	ssyncadd.s32 $0xFFFFB800  }
0xa5: {  	[hbm4b:s0+s1] =	stream.linear.scatter [tilespmem:s6], [sflag:$0x6], $0xC800, $0x38;
	[tilespmem:$0x1AC80] =	vst v63  }
0xa6: {  	_ =	swait.ge [sflag:s10], $0xC800  }
0xa7: {  	s0 =	sld [smem:$0x7F3]  }
0xa8: {  	[sflag:s10] =	ssyncset.done $0x0  }
0xa9: {  	s31 =	sld [smem:$0x7F4];
	[sflag:s10] =	ssyncadd.s32 $0xFFFF3800  }
0xaa: {  	[tilespmem:s4], [sflag:$0x3] =	stream.indirect.gather.add.f32 [hbm:s2], $0x100, s0, s5, $0xb8;
	[tilespmem:$0x1AC80] =	vst v63  }
0xab: {  	_ = 	snop  }
0xac: {  	[tilespmem:s15], [sflag:$0x3] =	stream.indirect.gather.add.f32 [hbm:s2], $0x100, s31, s7, $0xb8;
	[tilespmem:$0x1AC80] =	vst v63  }
0xad: {  	_ =	swait.ge [sflag:s9], $0xC800  }
0xae: {  	[sflag:s9] =	ssyncset.done $0x0  }
0xaf: {  	[sflag:s9] =	ssyncadd.s32 $0xFFFF3800  }
0xb0: {  	[tilespmem:s6], [sflag:$0x2] =	stream.linear.gather [spmem:s3], $0xC800, $0x38;
	[tilespmem:$0x1AC80] =	vst v63  }
0xb1: {  	_ =	swait.ge [sflag:s13], $0x8000  }
0xb2: {  	[sflag:s13] =	ssyncset.done $0x0  }
0xb3: {  	[sflag:s13] =	ssyncadd.s32 $0xFFFF8000  }
0xb4: {  	_ =	swait.ge [sflag:s13], $0x4800  }
0xb5: {  	[sflag:s13] =	ssyncset.done $0x0  }
0xb6: {  	s0 =	rddreg [dreg:$0xe];
	[sflag:s13] =	ssyncadd.s32 $0xFFFFB800  }
0xb7: {  	[hbm4b:s0+s1] =	stream.linear.scatter [tilespmem:s4], [sflag:$0x5], $0xC800, $0x38;
	[tilespmem:$0x1AC80] =	vst v63  }
0xb8: {  	_ =	swait.ge [sflag:s11], $0xC800  }
0xb9: {  	s0 =	sld [smem:$0x7F5]  }
0xba: {  	[sflag:s11] =	ssyncset.done $0x0  }
0xbb: {  	s31 =	sld [smem:$0x7F6];
	[sflag:s11] =	ssyncadd.s32 $0xFFFF3800  }
0xbc: {  	[tilespmem:s6], [sflag:$0x4] =	stream.indirect.gather.add.f32 [hbm:s2], $0x100, s0, s5, $0xb8;
	[tilespmem:$0x1AC80] =	vst v63  }
0xbd: {  	_ = 	snop  }
0xbe: {  	[tilespmem:s14], [sflag:$0x4] =	stream.indirect.gather.add.f32 [hbm:s2], $0x100, s31, s7, $0xb8;
	[tilespmem:$0x1AC80] =	vst v63  }
0xbf: {  	_ =	swait.ge [sflag:s8], $0xC800  }
0xc0: {  	[sflag:s8] =	ssyncset.done $0x0  }
0xc1: {  	[sflag:s8] =	ssyncadd.s32 $0xFFFF3800  }
0xc2: {  	[tilespmem:s4], [sflag:$0x1] =	stream.linear.gather [spmem:s3], $0xC800, $0x38;
	[tilespmem:$0x1AC80] =	vst v63  }
0xc3: {  	_ =	swait.ge [sflag:s12], $0x8000  }
0xc4: {  	[sflag:s12] =	ssyncset.done $0x0  }
0xc5: {  	[sflag:s12] =	ssyncadd.s32 $0xFFFF8000  }
0xc6: {  	_ =	swait.ge [sflag:s12], $0x4800  }
0xc7: {  	[sflag:s12] =	ssyncset.done $0x0  }
0xc8: {  	s0 =	rddreg [dreg:$0xf];
	[sflag:s12] =	ssyncadd.s32 $0xFFFFB800  }
0xc9: {  	[hbm4b:s0+s1] =	stream.linear.scatter [tilespmem:s6], [sflag:$0x6], $0xC800, $0x38;
	[tilespmem:$0x1AC80] =	vst v63  }
0xca: {  	_ =	swait.ge [sflag:s10], $0xC800  }
0xcb: {  	s0 =	sld [smem:$0x7F7]  }
0xcc: {  	[sflag:s10] =	ssyncset.done $0x0  }
0xcd: {  	s31 =	sld [smem:$0x7F8];
	[sflag:s10] =	ssyncadd.s32 $0xFFFF3800  }
0xce: {  	[tilespmem:s4], [sflag:$0x3] =	stream.indirect.gather.add.f32 [hbm:s2], $0x100, s0, s5, $0xb8;
	[tilespmem:$0x1AC80] =	vst v63  }
0xcf: {  	_ = 	snop  }
0xd0: {  	[tilespmem:s15], [sflag:$0x3] =	stream.indirect.gather.add.f32 [hbm:s2], $0x100, s31, s7, $0xb8;
	[tilespmem:$0x1AC80] =	vst v63  }
0xd1: {  	_ =	swait.ge [sflag:s9], $0xC800  }
0xd2: {  	[sflag:s9] =	ssyncset.done $0x0  }
0xd3: {  	[sflag:s9] =	ssyncadd.s32 $0xFFFF3800  }
0xd4: {  	[tilespmem:s6], [sflag:$0x2] =	stream.linear.gather [spmem:s3], $0xC800, $0x38;
	[tilespmem:$0x1AC80] =	vst v63  }
0xd5: {  	_ =	swait.ge [sflag:s13], $0x8000  }
0xd6: {  	[sflag:s13] =	ssyncset.done $0x0  }
0xd7: {  	[sflag:s13] =	ssyncadd.s32 $0xFFFF8000  }
0xd8: {  	_ =	swait.ge [sflag:s13], $0x4800  }
0xd9: {  	[sflag:s13] =	ssyncset.done $0x0  }
0xda: {  	s0 =	rddreg [dreg:$0x10];
	[sflag:s13] =	ssyncadd.s32 $0xFFFFB800  }
0xdb: {  	[hbm4b:s0+s1] =	stream.linear.scatter [tilespmem:s4], [sflag:$0x5], $0xC800, $0x38;
	[tilespmem:$0x1AC80] =	vst v63  }
0xdc: {  	_ =	swait.ge [sflag:s11], $0xC800  }
0xdd: {  	s0 =	sld [smem:$0x7F9]  }
0xde: {  	[sflag:s11] =	ssyncset.done $0x0  }
0xdf: {  	s31 =	sld [smem:$0x7FA];
	[sflag:s11] =	ssyncadd.s32 $0xFFFF3800  }
0xe0: {  	[tilespmem:s6], [sflag:$0x4] =	stream.indirect.gather.add.f32 [hbm:s2], $0x100, s0, s5, $0xb8;
	[tilespmem:$0x1AC80] =	vst v63  }
0xe1: {  	_ = 	snop  }
0xe2: {  	[tilespmem:s14], [sflag:$0x4] =	stream.indirect.gather.add.f32 [hbm:s2], $0x100, s31, s7, $0xb8;
	[tilespmem:$0x1AC80] =	vst v63  }
0xe3: {  	_ =	swait.ge [sflag:s8], $0xC800  }
0xe4: {  	[sflag:s8] =	ssyncset.done $0x0  }
0xe5: {  	[sflag:s8] =	ssyncadd.s32 $0xFFFF3800  }
0xe6: {  	[tilespmem:s4], [sflag:$0x1] =	stream.linear.gather [spmem:s3], $0xC800, $0x38;
	[tilespmem:$0x1AC80] =	vst v63  }
0xe7: {  	_ =	swait.ge [sflag:s12], $0x8000  }
0xe8: {  	[sflag:s12] =	ssyncset.done $0x0  }
0xe9: {  	[sflag:s12] =	ssyncadd.s32 $0xFFFF8000  }
0xea: {  	_ =	swait.ge [sflag:s12], $0x4800  }
0xeb: {  	[sflag:s12] =	ssyncset.done $0x0  }
0xec: {  	s0 =	rddreg [dreg:$0x11];
	[sflag:s12] =	ssyncadd.s32 $0xFFFFB800  }
0xed: {  	[hbm4b:s0+s1] =	stream.linear.scatter [tilespmem:s6], [sflag:$0x6], $0xC800, $0x38;
	[tilespmem:$0x1AC80] =	vst v63  }
0xee: {  	_ =	swait.ge [sflag:s10], $0xC800  }
0xef: {  	s0 =	sld [smem:$0x7FB]  }
0xf0: {  	[sflag:s10] =	ssyncset.done $0x0  }
0xf1: {  	s31 =	sld [smem:$0x7FC];
	[sflag:s10] =	ssyncadd.s32 $0xFFFF3800  }
0xf2: {  	[tilespmem:s4], [sflag:$0x3] =	stream.indirect.gather.add.f32 [hbm:s2], $0x100, s0, s5, $0xb8;
	[tilespmem:$0x1AC80] =	vst v63  }
0xf3: {  	_ = 	snop  }
0xf4: {  	[tilespmem:s15], [sflag:$0x3] =	stream.indirect.gather.add.f32 [hbm:s2], $0x100, s31, s7, $0xb8;
	[tilespmem:$0x1AC80] =	vst v63  }
0xf5: {  	_ =	swait.ge [sflag:s9], $0xC800  }
0xf6: {  	[sflag:s9] =	ssyncset.done $0x0  }
0xf7: {  	[sflag:s9] =	ssyncadd.s32 $0xFFFF3800  }
0xf8: {  	[tilespmem:s6], [sflag:$0x2] =	stream.linear.gather [spmem:s3], $0xC800, $0x38;
	[tilespmem:$0x1AC80] =	vst v63  }
0xf9: {  	_ =	swait.ge [sflag:s13], $0x8000  }
0xfa: {  	[sflag:s13] =	ssyncset.done $0x0  }
0xfb: {  	[sflag:s13] =	ssyncadd.s32 $0xFFFF8000  }
0xfc: {  	_ =	swait.ge [sflag:s13], $0x4800  }
0xfd: {  	[sflag:s13] =	ssyncset.done $0x0  }
0xfe: {  	s0 =	rddreg [dreg:$0x12];
	[sflag:s13] =	ssyncadd.s32 $0xFFFFB800  }
0xff: {  	[hbm4b:s0+s1] =	stream.linear.scatter [tilespmem:s4], [sflag:$0x5], $0xC800, $0x38;
	[tilespmem:$0x1AC80] =	vst v63  }
0x100: {  	_ =	swait.ge [sflag:s11], $0xC800  }
0x101: {  	s0 =	sld [smem:$0x7FD]  }
0x102: {  	[sflag:s11] =	ssyncset.done $0x0  }
0x103: {  	[sflag:s11] =	ssyncadd.s32 $0xFFFF3800  }
0x104: {  	[tilespmem:s6], [sflag:$0x4] =	stream.indirect.gather.add.f32 [hbm:s2], $0x100, s0, s5, $0xb8;
	[tilespmem:$0x1AC80] =	vst v63  }
0x105: {  	_ = 	snop  }
0x106: {  	[tilespmem:s14], [sflag:$0x4] =	stream.indirect.gather.add.f32 [hbm:s2], $0x100, s24, s7, $0xb8;
	[tilespmem:$0x1AC80] =	vst v63  }
0x107: {  	_ =	swait.ge [sflag:s8], $0xC800  }
0x108: {  	[sflag:s8] =	ssyncset.done $0x0  }
0x109: {  	[sflag:s8] =	ssyncadd.s32 $0xFFFF3800  }
0x10a: {  	[tilespmem:s4], [sflag:$0x1] =	stream.linear.gather [spmem:s3], $0xC800, $0x38;
	[tilespmem:$0x1AC80] =	vst v63  }
0x10b: {  	_ =	swait.ge [sflag:s12], $0x8000  }
0x10c: {  	[sflag:s12] =	ssyncset.done $0x0  }
0x10d: {  	[sflag:s12] =	ssyncadd.s32 $0xFFFF8000  }
0x10e: {  	_ =	swait.ge [sflag:s12], $0x4800  }
0x10f: {  	[sflag:s12] =	ssyncset.done $0x0  }
0x110: {  	s0 =	rddreg [dreg:$0x13];
	[sflag:s12] =	ssyncadd.s32 $0xFFFFB800  }
0x111: {  	[hbm4b:s0+s1] =	stream.linear.scatter [tilespmem:s6], [sflag:$0x6], $0xC800, $0x38;
	[tilespmem:$0x1AC80] =	vst v63  }
0x112: {  	_ =	swait.ge [sflag:s10], $0xC800  }
0x113: {  	[sflag:s10] =	ssyncset.done $0x0  }
0x114: {  	[sflag:s10] =	ssyncadd.s32 $0xFFFF3800  }
0x115: {  	[tilespmem:s4], [sflag:$0x3] =	stream.indirect.gather.add.f32 [hbm:s2], $0x100, s22, s5, $0xb8;
	[tilespmem:$0x1AC80] =	vst v63  }
0x116: {  	_ = 	snop  }
0x117: {  	[tilespmem:s15], [sflag:$0x3] =	stream.indirect.gather.add.f32 [hbm:s2], $0x100, s23, s7, $0xb8;
	[tilespmem:$0x1AC80] =	vst v63  }
0x118: {  	_ =	swait.ge [sflag:s9], $0xC800  }
0x119: {  	[sflag:s9] =	ssyncset.done $0x0  }
0x11a: {  	[sflag:s9] =	ssyncadd.s32 $0xFFFF3800  }
0x11b: {  	[tilespmem:s6], [sflag:$0x2] =	stream.linear.gather [spmem:s3], $0xC800, $0x38;
	[tilespmem:$0x1AC80] =	vst v63  }
0x11c: {  	_ =	swait.ge [sflag:s13], $0x8000  }
0x11d: {  	[sflag:s13] =	ssyncset.done $0x0  }
0x11e: {  	[sflag:s13] =	ssyncadd.s32 $0xFFFF8000  }
0x11f: {  	_ =	swait.ge [sflag:s13], $0x4800  }
0x120: {  	[sflag:s13] =	ssyncset.done $0x0  }
0x121: {  	s0 =	rddreg [dreg:$0x14];
	[sflag:s13] =	ssyncadd.s32 $0xFFFFB800  }
0x122: {  	[hbm4b:s0+s1] =	stream.linear.scatter [tilespmem:s4], [sflag:$0x5], $0xC800, $0x38;
	[tilespmem:$0x1AC80] =	vst v63  }
0x123: {  	_ =	swait.ge [sflag:s11], $0xC800  }
0x124: {  	[sflag:s11] =	ssyncset.done $0x0  }
0x125: {  	[sflag:s11] =	ssyncadd.s32 $0xFFFF3800  }
0x126: {  	[tilespmem:s6], [sflag:$0x4] =	stream.indirect.gather.add.f32 [hbm:s2], $0x100, s20, s5, $0xb8;
	[tilespmem:$0x1AC80] =	vst v63  }
0x127: {  	_ = 	snop  }
0x128: {  	[tilespmem:s14], [sflag:$0x4] =	stream.indirect.gather.add.f32 [hbm:s2], $0x100, s21, s7, $0xb8;
	[tilespmem:$0x1AC80] =	vst v63  }
0x129: {  	_ =	swait.ge [sflag:s8], $0xC800  }
0x12a: {  	[sflag:s8] =	ssyncset.done $0x0  }
0x12b: {  	[sflag:s8] =	ssyncadd.s32 $0xFFFF3800  }
0x12c: {  	[tilespmem:s4], [sflag:$0x1] =	stream.linear.gather [spmem:s3], $0xC800, $0x38;
	[tilespmem:$0x1AC80] =	vst v63  }
0x12d: {  	_ =	swait.ge [sflag:s12], $0x8000  }
0x12e: {  	[sflag:s12] =	ssyncset.done $0x0  }
0x12f: {  	[sflag:s12] =	ssyncadd.s32 $0xFFFF8000  }
0x130: {  	_ =	swait.ge [sflag:s12], $0x4800  }
0x131: {  	[sflag:s12] =	ssyncset.done $0x0  }
0x132: {  	s0 =	rddreg [dreg:$0x15];
	[sflag:s12] =	ssyncadd.s32 $0xFFFFB800  }
0x133: {  	[hbm4b:s0+s1] =	stream.linear.scatter [tilespmem:s6], [sflag:$0x6], $0xC800, $0x38;
	[tilespmem:$0x1AC80] =	vst v63  }
0x134: {  	_ =	swait.ge [sflag:s10], $0xC800  }
0x135: {  	[sflag:s10] =	ssyncset.done $0x0  }
0x136: {  	[sflag:s10] =	ssyncadd.s32 $0xFFFF3800  }
0x137: {  	[tilespmem:s4], [sflag:$0x3] =	stream.indirect.gather.add.f32 [hbm:s2], $0x100, s18, s5, $0xb8;
	[tilespmem:$0x1AC80] =	vst v63  }
0x138: {  	_ = 	snop  }
0x139: {  	[tilespmem:s15], [sflag:$0x3] =	stream.indirect.gather.add.f32 [hbm:s2], $0x100, s19, s7, $0xb8;
	[tilespmem:$0x1AC80] =	vst v63  }
0x13a: {  	_ =	swait.ge [sflag:s9], $0xC800  }
0x13b: {  	[sflag:s9] =	ssyncset.done $0x0  }
0x13c: {  	[sflag:s9] =	ssyncadd.s32 $0xFFFF3800  }
0x13d: {  	[tilespmem:s6], [sflag:$0x2] =	stream.linear.gather [spmem:s3], $0xC800, $0x38;
	[tilespmem:$0x1AC80] =	vst v63  }
0x13e: {  	_ =	swait.ge [sflag:s13], $0x8000  }
0x13f: {  	[sflag:s13] =	ssyncset.done $0x0  }
0x140: {  	[sflag:s13] =	ssyncadd.s32 $0xFFFF8000  }
0x141: {  	_ =	swait.ge [sflag:s13], $0x4800  }
0x142: {  	[sflag:s13] =	ssyncset.done $0x0  }
0x143: {  	s0 =	rddreg [dreg:$0x16];
	[sflag:s13] =	ssyncadd.s32 $0xFFFFB800  }
0x144: {  	[hbm4b:s0+s1] =	stream.linear.scatter [tilespmem:s4], [sflag:$0x5], $0xC800, $0x38;
	[tilespmem:$0x1AC80] =	vst v63  }
0x145: {  	_ =	swait.ge [sflag:s11], $0xC800  }
0x146: {  	[sflag:s11] =	ssyncset.done $0x0  }
0x147: {  	s0 =	simm.s32 $0x780;
	[sflag:s11] =	ssyncadd.s32 $0xFFFF3800  }
0x148: {  	[tilespmem:s6], [sflag:$0x4] =	stream.indirect.gather.add.f32 [hbm:s2], $0x100, s0, s5, $0xb8;
	[tilespmem:$0x1AC80] =	vst v63  }
0x149: {  	_ = 	snop  }
0x14a: {  	[tilespmem:s14], [sflag:$0x4] =	stream.indirect.gather.add.f32 [hbm:s2], $0x100, s17, s7, $0xb8;
	[tilespmem:$0x1AC80] =	vst v63  }
0x14b: {  	_ =	swait.ge [sflag:s12], $0x8000  }
0x14c: {  	[sflag:s12] =	ssyncset.done $0x0  }
0x14d: {  	[sflag:s12] =	ssyncadd.s32 $0xFFFF8000  }
0x14e: {  	_ =	swait.ge [sflag:s12], $0x4800  }
0x14f: {  	s31 =	sadd.s32 $0xFFFFFFFF, s16;
	[sflag:s12] =	ssyncset.done $0x0  }
0x150: {  	p2 =	sne.s32 s31, $0x0;
	s0 =	rddreg [dreg:$0x17];
	[sflag:s12] =	ssyncadd.s32 $0xFFFFB800  }
0x151: {  	[hbm4b:s0+s1] =	stream.linear.scatter [tilespmem:s6], [sflag:$0x6], $0xC800, $0x38;
	[tilespmem:$0x1AC80] =	vst v63  }
.Ltmp1:
0x152: {  	_ =	swait.ge [sflag:s8], $0xC800;
	(pc) =	sbr.rel @!p2 .LBB2_3-.Ltmp1, $4  }
0x153: {  	[sflag:s8] =	ssyncset.done $0x0  }
0x154: {  	[sflag:s8] =	ssyncadd.s32 $0xFFFF3800  }
0x155: {  	_ =	swait.ge [sflag:s9], $0xC800  }
0x156: {  	p1 =	por $0x1, $0x1;
	s0 =	rddreg [dreg:$0x5];
	[sflag:s9] =	ssyncset.done $0x0  }
.LBB2_4:
0x157: {  	[sflag:s9] =	ssyncadd.s32 $0xFFFF3800  }
0x158: {  	[spmem:s28], [sflag:s29] =	dma.local @!p0 [hbm:s0], $0x1900  }
0x159: {  	_ =	swait.ge @!p0 [sflag:s30], $0x1900  }
0x15a: {  	[sflag:s30] =	ssyncset.done @!p0 $0x0  }
0x15b: {  	s16 =	rddreg [dreg:$0x6];
	[sflag:s30] =	ssyncadd.s32 @!p0 $0xFFFFE700  }
0x15c: {  	[tilespmem:s1], [sflag:$0x7] =	stream.linear.gather [hbm4b:s16+s1], $0x800, $0x38;
	[tilespmem:$0x1AC80] =	vst v63  }
0x15d: {  	_ =	swait.ge [sflag:s26], $0x800  }
0x15e: {  	[sflag:s26] =	ssyncset.done $0x0  }
0x15f: {  	s16 =	rddreg [dreg:$0x7];
	[sflag:s26] =	ssyncadd.s32 $0xFFFFF800  }
0x160: {  	[tilespmem:s25], [sflag:$0x7] =	stream.linear.gather [hbm4b:s16+s1], $0x800, $0x38;
	[tilespmem:$0x1AC80] =	vst v63  }
0x161: {  	_ =	swait.ge [sflag:s26], $0x800  }
0x162: {  	[sflag:s26] =	ssyncset.done $0x0  }
0x163: {  	[sflag:s26] =	ssyncadd.s32 $0xFFFFF800  }
0x164: {  	[bflag:$0x0] =	sbarrier.arrive $0xFFFF  }
0x165: {  	[tilespmem:s4], [sflag:$0x1] =	stream.linear.gather [spmem:s3], $0xC800, $0x38;
	[tilespmem:$0x1AC80] =	vst v63  }
0x166: {  	_ =	swait.ge [sflag:s10], $0xC800  }
0x167: {  	[sflag:s10] =	ssyncset.done $0x0  }
0x168: {  	[sflag:s10] =	ssyncadd.s32 $0xFFFF3800  }
0x169: {  	[tilespmem:s4], [sflag:$0x3] =	stream.indirect.gather.add.f32 [hbm:s2], $0x100, s1, s5, $0xb8;
	[tilespmem:$0x1AC80] =	vst v63  }
0x16a: {  	_ = 	snop  }
0x16b: {  	[tilespmem:s15], [sflag:$0x3] =	stream.indirect.gather.add.f32 [hbm:s2], $0x100, s25, s7, $0xb8;
	[tilespmem:$0x1AC80] =	vst v63  }
0x16c: {  	_ = 	snop  }
0x16d: {  	[tilespmem:s6], [sflag:$0x2] =	stream.linear.gather [spmem:s3], $0xC800, $0x38;
	[tilespmem:$0x1AC80] =	vst v63  }
0x16e: {  	_ =	swait.ge [sflag:s13], $0x8000  }
0x16f: {  	[sflag:s13] =	ssyncset.done $0x0  }
0x170: {  	[sflag:s13] =	ssyncadd.s32 $0xFFFF8000  }
0x171: {  	_ =	swait.ge [sflag:s13], $0x4800  }
0x172: {  	[sflag:s13] =	ssyncset.done $0x0  }
0x173: {  	s16 =	rddreg [dreg:$0x8];
	[sflag:s13] =	ssyncadd.s32 $0xFFFFB800  }
0x174: {  	[hbm4b:s16+s1] =	stream.linear.scatter [tilespmem:s4], [sflag:$0x5], $0xC800, $0x38;
	[tilespmem:$0x1AC80] =	vst v63  }
0x175: {  	_ =	swait.ge [sflag:s11], $0xC800  }
0x176: {  	[sflag:s11] =	ssyncset.done $0x0  }
0x177: {  	[sflag:s11] =	ssyncadd.s32 $0xFFFF3800  }
0x178: {  	[tilespmem:s6], [sflag:$0x4] =	stream.indirect.gather.add.f32 [hbm:s2], $0x100, s5, s5, $0xb8;
	[tilespmem:$0x1AC80] =	vst v63  }
0x179: {  	s16 =	rddreg [dreg:$0x18]  }
0x17a: {  	[tilespmem:s14], [sflag:$0x4] =	stream.indirect.gather.add.f32 [hbm:s2], $0x100, s16, s7, $0xb8;
	[tilespmem:$0x1AC80] =	vst v63  }
0x17b: {  	_ =	swait.ge [sflag:s8], $0xC800  }
0x17c: {  	[sflag:s8] =	ssyncset.done $0x0  }
0x17d: {  	[sflag:s8] =	ssyncadd.s32 $0xFFFF3800  }
0x17e: {  	[tilespmem:s4], [sflag:$0x1] =	stream.linear.gather [spmem:s3], $0xC800, $0x38;
	[tilespmem:$0x1AC80] =	vst v63  }
0x17f: {  	_ =	swait.ge [sflag:s12], $0x8000  }
0x180: {  	[sflag:s12] =	ssyncset.done $0x0  }
0x181: {  	[sflag:s12] =	ssyncadd.s32 $0xFFFF8000  }
0x182: {  	_ =	swait.ge [sflag:s12], $0x4800  }
0x183: {  	[sflag:s12] =	ssyncset.done $0x0  }
0x184: {  	s16 =	rddreg [dreg:$0x9];
	[sflag:s12] =	ssyncadd.s32 $0xFFFFB800  }
0x185: {  	[hbm4b:s16+s1] =	stream.linear.scatter [tilespmem:s6], [sflag:$0x6], $0xC800, $0x38;
	[tilespmem:$0x1AC80] =	vst v63  }
0x186: {  	_ =	swait.ge [sflag:s10], $0xC800  }
0x187: {  	[sflag:s10] =	ssyncset.done $0x0  }
0x188: {  	s0 =	rddreg [dreg:$0x19];
	[sflag:s10] =	ssyncadd.s32 $0xFFFF3800  }
0x189: {  	[tilespmem:s4], [sflag:$0x3] =	stream.indirect.gather.add.f32 [hbm:s2], $0x100, s0, s5, $0xb8;
	[tilespmem:$0x1AC80] =	vst v63  }
0x18a: {  	s16 =	rddreg [dreg:$0x1a]  }
0x18b: {  	[tilespmem:s15], [sflag:$0x3] =	stream.indirect.gather.add.f32 [hbm:s2], $0x100, s16, s7, $0xb8;
	[tilespmem:$0x1AC80] =	vst v63  }
0x18c: {  	_ =	swait.ge [sflag:s9], $0xC800  }
0x18d: {  	[sflag:s9] =	ssyncset.done $0x0  }
0x18e: {  	[sflag:s9] =	ssyncadd.s32 $0xFFFF3800  }
0x18f: {  	[tilespmem:s6], [sflag:$0x2] =	stream.linear.gather [spmem:s3], $0xC800, $0x38;
	[tilespmem:$0x1AC80] =	vst v63  }
0x190: {  	_ =	swait.ge [sflag:s13], $0x8000  }
0x191: {  	[sflag:s13] =	ssyncset.done $0x0  }
0x192: {  	[sflag:s13] =	ssyncadd.s32 $0xFFFF8000  }
0x193: {  	_ =	swait.ge [sflag:s13], $0x4800  }
0x194: {  	[sflag:s13] =	ssyncset.done $0x0  }
0x195: {  	s16 =	rddreg [dreg:$0xa];
	[sflag:s13] =	ssyncadd.s32 $0xFFFFB800  }
0x196: {  	[hbm4b:s16+s1] =	stream.linear.scatter [tilespmem:s4], [sflag:$0x5], $0xC800, $0x38;
	[tilespmem:$0x1AC80] =	vst v63  }
0x197: {  	_ =	swait.ge [sflag:s11], $0xC800  }
0x198: {  	[sflag:s11] =	ssyncset.done $0x0  }
0x199: {  	s0 =	rddreg [dreg:$0x1b];
	[sflag:s11] =	ssyncadd.s32 $0xFFFF3800  }
0x19a: {  	[tilespmem:s6], [sflag:$0x4] =	stream.indirect.gather.add.f32 [hbm:s2], $0x100, s0, s5, $0xb8;
	[tilespmem:$0x1AC80] =	vst v63  }
0x19b: {  	s16 =	rddreg [dreg:$0x1c]  }
0x19c: {  	[tilespmem:s14], [sflag:$0x4] =	stream.indirect.gather.add.f32 [hbm:s2], $0x100, s16, s7, $0xb8;
	[tilespmem:$0x1AC80] =	vst v63  }
0x19d: {  	_ =	swait.ge [sflag:s8], $0xC800  }
0x19e: {  	[sflag:s8] =	ssyncset.done $0x0  }
0x19f: {  	[sflag:s8] =	ssyncadd.s32 $0xFFFF3800  }
0x1a0: {  	[tilespmem:s4], [sflag:$0x1] =	stream.linear.gather [spmem:s3], $0xC800, $0x38;
	[tilespmem:$0x1AC80] =	vst v63  }
0x1a1: {  	_ =	swait.ge [sflag:s12], $0x8000  }
0x1a2: {  	[sflag:s12] =	ssyncset.done $0x0  }
0x1a3: {  	[sflag:s12] =	ssyncadd.s32 $0xFFFF8000  }
0x1a4: {  	_ =	swait.ge [sflag:s12], $0x4800  }
0x1a5: {  	[sflag:s12] =	ssyncset.done $0x0  }
0x1a6: {  	s16 =	rddreg [dreg:$0xb];
	[sflag:s12] =	ssyncadd.s32 $0xFFFFB800  }
0x1a7: {  	[hbm4b:s16+s1] =	stream.linear.scatter [tilespmem:s6], [sflag:$0x6], $0xC800, $0x38;
	[tilespmem:$0x1AC80] =	vst v63  }
0x1a8: {  	_ =	swait.ge [sflag:s10], $0xC800  }
0x1a9: {  	[sflag:s10] =	ssyncset.done $0x0  }
0x1aa: {  	s0 =	rddreg [dreg:$0x1d];
	[sflag:s10] =	ssyncadd.s32 $0xFFFF3800  }
0x1ab: {  	[tilespmem:s4], [sflag:$0x3] =	stream.indirect.gather.add.f32 [hbm:s2], $0x100, s0, s5, $0xb8;
	[tilespmem:$0x1AC80] =	vst v63  }
0x1ac: {  	s16 =	rddreg [dreg:$0x1e]  }
0x1ad: {  	[tilespmem:s15], [sflag:$0x3] =	stream.indirect.gather.add.f32 [hbm:s2], $0x100, s16, s7, $0xb8;
	[tilespmem:$0x1AC80] =	vst v63  }
0x1ae: {  	_ =	swait.ge [sflag:s9], $0xC800  }
0x1af: {  	[sflag:s9] =	ssyncset.done $0x0  }
0x1b0: {  	[sflag:s9] =	ssyncadd.s32 $0xFFFF3800  }
0x1b1: {  	[tilespmem:s6], [sflag:$0x2] =	stream.linear.gather [spmem:s3], $0xC800, $0x38;
	[tilespmem:$0x1AC80] =	vst v63  }
0x1b2: {  	_ =	swait.ge [sflag:s13], $0x8000  }
0x1b3: {  	[sflag:s13] =	ssyncset.done $0x0  }
0x1b4: {  	[sflag:s13] =	ssyncadd.s32 $0xFFFF8000  }
0x1b5: {  	_ =	swait.ge [sflag:s13], $0x4800  }
0x1b6: {  	[sflag:s13] =	ssyncset.done $0x0  }
0x1b7: {  	s16 =	rddreg [dreg:$0xc];
	[sflag:s13] =	ssyncadd.s32 $0xFFFFB800  }
0x1b8: {  	[hbm4b:s16+s1] =	stream.linear.scatter [tilespmem:s4], [sflag:$0x5], $0xC800, $0x38;
	[tilespmem:$0x1AC80] =	vst v63  }
0x1b9: {  	_ =	swait.ge [sflag:s11], $0xC800  }
0x1ba: {  	s0 =	rddreg [dreg:$0x1f];
	[sflag:s11] =	ssyncset.done $0x0  }
0x1bb: {  	s16 =	sld [smem:$0x7F2];
	[sflag:s11] =	ssyncadd.s32 $0xFFFF3800  }
0x1bc: {  	[tilespmem:s6], [sflag:$0x4] =	stream.indirect.gather.add.f32 [hbm:s2], $0x100, s0, s5, $0xb8;
	[tilespmem:$0x1AC80] =	vst v63  }
0x1bd: {  	_ = 	snop  }
0x1be: {  	[tilespmem:s14], [sflag:$0x4] =	stream.indirect.gather.add.f32 [hbm:s2], $0x100, s16, s7, $0xb8;
	[tilespmem:$0x1AC80] =	vst v63  }
0x1bf: {  	_ =	swait.ge [sflag:s8], $0xC800  }
0x1c0: {  	[sflag:s8] =	ssyncset.done $0x0  }
0x1c1: {  	[sflag:s8] =	ssyncadd.s32 $0xFFFF3800  }
0x1c2: {  	[tilespmem:s4], [sflag:$0x1] =	stream.linear.gather [spmem:s3], $0xC800, $0x38;
	[tilespmem:$0x1AC80] =	vst v63  }
0x1c3: {  	_ =	swait.ge [sflag:s12], $0x8000  }
0x1c4: {  	[sflag:s12] =	ssyncset.done $0x0  }
0x1c5: {  	[sflag:s12] =	ssyncadd.s32 $0xFFFF8000  }
0x1c6: {  	_ =	swait.ge [sflag:s12], $0x4800  }
0x1c7: {  	[sflag:s12] =	ssyncset.done $0x0  }
0x1c8: {  	s16 =	rddreg [dreg:$0xd];
	[sflag:s12] =	ssyncadd.s32 $0xFFFFB800  }
0x1c9: {  	[hbm4b:s16+s1] =	stream.linear.scatter [tilespmem:s6], [sflag:$0x6], $0xC800, $0x38;
	[tilespmem:$0x1AC80] =	vst v63  }
0x1ca: {  	_ =	swait.ge [sflag:s10], $0xC800  }
0x1cb: {  	s0 =	sld [smem:$0x7F3]  }
0x1cc: {  	[sflag:s10] =	ssyncset.done $0x0  }
0x1cd: {  	s16 =	sld [smem:$0x7F4];
	[sflag:s10] =	ssyncadd.s32 $0xFFFF3800  }
0x1ce: {  	[tilespmem:s4], [sflag:$0x3] =	stream.indirect.gather.add.f32 [hbm:s2], $0x100, s0, s5, $0xb8;
	[tilespmem:$0x1AC80] =	vst v63  }
0x1cf: {  	_ = 	snop  }
0x1d0: {  	[tilespmem:s15], [sflag:$0x3] =	stream.indirect.gather.add.f32 [hbm:s2], $0x100, s16, s7, $0xb8;
	[tilespmem:$0x1AC80] =	vst v63  }
0x1d1: {  	_ =	swait.ge [sflag:s9], $0xC800  }
0x1d2: {  	[sflag:s9] =	ssyncset.done $0x0  }
0x1d3: {  	[sflag:s9] =	ssyncadd.s32 $0xFFFF3800  }
0x1d4: {  	[tilespmem:s6], [sflag:$0x2] =	stream.linear.gather [spmem:s3], $0xC800, $0x38;
	[tilespmem:$0x1AC80] =	vst v63  }
0x1d5: {  	_ =	swait.ge [sflag:s13], $0x8000  }
0x1d6: {  	[sflag:s13] =	ssyncset.done $0x0  }
0x1d7: {  	[sflag:s13] =	ssyncadd.s32 $0xFFFF8000  }
0x1d8: {  	_ =	swait.ge [sflag:s13], $0x4800  }
0x1d9: {  	[sflag:s13] =	ssyncset.done $0x0  }
0x1da: {  	s16 =	rddreg [dreg:$0xe];
	[sflag:s13] =	ssyncadd.s32 $0xFFFFB800  }
0x1db: {  	[hbm4b:s16+s1] =	stream.linear.scatter [tilespmem:s4], [sflag:$0x5], $0xC800, $0x38;
	[tilespmem:$0x1AC80] =	vst v63  }
0x1dc: {  	_ =	swait.ge [sflag:s11], $0xC800  }
0x1dd: {  	s0 =	sld [smem:$0x7F5]  }
0x1de: {  	[sflag:s11] =	ssyncset.done $0x0  }
0x1df: {  	s16 =	sld [smem:$0x7F6];
	[sflag:s11] =	ssyncadd.s32 $0xFFFF3800  }
0x1e0: {  	[tilespmem:s6], [sflag:$0x4] =	stream.indirect.gather.add.f32 [hbm:s2], $0x100, s0, s5, $0xb8;
	[tilespmem:$0x1AC80] =	vst v63  }
0x1e1: {  	_ = 	snop  }
0x1e2: {  	[tilespmem:s14], [sflag:$0x4] =	stream.indirect.gather.add.f32 [hbm:s2], $0x100, s16, s7, $0xb8;
	[tilespmem:$0x1AC80] =	vst v63  }
0x1e3: {  	_ =	swait.ge [sflag:s8], $0xC800  }
0x1e4: {  	[sflag:s8] =	ssyncset.done $0x0  }
0x1e5: {  	[sflag:s8] =	ssyncadd.s32 $0xFFFF3800  }
0x1e6: {  	[tilespmem:s4], [sflag:$0x1] =	stream.linear.gather [spmem:s3], $0xC800, $0x38;
	[tilespmem:$0x1AC80] =	vst v63  }
0x1e7: {  	_ =	swait.ge [sflag:s12], $0x8000  }
0x1e8: {  	[sflag:s12] =	ssyncset.done $0x0  }
0x1e9: {  	[sflag:s12] =	ssyncadd.s32 $0xFFFF8000  }
0x1ea: {  	_ =	swait.ge [sflag:s12], $0x4800  }
0x1eb: {  	[sflag:s12] =	ssyncset.done $0x0  }
0x1ec: {  	s16 =	rddreg [dreg:$0xf];
	[sflag:s12] =	ssyncadd.s32 $0xFFFFB800  }
0x1ed: {  	[hbm4b:s16+s1] =	stream.linear.scatter [tilespmem:s6], [sflag:$0x6], $0xC800, $0x38;
	[tilespmem:$0x1AC80] =	vst v63  }
0x1ee: {  	_ =	swait.ge [sflag:s10], $0xC800  }
0x1ef: {  	s0 =	sld [smem:$0x7F7]  }
0x1f0: {  	[sflag:s10] =	ssyncset.done $0x0  }
0x1f1: {  	s16 =	sld [smem:$0x7F8];
	[sflag:s10] =	ssyncadd.s32 $0xFFFF3800  }
0x1f2: {  	[tilespmem:s4], [sflag:$0x3] =	stream.indirect.gather.add.f32 [hbm:s2], $0x100, s0, s5, $0xb8;
	[tilespmem:$0x1AC80] =	vst v63  }
0x1f3: {  	_ = 	snop  }
0x1f4: {  	[tilespmem:s15], [sflag:$0x3] =	stream.indirect.gather.add.f32 [hbm:s2], $0x100, s16, s7, $0xb8;
	[tilespmem:$0x1AC80] =	vst v63  }
0x1f5: {  	_ =	swait.ge [sflag:s9], $0xC800  }
0x1f6: {  	[sflag:s9] =	ssyncset.done $0x0  }
0x1f7: {  	[sflag:s9] =	ssyncadd.s32 $0xFFFF3800  }
0x1f8: {  	[tilespmem:s6], [sflag:$0x2] =	stream.linear.gather [spmem:s3], $0xC800, $0x38;
	[tilespmem:$0x1AC80] =	vst v63  }
0x1f9: {  	_ =	swait.ge [sflag:s13], $0x8000  }
0x1fa: {  	[sflag:s13] =	ssyncset.done $0x0  }
0x1fb: {  	[sflag:s13] =	ssyncadd.s32 $0xFFFF8000  }
0x1fc: {  	_ =	swait.ge [sflag:s13], $0x4800  }
0x1fd: {  	[sflag:s13] =	ssyncset.done $0x0  }
0x1fe: {  	s16 =	rddreg [dreg:$0x10];
	[sflag:s13] =	ssyncadd.s32 $0xFFFFB800  }
0x1ff: {  	[hbm4b:s16+s1] =	stream.linear.scatter [tilespmem:s4], [sflag:$0x5], $0xC800, $0x38;
	[tilespmem:$0x1AC80] =	vst v63  }
0x200: {  	_ =	swait.ge [sflag:s11], $0xC800  }
0x201: {  	s0 =	sld [smem:$0x7F9]  }
0x202: {  	[sflag:s11] =	ssyncset.done $0x0  }
0x203: {  	s16 =	sld [smem:$0x7FA];
	[sflag:s11] =	ssyncadd.s32 $0xFFFF3800  }
0x204: {  	[tilespmem:s6], [sflag:$0x4] =	stream.indirect.gather.add.f32 [hbm:s2], $0x100, s0, s5, $0xb8;
	[tilespmem:$0x1AC80] =	vst v63  }
0x205: {  	_ = 	snop  }
0x206: {  	[tilespmem:s14], [sflag:$0x4] =	stream.indirect.gather.add.f32 [hbm:s2], $0x100, s16, s7, $0xb8;
	[tilespmem:$0x1AC80] =	vst v63  }
0x207: {  	_ =	swait.ge [sflag:s8], $0xC800  }
0x208: {  	[sflag:s8] =	ssyncset.done $0x0  }
0x209: {  	[sflag:s8] =	ssyncadd.s32 $0xFFFF3800  }
0x20a: {  	[tilespmem:s4], [sflag:$0x1] =	stream.linear.gather [spmem:s3], $0xC800, $0x38;
	[tilespmem:$0x1AC80] =	vst v63  }
0x20b: {  	_ =	swait.ge [sflag:s12], $0x8000  }
0x20c: {  	[sflag:s12] =	ssyncset.done $0x0  }
0x20d: {  	[sflag:s12] =	ssyncadd.s32 $0xFFFF8000  }
0x20e: {  	_ =	swait.ge [sflag:s12], $0x4800  }
0x20f: {  	[sflag:s12] =	ssyncset.done $0x0  }
0x210: {  	s16 =	rddreg [dreg:$0x11];
	[sflag:s12] =	ssyncadd.s32 $0xFFFFB800  }
0x211: {  	[hbm4b:s16+s1] =	stream.linear.scatter [tilespmem:s6], [sflag:$0x6], $0xC800, $0x38;
	[tilespmem:$0x1AC80] =	vst v63  }
0x212: {  	_ =	swait.ge [sflag:s10], $0xC800  }
0x213: {  	s0 =	sld [smem:$0x7FB]  }
0x214: {  	[sflag:s10] =	ssyncset.done $0x0  }
0x215: {  	s16 =	sld [smem:$0x7FC];
	[sflag:s10] =	ssyncadd.s32 $0xFFFF3800  }
0x216: {  	[tilespmem:s4], [sflag:$0x3] =	stream.indirect.gather.add.f32 [hbm:s2], $0x100, s0, s5, $0xb8;
	[tilespmem:$0x1AC80] =	vst v63  }
0x217: {  	_ = 	snop  }
0x218: {  	[tilespmem:s15], [sflag:$0x3] =	stream.indirect.gather.add.f32 [hbm:s2], $0x100, s16, s7, $0xb8;
	[tilespmem:$0x1AC80] =	vst v63  }
0x219: {  	_ =	swait.ge [sflag:s9], $0xC800  }
0x21a: {  	[sflag:s9] =	ssyncset.done $0x0  }
0x21b: {  	[sflag:s9] =	ssyncadd.s32 $0xFFFF3800  }
0x21c: {  	[tilespmem:s6], [sflag:$0x2] =	stream.linear.gather [spmem:s3], $0xC800, $0x38;
	[tilespmem:$0x1AC80] =	vst v63  }
0x21d: {  	_ =	swait.ge [sflag:s13], $0x8000  }
0x21e: {  	[sflag:s13] =	ssyncset.done $0x0  }
0x21f: {  	[sflag:s13] =	ssyncadd.s32 $0xFFFF8000  }
0x220: {  	_ =	swait.ge [sflag:s13], $0x4800  }
0x221: {  	[sflag:s13] =	ssyncset.done $0x0  }
0x222: {  	s0 =	rddreg [dreg:$0x12];
	[sflag:s13] =	ssyncadd.s32 $0xFFFFB800  }
0x223: {  	[hbm4b:s0+s1] =	stream.linear.scatter [tilespmem:s4], [sflag:$0x5], $0xC800, $0x38;
	[tilespmem:$0x1AC80] =	vst v63  }
0x224: {  	_ =	swait.ge [sflag:s11], $0xC800  }
0x225: {  	s0 =	sld [smem:$0x7FD]  }
0x226: {  	[sflag:s11] =	ssyncset.done $0x0  }
0x227: {  	[sflag:s11] =	ssyncadd.s32 $0xFFFF3800  }
0x228: {  	[tilespmem:s6], [sflag:$0x4] =	stream.indirect.gather.add.f32 [hbm:s2], $0x100, s0, s5, $0xb8;
	[tilespmem:$0x1AC80] =	vst v63  }
0x229: {  	_ = 	snop  }
0x22a: {  	[tilespmem:s14], [sflag:$0x4] =	stream.indirect.gather.add.f32 [hbm:s2], $0x100, s24, s7, $0xb8;
	[tilespmem:$0x1AC80] =	vst v63  }
0x22b: {  	_ =	swait.ge [sflag:s8], $0xC800  }
0x22c: {  	[sflag:s8] =	ssyncset.done $0x0  }
0x22d: {  	[sflag:s8] =	ssyncadd.s32 $0xFFFF3800  }
0x22e: {  	[tilespmem:s4], [sflag:$0x1] =	stream.linear.gather [spmem:s3], $0xC800, $0x38;
	[tilespmem:$0x1AC80] =	vst v63  }
0x22f: {  	_ =	swait.ge [sflag:s12], $0x8000  }
0x230: {  	[sflag:s12] =	ssyncset.done $0x0  }
0x231: {  	[sflag:s12] =	ssyncadd.s32 $0xFFFF8000  }
0x232: {  	_ =	swait.ge [sflag:s12], $0x4800  }
0x233: {  	[sflag:s12] =	ssyncset.done $0x0  }
0x234: {  	s0 =	rddreg [dreg:$0x13];
	[sflag:s12] =	ssyncadd.s32 $0xFFFFB800  }
0x235: {  	[hbm4b:s0+s1] =	stream.linear.scatter [tilespmem:s6], [sflag:$0x6], $0xC800, $0x38;
	[tilespmem:$0x1AC80] =	vst v63  }
0x236: {  	_ =	swait.ge [sflag:s10], $0xC800  }
0x237: {  	[sflag:s10] =	ssyncset.done $0x0  }
0x238: {  	[sflag:s10] =	ssyncadd.s32 $0xFFFF3800  }
0x239: {  	[tilespmem:s4], [sflag:$0x3] =	stream.indirect.gather.add.f32 [hbm:s2], $0x100, s22, s5, $0xb8;
	[tilespmem:$0x1AC80] =	vst v63  }
0x23a: {  	_ = 	snop  }
0x23b: {  	[tilespmem:s15], [sflag:$0x3] =	stream.indirect.gather.add.f32 [hbm:s2], $0x100, s23, s7, $0xb8;
	[tilespmem:$0x1AC80] =	vst v63  }
0x23c: {  	_ =	swait.ge [sflag:s9], $0xC800  }
0x23d: {  	[sflag:s9] =	ssyncset.done $0x0  }
0x23e: {  	[sflag:s9] =	ssyncadd.s32 $0xFFFF3800  }
0x23f: {  	[tilespmem:s6], [sflag:$0x2] =	stream.linear.gather [spmem:s3], $0xC800, $0x38;
	[tilespmem:$0x1AC80] =	vst v63  }
0x240: {  	_ =	swait.ge [sflag:s13], $0x8000  }
0x241: {  	[sflag:s13] =	ssyncset.done $0x0  }
0x242: {  	[sflag:s13] =	ssyncadd.s32 $0xFFFF8000  }
0x243: {  	_ =	swait.ge [sflag:s13], $0x4800  }
0x244: {  	[sflag:s13] =	ssyncset.done $0x0  }
0x245: {  	s0 =	rddreg [dreg:$0x14];
	[sflag:s13] =	ssyncadd.s32 $0xFFFFB800  }
0x246: {  	[hbm4b:s0+s1] =	stream.linear.scatter [tilespmem:s4], [sflag:$0x5], $0xC800, $0x38;
	[tilespmem:$0x1AC80] =	vst v63  }
0x247: {  	_ =	swait.ge [sflag:s11], $0xC800  }
0x248: {  	[sflag:s11] =	ssyncset.done $0x0  }
0x249: {  	[sflag:s11] =	ssyncadd.s32 $0xFFFF3800  }
0x24a: {  	[tilespmem:s6], [sflag:$0x4] =	stream.indirect.gather.add.f32 [hbm:s2], $0x100, s20, s5, $0xb8;
	[tilespmem:$0x1AC80] =	vst v63  }
0x24b: {  	_ = 	snop  }
0x24c: {  	[tilespmem:s14], [sflag:$0x4] =	stream.indirect.gather.add.f32 [hbm:s2], $0x100, s21, s7, $0xb8;
	[tilespmem:$0x1AC80] =	vst v63  }
0x24d: {  	_ =	swait.ge [sflag:s8], $0xC800  }
0x24e: {  	[sflag:s8] =	ssyncset.done $0x0  }
0x24f: {  	[sflag:s8] =	ssyncadd.s32 $0xFFFF3800  }
0x250: {  	[tilespmem:s4], [sflag:$0x1] =	stream.linear.gather [spmem:s3], $0xC800, $0x38;
	[tilespmem:$0x1AC80] =	vst v63  }
0x251: {  	_ =	swait.ge [sflag:s12], $0x8000  }
0x252: {  	[sflag:s12] =	ssyncset.done $0x0  }
0x253: {  	[sflag:s12] =	ssyncadd.s32 $0xFFFF8000  }
0x254: {  	_ =	swait.ge [sflag:s12], $0x4800  }
0x255: {  	[sflag:s12] =	ssyncset.done $0x0  }
0x256: {  	s0 =	rddreg [dreg:$0x15];
	[sflag:s12] =	ssyncadd.s32 $0xFFFFB800  }
0x257: {  	[hbm4b:s0+s1] =	stream.linear.scatter [tilespmem:s6], [sflag:$0x6], $0xC800, $0x38;
	[tilespmem:$0x1AC80] =	vst v63  }
0x258: {  	_ =	swait.ge [sflag:s10], $0xC800  }
0x259: {  	[sflag:s10] =	ssyncset.done $0x0  }
0x25a: {  	[sflag:s10] =	ssyncadd.s32 $0xFFFF3800  }
0x25b: {  	[tilespmem:s4], [sflag:$0x3] =	stream.indirect.gather.add.f32 [hbm:s2], $0x100, s18, s5, $0xb8;
	[tilespmem:$0x1AC80] =	vst v63  }
0x25c: {  	_ = 	snop  }
0x25d: {  	[tilespmem:s15], [sflag:$0x3] =	stream.indirect.gather.add.f32 [hbm:s2], $0x100, s19, s7, $0xb8;
	[tilespmem:$0x1AC80] =	vst v63  }
0x25e: {  	_ =	swait.ge [sflag:s9], $0xC800  }
0x25f: {  	[sflag:s9] =	ssyncset.done $0x0  }
0x260: {  	[sflag:s9] =	ssyncadd.s32 $0xFFFF3800  }
0x261: {  	[tilespmem:s6], [sflag:$0x2] =	stream.linear.gather [spmem:s3], $0xC800, $0x38;
	[tilespmem:$0x1AC80] =	vst v63  }
0x262: {  	_ =	swait.ge [sflag:s13], $0x8000  }
0x263: {  	[sflag:s13] =	ssyncset.done $0x0  }
0x264: {  	[sflag:s13] =	ssyncadd.s32 $0xFFFF8000  }
0x265: {  	_ =	swait.ge [sflag:s13], $0x4800  }
0x266: {  	[sflag:s13] =	ssyncset.done $0x0  }
0x267: {  	s0 =	rddreg [dreg:$0x16];
	[sflag:s13] =	ssyncadd.s32 $0xFFFFB800  }
0x268: {  	[hbm4b:s0+s1] =	stream.linear.scatter [tilespmem:s4], [sflag:$0x5], $0xC800, $0x38;
	[tilespmem:$0x1AC80] =	vst v63  }
0x269: {  	_ =	swait.ge [sflag:s11], $0xC800  }
0x26a: {  	[sflag:s11] =	ssyncset.done $0x0  }
0x26b: {  	s16 =	simm.s32 $0x780;
	[sflag:s11] =	ssyncadd.s32 $0xFFFF3800  }
0x26c: {  	[tilespmem:s6], [sflag:$0x4] =	stream.indirect.gather.add.f32 [hbm:s2], $0x100, s16, s5, $0xb8;
	[tilespmem:$0x1AC80] =	vst v63  }
0x26d: {  	_ = 	snop  }
0x26e: {  	[tilespmem:s14], [sflag:$0x4] =	stream.indirect.gather.add.f32 [hbm:s2], $0x100, s17, s7, $0xb8;
	[tilespmem:$0x1AC80] =	vst v63  }
0x26f: {  	_ =	swait.ge [sflag:s12], $0x8000  }
0x270: {  	[sflag:s12] =	ssyncset.done $0x0  }
0x271: {  	[sflag:s12] =	ssyncadd.s32 $0xFFFF8000  }
0x272: {  	_ =	swait.ge [sflag:s12], $0x4800  }
0x273: {  	s31 =	sadd.s32 $0xFFFFFFFF, s31;
	[sflag:s12] =	ssyncset.done $0x0  }
0x274: {  	p2 =	sne.s32 s31, $0x0;
	s16 =	rddreg [dreg:$0x17];
	[sflag:s12] =	ssyncadd.s32 $0xFFFFB800  }
0x275: {  	[hbm4b:s16+s1] =	stream.linear.scatter [tilespmem:s6], [sflag:$0x6], $0xC800, $0x38;
	[tilespmem:$0x1AC80] =	vst v63  }
.Ltmp2:
0x276: {  	_ =	swait.ge [sflag:s8], $0xC800;
	(pc) =	sbr.rel @p2 .LBB2_4-.Ltmp2, $4  }
0x277: {  	[sflag:s8] =	ssyncset.done $0x0  }
0x278: {  	[sflag:s8] =	ssyncadd.s32 $0xFFFF3800  }
0x279: {  	_ =	swait.ge [sflag:s9], $0xC800  }
0x27a: {  	s0 =	rddreg [dreg:$0x5];
	[sflag:s9] =	ssyncset.done $0x0  }
0x27b: {  	s30 =	simm.s32 $0x780;
	s29 =	rddreg [dreg:$0x4]  }
.LBB2_6:
0x27c: {  	[sflag:s9] =	ssyncadd.s32 @p1 $0xFFFF3800;
	s16 =	simm.s32 @!p0 $0x1C07  }
0x27d: {  	[spmem:s28], [sflag:s16] =	dma.local @!p0 [hbm:s0], $0x1900  }
0x27e: {  	s0 =	simm.s32 @!p0 $0x7  }
0x27f: {  	_ =	swait.ge @!p0 [sflag:s0], $0x1900  }
0x280: {  	[sflag:s0] =	ssyncset.done @!p0 $0x0  }
0x281: {  	s31 =	rddreg [dreg:$0x6];
	[sflag:s0] =	ssyncadd.s32 @!p0 $0xFFFFE700  }
0x282: {  	[tilespmem:s1], [sflag:$0x7] =	stream.linear.gather [hbm4b:s31+s1], $0x800, $0x38;
	[tilespmem:$0x1AC80] =	vst v63  }
0x283: {  	_ =	swait.ge [sflag:s26], $0x800  }
0x284: {  	[sflag:s26] =	ssyncset.done $0x0  }
0x285: {  	s16 =	rddreg [dreg:$0x7];
	[sflag:s26] =	ssyncadd.s32 $0xFFFFF800  }
0x286: {  	[tilespmem:s25], [sflag:$0x7] =	stream.linear.gather [hbm4b:s16+s1], $0x800, $0x38;
	[tilespmem:$0x1AC80] =	vst v63  }
0x287: {  	_ =	swait.ge [sflag:s26], $0x800  }
0x288: {  	[sflag:s26] =	ssyncset.done $0x0  }
0x289: {  	[sflag:s26] =	ssyncadd.s32 $0xFFFFF800  }
0x28a: {  	[bflag:$0x0] =	sbarrier.arrive $0xFFFF  }
0x28b: {  	[tilespmem:s4], [sflag:$0x1] =	stream.linear.gather [spmem:s3], $0xC800, $0x38;
	[tilespmem:$0x1AC80] =	vst v63  }
0x28c: {  	_ =	swait.ge [sflag:s10], $0xC800  }
0x28d: {  	[sflag:s10] =	ssyncset.done $0x0  }
0x28e: {  	[sflag:s10] =	ssyncadd.s32 $0xFFFF3800  }
0x28f: {  	[tilespmem:s4], [sflag:$0x3] =	stream.indirect.gather.add.f32 [hbm:s2], $0x100, s1, s5, $0xb8;
	[tilespmem:$0x1AC80] =	vst v63  }
0x290: {  	_ = 	snop  }
0x291: {  	[tilespmem:s15], [sflag:$0x3] =	stream.indirect.gather.add.f32 [hbm:s2], $0x100, s25, s7, $0xb8;
	[tilespmem:$0x1AC80] =	vst v63  }
0x292: {  	_ = 	snop  }
0x293: {  	[tilespmem:s6], [sflag:$0x2] =	stream.linear.gather [spmem:s3], $0xC800, $0x38;
	[tilespmem:$0x1AC80] =	vst v63  }
0x294: {  	_ =	swait.ge [sflag:s13], $0x8000  }
0x295: {  	[sflag:s13] =	ssyncset.done $0x0  }
0x296: {  	[sflag:s13] =	ssyncadd.s32 $0xFFFF8000  }
0x297: {  	_ =	swait.ge [sflag:s13], $0x4800  }
0x298: {  	[sflag:s13] =	ssyncset.done $0x0  }
0x299: {  	s26 =	rddreg [dreg:$0x8];
	[sflag:s13] =	ssyncadd.s32 $0xFFFFB800  }
0x29a: {  	[hbm4b:s26+s1] =	stream.linear.scatter [tilespmem:s4], [sflag:$0x5], $0xC800, $0x38;
	[tilespmem:$0x1AC80] =	vst v63  }
0x29b: {  	_ =	swait.ge [sflag:s11], $0xC800  }
0x29c: {  	[sflag:s11] =	ssyncset.done $0x0  }
0x29d: {  	[sflag:s11] =	ssyncadd.s32 $0xFFFF3800  }
0x29e: {  	[tilespmem:s6], [sflag:$0x4] =	stream.indirect.gather.add.f32 [hbm:s2], $0x100, s5, s5, $0xb8;
	[tilespmem:$0x1AC80] =	vst v63  }
0x29f: {  	s28 =	rddreg [dreg:$0x18]  }
0x2a0: {  	[tilespmem:s14], [sflag:$0x4] =	stream.indirect.gather.add.f32 [hbm:s2], $0x100, s28, s7, $0xb8;
	[tilespmem:$0x1AC80] =	vst v63  }
0x2a1: {  	_ =	swait.ge [sflag:s8], $0xC800  }
0x2a2: {  	[sflag:s8] =	ssyncset.done $0x0  }
0x2a3: {  	[sflag:s8] =	ssyncadd.s32 $0xFFFF3800  }
0x2a4: {  	[tilespmem:s4], [sflag:$0x1] =	stream.linear.gather [spmem:s3], $0xC800, $0x38;
	[tilespmem:$0x1AC80] =	vst v63  }
0x2a5: {  	_ =	swait.ge [sflag:s12], $0x8000  }
0x2a6: {  	[sflag:s12] =	ssyncset.done $0x0  }
0x2a7: {  	[sflag:s12] =	ssyncadd.s32 $0xFFFF8000  }
0x2a8: {  	_ =	swait.ge [sflag:s12], $0x4800  }
0x2a9: {  	[sflag:s12] =	ssyncset.done $0x0  }
0x2aa: {  	s31 =	rddreg [dreg:$0x9];
	[sflag:s12] =	ssyncadd.s32 $0xFFFFB800  }
0x2ab: {  	[hbm4b:s31+s1] =	stream.linear.scatter [tilespmem:s6], [sflag:$0x6], $0xC800, $0x38;
	[tilespmem:$0x1AC80] =	vst v63  }
0x2ac: {  	_ =	swait.ge [sflag:s10], $0xC800  }
0x2ad: {  	[sflag:s10] =	ssyncset.done $0x0  }
0x2ae: {  	s16 =	rddreg [dreg:$0x19];
	[sflag:s10] =	ssyncadd.s32 $0xFFFF3800  }
0x2af: {  	[tilespmem:s4], [sflag:$0x3] =	stream.indirect.gather.add.f32 [hbm:s2], $0x100, s16, s5, $0xb8;
	[tilespmem:$0x1AC80] =	vst v63  }
0x2b0: {  	s25 =	rddreg [dreg:$0x1a]  }
0x2b1: {  	[tilespmem:s15], [sflag:$0x3] =	stream.indirect.gather.add.f32 [hbm:s2], $0x100, s25, s7, $0xb8;
	[tilespmem:$0x1AC80] =	vst v63  }
0x2b2: {  	_ =	swait.ge [sflag:s9], $0xC800  }
0x2b3: {  	[sflag:s9] =	ssyncset.done $0x0  }
0x2b4: {  	[sflag:s9] =	ssyncadd.s32 $0xFFFF3800  }
0x2b5: {  	[tilespmem:s6], [sflag:$0x2] =	stream.linear.gather [spmem:s3], $0xC800, $0x38;
	[tilespmem:$0x1AC80] =	vst v63  }
0x2b6: {  	_ =	swait.ge [sflag:s13], $0x8000  }
0x2b7: {  	[sflag:s13] =	ssyncset.done $0x0  }
0x2b8: {  	[sflag:s13] =	ssyncadd.s32 $0xFFFF8000  }
0x2b9: {  	_ =	swait.ge [sflag:s13], $0x4800  }
0x2ba: {  	[sflag:s13] =	ssyncset.done $0x0  }
0x2bb: {  	s26 =	rddreg [dreg:$0xa];
	[sflag:s13] =	ssyncadd.s32 $0xFFFFB800  }
0x2bc: {  	[hbm4b:s26+s1] =	stream.linear.scatter [tilespmem:s4], [sflag:$0x5], $0xC800, $0x38;
	[tilespmem:$0x1AC80] =	vst v63  }
0x2bd: {  	_ =	swait.ge [sflag:s11], $0xC800  }
0x2be: {  	[sflag:s11] =	ssyncset.done $0x0  }
0x2bf: {  	s28 =	rddreg [dreg:$0x1b];
	[sflag:s11] =	ssyncadd.s32 $0xFFFF3800  }
0x2c0: {  	[tilespmem:s6], [sflag:$0x4] =	stream.indirect.gather.add.f32 [hbm:s2], $0x100, s28, s5, $0xb8;
	[tilespmem:$0x1AC80] =	vst v63  }
0x2c1: {  	s31 =	rddreg [dreg:$0x1c]  }
0x2c2: {  	[tilespmem:s14], [sflag:$0x4] =	stream.indirect.gather.add.f32 [hbm:s2], $0x100, s31, s7, $0xb8;
	[tilespmem:$0x1AC80] =	vst v63  }
0x2c3: {  	_ =	swait.ge [sflag:s8], $0xC800  }
0x2c4: {  	[sflag:s8] =	ssyncset.done $0x0  }
0x2c5: {  	[sflag:s8] =	ssyncadd.s32 $0xFFFF3800  }
0x2c6: {  	[tilespmem:s4], [sflag:$0x1] =	stream.linear.gather [spmem:s3], $0xC800, $0x38;
	[tilespmem:$0x1AC80] =	vst v63  }
0x2c7: {  	_ =	swait.ge [sflag:s12], $0x8000  }
0x2c8: {  	[sflag:s12] =	ssyncset.done $0x0  }
0x2c9: {  	[sflag:s12] =	ssyncadd.s32 $0xFFFF8000  }
0x2ca: {  	_ =	swait.ge [sflag:s12], $0x4800  }
0x2cb: {  	[sflag:s12] =	ssyncset.done $0x0  }
0x2cc: {  	s25 =	rddreg [dreg:$0xb];
	[sflag:s12] =	ssyncadd.s32 $0xFFFFB800  }
0x2cd: {  	[hbm4b:s25+s1] =	stream.linear.scatter [tilespmem:s6], [sflag:$0x6], $0xC800, $0x38;
	[tilespmem:$0x1AC80] =	vst v63  }
0x2ce: {  	_ =	swait.ge [sflag:s10], $0xC800  }
0x2cf: {  	[sflag:s10] =	ssyncset.done $0x0  }
0x2d0: {  	s26 =	rddreg [dreg:$0x1d];
	[sflag:s10] =	ssyncadd.s32 $0xFFFF3800  }
0x2d1: {  	[tilespmem:s4], [sflag:$0x3] =	stream.indirect.gather.add.f32 [hbm:s2], $0x100, s26, s5, $0xb8;
	[tilespmem:$0x1AC80] =	vst v63  }
0x2d2: {  	s28 =	rddreg [dreg:$0x1e]  }
0x2d3: {  	[tilespmem:s15], [sflag:$0x3] =	stream.indirect.gather.add.f32 [hbm:s2], $0x100, s28, s7, $0xb8;
	[tilespmem:$0x1AC80] =	vst v63  }
0x2d4: {  	_ =	swait.ge [sflag:s9], $0xC800  }
0x2d5: {  	[sflag:s9] =	ssyncset.done $0x0  }
0x2d6: {  	[sflag:s9] =	ssyncadd.s32 $0xFFFF3800  }
0x2d7: {  	[tilespmem:s6], [sflag:$0x2] =	stream.linear.gather [spmem:s3], $0xC800, $0x38;
	[tilespmem:$0x1AC80] =	vst v63  }
0x2d8: {  	_ =	swait.ge [sflag:s13], $0x8000  }
0x2d9: {  	[sflag:s13] =	ssyncset.done $0x0  }
0x2da: {  	[sflag:s13] =	ssyncadd.s32 $0xFFFF8000  }
0x2db: {  	_ =	swait.ge [sflag:s13], $0x4800  }
0x2dc: {  	[sflag:s13] =	ssyncset.done $0x0  }
0x2dd: {  	s31 =	rddreg [dreg:$0xc];
	[sflag:s13] =	ssyncadd.s32 $0xFFFFB800  }
0x2de: {  	[hbm4b:s31+s1] =	stream.linear.scatter [tilespmem:s4], [sflag:$0x5], $0xC800, $0x38;
	[tilespmem:$0x1AC80] =	vst v63  }
0x2df: {  	_ =	swait.ge [sflag:s11], $0xC800  }
0x2e0: {  	s16 =	rddreg [dreg:$0x1f];
	[sflag:s11] =	ssyncset.done $0x0  }
0x2e1: {  	s25 =	sld [smem:$0x7F2];
	[sflag:s11] =	ssyncadd.s32 $0xFFFF3800  }
0x2e2: {  	[tilespmem:s6], [sflag:$0x4] =	stream.indirect.gather.add.f32 [hbm:s2], $0x100, s16, s5, $0xb8;
	[tilespmem:$0x1AC80] =	vst v63  }
0x2e3: {  	_ = 	snop  }
0x2e4: {  	[tilespmem:s14], [sflag:$0x4] =	stream.indirect.gather.add.f32 [hbm:s2], $0x100, s25, s7, $0xb8;
	[tilespmem:$0x1AC80] =	vst v63  }
0x2e5: {  	_ =	swait.ge [sflag:s8], $0xC800  }
0x2e6: {  	[sflag:s8] =	ssyncset.done $0x0  }
0x2e7: {  	[sflag:s8] =	ssyncadd.s32 $0xFFFF3800  }
0x2e8: {  	[tilespmem:s4], [sflag:$0x1] =	stream.linear.gather [spmem:s3], $0xC800, $0x38;
	[tilespmem:$0x1AC80] =	vst v63  }
0x2e9: {  	_ =	swait.ge [sflag:s12], $0x8000  }
0x2ea: {  	[sflag:s12] =	ssyncset.done $0x0  }
0x2eb: {  	[sflag:s12] =	ssyncadd.s32 $0xFFFF8000  }
0x2ec: {  	_ =	swait.ge [sflag:s12], $0x4800  }
0x2ed: {  	[sflag:s12] =	ssyncset.done $0x0  }
0x2ee: {  	s26 =	rddreg [dreg:$0xd];
	[sflag:s12] =	ssyncadd.s32 $0xFFFFB800  }
0x2ef: {  	[hbm4b:s26+s1] =	stream.linear.scatter [tilespmem:s6], [sflag:$0x6], $0xC800, $0x38;
	[tilespmem:$0x1AC80] =	vst v63  }
0x2f0: {  	_ =	swait.ge [sflag:s10], $0xC800  }
0x2f1: {  	s28 =	sld [smem:$0x7F3]  }
0x2f2: {  	[sflag:s10] =	ssyncset.done $0x0  }
0x2f3: {  	s31 =	sld [smem:$0x7F4];
	[sflag:s10] =	ssyncadd.s32 $0xFFFF3800  }
0x2f4: {  	[tilespmem:s4], [sflag:$0x3] =	stream.indirect.gather.add.f32 [hbm:s2], $0x100, s28, s5, $0xb8;
	[tilespmem:$0x1AC80] =	vst v63  }
0x2f5: {  	_ = 	snop  }
0x2f6: {  	[tilespmem:s15], [sflag:$0x3] =	stream.indirect.gather.add.f32 [hbm:s2], $0x100, s31, s7, $0xb8;
	[tilespmem:$0x1AC80] =	vst v63  }
0x2f7: {  	_ =	swait.ge [sflag:s9], $0xC800  }
0x2f8: {  	[sflag:s9] =	ssyncset.done $0x0  }
0x2f9: {  	[sflag:s9] =	ssyncadd.s32 $0xFFFF3800  }
0x2fa: {  	[tilespmem:s6], [sflag:$0x2] =	stream.linear.gather [spmem:s3], $0xC800, $0x38;
	[tilespmem:$0x1AC80] =	vst v63  }
0x2fb: {  	_ =	swait.ge [sflag:s13], $0x8000  }
0x2fc: {  	[sflag:s13] =	ssyncset.done $0x0  }
0x2fd: {  	[sflag:s13] =	ssyncadd.s32 $0xFFFF8000  }
0x2fe: {  	_ =	swait.ge [sflag:s13], $0x4800  }
0x2ff: {  	[sflag:s13] =	ssyncset.done $0x0  }
0x300: {  	s25 =	rddreg [dreg:$0xe];
	[sflag:s13] =	ssyncadd.s32 $0xFFFFB800  }
0x301: {  	[hbm4b:s25+s1] =	stream.linear.scatter [tilespmem:s4], [sflag:$0x5], $0xC800, $0x38;
	[tilespmem:$0x1AC80] =	vst v63  }
0x302: {  	_ =	swait.ge [sflag:s11], $0xC800  }
0x303: {  	s26 =	sld [smem:$0x7F5]  }
0x304: {  	[sflag:s11] =	ssyncset.done $0x0  }
0x305: {  	s28 =	sld [smem:$0x7F6];
	[sflag:s11] =	ssyncadd.s32 $0xFFFF3800  }
0x306: {  	[tilespmem:s6], [sflag:$0x4] =	stream.indirect.gather.add.f32 [hbm:s2], $0x100, s26, s5, $0xb8;
	[tilespmem:$0x1AC80] =	vst v63  }
0x307: {  	_ = 	snop  }
0x308: {  	[tilespmem:s14], [sflag:$0x4] =	stream.indirect.gather.add.f32 [hbm:s2], $0x100, s28, s7, $0xb8;
	[tilespmem:$0x1AC80] =	vst v63  }
0x309: {  	_ =	swait.ge [sflag:s8], $0xC800  }
0x30a: {  	[sflag:s8] =	ssyncset.done $0x0  }
0x30b: {  	[sflag:s8] =	ssyncadd.s32 $0xFFFF3800  }
0x30c: {  	[tilespmem:s4], [sflag:$0x1] =	stream.linear.gather [spmem:s3], $0xC800, $0x38;
	[tilespmem:$0x1AC80] =	vst v63  }
0x30d: {  	_ =	swait.ge [sflag:s12], $0x8000  }
0x30e: {  	[sflag:s12] =	ssyncset.done $0x0  }
0x30f: {  	[sflag:s12] =	ssyncadd.s32 $0xFFFF8000  }
0x310: {  	_ =	swait.ge [sflag:s12], $0x4800  }
0x311: {  	[sflag:s12] =	ssyncset.done $0x0  }
0x312: {  	s31 =	rddreg [dreg:$0xf];
	[sflag:s12] =	ssyncadd.s32 $0xFFFFB800  }
0x313: {  	[hbm4b:s31+s1] =	stream.linear.scatter [tilespmem:s6], [sflag:$0x6], $0xC800, $0x38;
	[tilespmem:$0x1AC80] =	vst v63  }
0x314: {  	_ =	swait.ge [sflag:s10], $0xC800  }
0x315: {  	s16 =	sld [smem:$0x7F7]  }
0x316: {  	[sflag:s10] =	ssyncset.done $0x0  }
0x317: {  	s25 =	sld [smem:$0x7F8];
	[sflag:s10] =	ssyncadd.s32 $0xFFFF3800  }
0x318: {  	[tilespmem:s4], [sflag:$0x3] =	stream.indirect.gather.add.f32 [hbm:s2], $0x100, s16, s5, $0xb8;
	[tilespmem:$0x1AC80] =	vst v63  }
0x319: {  	_ = 	snop  }
0x31a: {  	[tilespmem:s15], [sflag:$0x3] =	stream.indirect.gather.add.f32 [hbm:s2], $0x100, s25, s7, $0xb8;
	[tilespmem:$0x1AC80] =	vst v63  }
0x31b: {  	_ =	swait.ge [sflag:s9], $0xC800  }
0x31c: {  	[sflag:s9] =	ssyncset.done $0x0  }
0x31d: {  	[sflag:s9] =	ssyncadd.s32 $0xFFFF3800  }
0x31e: {  	[tilespmem:s6], [sflag:$0x2] =	stream.linear.gather [spmem:s3], $0xC800, $0x38;
	[tilespmem:$0x1AC80] =	vst v63  }
0x31f: {  	_ =	swait.ge [sflag:s13], $0x8000  }
0x320: {  	[sflag:s13] =	ssyncset.done $0x0  }
0x321: {  	[sflag:s13] =	ssyncadd.s32 $0xFFFF8000  }
0x322: {  	_ =	swait.ge [sflag:s13], $0x4800  }
0x323: {  	[sflag:s13] =	ssyncset.done $0x0  }
0x324: {  	s26 =	rddreg [dreg:$0x10];
	[sflag:s13] =	ssyncadd.s32 $0xFFFFB800  }
0x325: {  	[hbm4b:s26+s1] =	stream.linear.scatter [tilespmem:s4], [sflag:$0x5], $0xC800, $0x38;
	[tilespmem:$0x1AC80] =	vst v63  }
0x326: {  	_ =	swait.ge [sflag:s11], $0xC800  }
0x327: {  	s28 =	sld [smem:$0x7F9]  }
0x328: {  	[sflag:s11] =	ssyncset.done $0x0  }
0x329: {  	s31 =	sld [smem:$0x7FA];
	[sflag:s11] =	ssyncadd.s32 $0xFFFF3800  }
0x32a: {  	[tilespmem:s6], [sflag:$0x4] =	stream.indirect.gather.add.f32 [hbm:s2], $0x100, s28, s5, $0xb8;
	[tilespmem:$0x1AC80] =	vst v63  }
0x32b: {  	_ = 	snop  }
0x32c: {  	[tilespmem:s14], [sflag:$0x4] =	stream.indirect.gather.add.f32 [hbm:s2], $0x100, s31, s7, $0xb8;
	[tilespmem:$0x1AC80] =	vst v63  }
0x32d: {  	_ =	swait.ge [sflag:s8], $0xC800  }
0x32e: {  	[sflag:s8] =	ssyncset.done $0x0  }
0x32f: {  	[sflag:s8] =	ssyncadd.s32 $0xFFFF3800  }
0x330: {  	[tilespmem:s4], [sflag:$0x1] =	stream.linear.gather [spmem:s3], $0xC800, $0x38;
	[tilespmem:$0x1AC80] =	vst v63  }
0x331: {  	_ =	swait.ge [sflag:s12], $0x8000  }
0x332: {  	[sflag:s12] =	ssyncset.done $0x0  }
0x333: {  	[sflag:s12] =	ssyncadd.s32 $0xFFFF8000  }
0x334: {  	_ =	swait.ge [sflag:s12], $0x4800  }
0x335: {  	[sflag:s12] =	ssyncset.done $0x0  }
0x336: {  	s25 =	rddreg [dreg:$0x11];
	[sflag:s12] =	ssyncadd.s32 $0xFFFFB800  }
0x337: {  	[hbm4b:s25+s1] =	stream.linear.scatter [tilespmem:s6], [sflag:$0x6], $0xC800, $0x38;
	[tilespmem:$0x1AC80] =	vst v63  }
0x338: {  	_ =	swait.ge [sflag:s10], $0xC800  }
0x339: {  	s26 =	sld [smem:$0x7FB]  }
0x33a: {  	[sflag:s10] =	ssyncset.done $0x0  }
0x33b: {  	s28 =	sld [smem:$0x7FC];
	[sflag:s10] =	ssyncadd.s32 $0xFFFF3800  }
0x33c: {  	[tilespmem:s4], [sflag:$0x3] =	stream.indirect.gather.add.f32 [hbm:s2], $0x100, s26, s5, $0xb8;
	[tilespmem:$0x1AC80] =	vst v63  }
0x33d: {  	_ = 	snop  }
0x33e: {  	[tilespmem:s15], [sflag:$0x3] =	stream.indirect.gather.add.f32 [hbm:s2], $0x100, s28, s7, $0xb8;
	[tilespmem:$0x1AC80] =	vst v63  }
0x33f: {  	_ =	swait.ge [sflag:s9], $0xC800  }
0x340: {  	[sflag:s9] =	ssyncset.done $0x0  }
0x341: {  	[sflag:s9] =	ssyncadd.s32 $0xFFFF3800  }
0x342: {  	[tilespmem:s6], [sflag:$0x2] =	stream.linear.gather [spmem:s3], $0xC800, $0x38;
	[tilespmem:$0x1AC80] =	vst v63  }
0x343: {  	_ =	swait.ge [sflag:s13], $0x8000  }
0x344: {  	[sflag:s13] =	ssyncset.done $0x0  }
0x345: {  	[sflag:s13] =	ssyncadd.s32 $0xFFFF8000  }
0x346: {  	_ =	swait.ge [sflag:s13], $0x4800  }
0x347: {  	[sflag:s13] =	ssyncset.done $0x0  }
0x348: {  	s31 =	rddreg [dreg:$0x12];
	[sflag:s13] =	ssyncadd.s32 $0xFFFFB800  }
0x349: {  	[hbm4b:s31+s1] =	stream.linear.scatter [tilespmem:s4], [sflag:$0x5], $0xC800, $0x38;
	[tilespmem:$0x1AC80] =	vst v63  }
0x34a: {  	_ =	swait.ge [sflag:s11], $0xC800  }
0x34b: {  	s16 =	sld [smem:$0x7FD]  }
0x34c: {  	[sflag:s11] =	ssyncset.done $0x0  }
0x34d: {  	[sflag:s11] =	ssyncadd.s32 $0xFFFF3800  }
0x34e: {  	[tilespmem:s6], [sflag:$0x4] =	stream.indirect.gather.add.f32 [hbm:s2], $0x100, s16, s5, $0xb8;
	[tilespmem:$0x1AC80] =	vst v63  }
0x34f: {  	_ = 	snop  }
0x350: {  	[tilespmem:s14], [sflag:$0x4] =	stream.indirect.gather.add.f32 [hbm:s2], $0x100, s24, s7, $0xb8;
	[tilespmem:$0x1AC80] =	vst v63  }
0x351: {  	_ =	swait.ge [sflag:s8], $0xC800  }
0x352: {  	[sflag:s8] =	ssyncset.done $0x0  }
0x353: {  	[sflag:s8] =	ssyncadd.s32 $0xFFFF3800  }
0x354: {  	[tilespmem:s4], [sflag:$0x1] =	stream.linear.gather [spmem:s3], $0xC800, $0x38;
	[tilespmem:$0x1AC80] =	vst v63  }
0x355: {  	_ =	swait.ge [sflag:s12], $0x8000  }
0x356: {  	[sflag:s12] =	ssyncset.done $0x0  }
0x357: {  	[sflag:s12] =	ssyncadd.s32 $0xFFFF8000  }
0x358: {  	_ =	swait.ge [sflag:s12], $0x4800  }
0x359: {  	[sflag:s12] =	ssyncset.done $0x0  }
0x35a: {  	s24 =	rddreg [dreg:$0x13];
	[sflag:s12] =	ssyncadd.s32 $0xFFFFB800  }
0x35b: {  	[hbm4b:s24+s1] =	stream.linear.scatter [tilespmem:s6], [sflag:$0x6], $0xC800, $0x38;
	[tilespmem:$0x1AC80] =	vst v63  }
0x35c: {  	_ =	swait.ge [sflag:s10], $0xC800  }
0x35d: {  	[sflag:s10] =	ssyncset.done $0x0  }
0x35e: {  	[sflag:s10] =	ssyncadd.s32 $0xFFFF3800  }
0x35f: {  	[tilespmem:s4], [sflag:$0x3] =	stream.indirect.gather.add.f32 [hbm:s2], $0x100, s22, s5, $0xb8;
	[tilespmem:$0x1AC80] =	vst v63  }
0x360: {  	_ = 	snop  }
0x361: {  	[tilespmem:s15], [sflag:$0x3] =	stream.indirect.gather.add.f32 [hbm:s2], $0x100, s23, s7, $0xb8;
	[tilespmem:$0x1AC80] =	vst v63  }
0x362: {  	_ =	swait.ge [sflag:s9], $0xC800  }
0x363: {  	[sflag:s9] =	ssyncset.done $0x0  }
0x364: {  	[sflag:s9] =	ssyncadd.s32 $0xFFFF3800  }
0x365: {  	[tilespmem:s6], [sflag:$0x2] =	stream.linear.gather [spmem:s3], $0xC800, $0x38;
	[tilespmem:$0x1AC80] =	vst v63  }
0x366: {  	_ =	swait.ge [sflag:s13], $0x8000  }
0x367: {  	[sflag:s13] =	ssyncset.done $0x0  }
0x368: {  	[sflag:s13] =	ssyncadd.s32 $0xFFFF8000  }
0x369: {  	_ =	swait.ge [sflag:s13], $0x4800  }
0x36a: {  	[sflag:s13] =	ssyncset.done $0x0  }
0x36b: {  	s25 =	rddreg [dreg:$0x14];
	[sflag:s13] =	ssyncadd.s32 $0xFFFFB800  }
0x36c: {  	[hbm4b:s25+s1] =	stream.linear.scatter [tilespmem:s4], [sflag:$0x5], $0xC800, $0x38;
	[tilespmem:$0x1AC80] =	vst v63  }
0x36d: {  	_ =	swait.ge [sflag:s11], $0xC800  }
0x36e: {  	[sflag:s11] =	ssyncset.done $0x0  }
0x36f: {  	[sflag:s11] =	ssyncadd.s32 $0xFFFF3800  }
0x370: {  	[tilespmem:s6], [sflag:$0x4] =	stream.indirect.gather.add.f32 [hbm:s2], $0x100, s20, s5, $0xb8;
	[tilespmem:$0x1AC80] =	vst v63  }
0x371: {  	_ = 	snop  }
0x372: {  	[tilespmem:s14], [sflag:$0x4] =	stream.indirect.gather.add.f32 [hbm:s2], $0x100, s21, s7, $0xb8;
	[tilespmem:$0x1AC80] =	vst v63  }
0x373: {  	_ =	swait.ge [sflag:s8], $0xC800  }
0x374: {  	[sflag:s8] =	ssyncset.done $0x0  }
0x375: {  	[sflag:s8] =	ssyncadd.s32 $0xFFFF3800  }
0x376: {  	[tilespmem:s4], [sflag:$0x1] =	stream.linear.gather [spmem:s3], $0xC800, $0x38;
	[tilespmem:$0x1AC80] =	vst v63  }
0x377: {  	_ =	swait.ge [sflag:s12], $0x8000  }
0x378: {  	[sflag:s12] =	ssyncset.done $0x0  }
0x379: {  	[sflag:s12] =	ssyncadd.s32 $0xFFFF8000  }
0x37a: {  	_ =	swait.ge [sflag:s12], $0x4800  }
0x37b: {  	[sflag:s12] =	ssyncset.done $0x0  }
0x37c: {  	s26 =	rddreg [dreg:$0x15];
	[sflag:s12] =	ssyncadd.s32 $0xFFFFB800  }
0x37d: {  	[hbm4b:s26+s1] =	stream.linear.scatter [tilespmem:s6], [sflag:$0x6], $0xC800, $0x38;
	[tilespmem:$0x1AC80] =	vst v63  }
0x37e: {  	_ =	swait.ge [sflag:s10], $0xC800  }
0x37f: {  	[sflag:s10] =	ssyncset.done $0x0  }
0x380: {  	[sflag:s10] =	ssyncadd.s32 $0xFFFF3800  }
0x381: {  	[tilespmem:s4], [sflag:$0x3] =	stream.indirect.gather.add.f32 [hbm:s2], $0x100, s18, s5, $0xb8;
	[tilespmem:$0x1AC80] =	vst v63  }
0x382: {  	_ = 	snop  }
0x383: {  	[tilespmem:s15], [sflag:$0x3] =	stream.indirect.gather.add.f32 [hbm:s2], $0x100, s19, s7, $0xb8;
	[tilespmem:$0x1AC80] =	vst v63  }
0x384: {  	_ =	swait.ge [sflag:s9], $0xC800  }
0x385: {  	[sflag:s9] =	ssyncset.done $0x0  }
0x386: {  	[sflag:s9] =	ssyncadd.s32 $0xFFFF3800  }
0x387: {  	[tilespmem:s6], [sflag:$0x2] =	stream.linear.gather [spmem:s3], $0xC800, $0x38;
	[tilespmem:$0x1AC80] =	vst v63  }
0x388: {  	_ =	swait.ge [sflag:s13], $0x8000  }
0x389: {  	[sflag:s13] =	ssyncset.done $0x0  }
0x38a: {  	[sflag:s13] =	ssyncadd.s32 $0xFFFF8000  }
0x38b: {  	_ =	swait.ge [sflag:s13], $0x4800  }
0x38c: {  	[sflag:s13] =	ssyncset.done $0x0  }
0x38d: {  	s28 =	rddreg [dreg:$0x16];
	[sflag:s13] =	ssyncadd.s32 $0xFFFFB800  }
0x38e: {  	[hbm4b:s28+s1] =	stream.linear.scatter [tilespmem:s4], [sflag:$0x5], $0xC800, $0x38;
	[tilespmem:$0x1AC80] =	vst v63  }
0x38f: {  	_ =	swait.ge [sflag:s11], $0xC800  }
0x390: {  	[sflag:s11] =	ssyncset.done $0x0  }
0x391: {  	[sflag:s11] =	ssyncadd.s32 $0xFFFF3800  }
0x392: {  	[tilespmem:s6], [sflag:$0x4] =	stream.indirect.gather.add.f32 [hbm:s2], $0x100, s30, s5, $0xb8;
	[tilespmem:$0x1AC80] =	vst v63  }
0x393: {  	_ = 	snop  }
0x394: {  	[tilespmem:s14], [sflag:$0x4] =	stream.indirect.gather.add.f32 [hbm:s2], $0x100, s17, s7, $0xb8;
	[tilespmem:$0x1AC80] =	vst v63  }
0x395: {  	_ =	swait.ge [sflag:s12], $0x8000  }
0x396: {  	[sflag:s12] =	ssyncset.done $0x0  }
0x397: {  	[sflag:s12] =	ssyncadd.s32 $0xFFFF8000  }
0x398: {  	_ =	swait.ge [sflag:s12], $0x4800  }
0x399: {  	[sflag:s12] =	ssyncset.done $0x0  }
0x39a: {  	s31 =	rddreg [dreg:$0x17];
	[sflag:s12] =	ssyncadd.s32 $0xFFFFB800  }
0x39b: {  	[hbm4b:s31+s1] =	stream.linear.scatter [tilespmem:s6], [sflag:$0x6], $0xC800, $0x38;
	[tilespmem:$0x1AC80] =	vst v63  }
0x39c: {  	_ =	swait.ge [sflag:s8], $0xC800  }
0x39d: {  	[sflag:s8] =	ssyncset.done $0x0  }
0x39e: {  	[sflag:s8] =	ssyncadd.s32 $0xFFFF3800  }
0x39f: {  	_ =	swait.ge [sflag:s9], $0xC800  }
0x3a0: {  	[sflag:s9] =	ssyncset.done $0x0  }
0x3a1: {  	[sflag:s9] =	ssyncadd.s32 $0xFFFF3800  }
0x3a2: {  	_ =	sfence.sel $0x180000  }
0x3a3: {  	[bflag:$0x0] =	sbarrier.arrive $0xFFFF  }
0x3a4: {  	_ =	strace $0x90000047  }
0x3a5: {  	s0 =	sadd.s32 @!p0 $0x100000, s29;
	[bflag:$0x2] =	sbarrier.arrive $0xFFFF  }
0x3a6: {  	[sflag:s0] =	ssyncadd.tile.s32 @!p0 $0x1;
	_ =	shalt  }
.LBB2_1:
.Ltmp3:
0x3a7: {  	(pc) =	sbr.rel .LBB2_6-.Ltmp3, $2  }
0x3a8: {  	_ =	sdelay $0x2  }
0x3a9: {  	s30 =	simm.s32 $0x780  }
.LBB2_3:
.Ltmp4:
0x3aa: {  	(pc) =	sbr.rel .LBB2_6-.Ltmp4, $2  }
0x3ab: {  	_ =	sdelay $0x2  }
0x3ac: {  	s30 =	simm.s32 $0x780;
	s29 =	rddreg [dreg:$0x4]  }
.Lfunc_end2:
_tile_overlayer_lowered:
.L_overlay_start_2:
0x3ad: {  	(tag) =	ssettag $0x2  }
0x3ae: {  	s0 =	rddreg [dreg:$0x0];
	s2 =	stileid.u32  }
0x3af: {  	s1 =	rddreg [dreg:$0x1];
	p0 =	sne.s32 s2, $0x0  }
0x3b0: {  	s3 =	rddreg [dreg:$0x2];
	[bflag:$0x3] =	sbarrier.arrive $0xFFFF;
	s2 =	simm.s32 @!p0 $0x1C07  }
0x3b1: {  	[timem:s3], [sflag:s2] =	dma.local @!p0 [hbm:s0], s1  }
0x3b2: {  	s0 =	simm.s32 @!p0 $0x7  }
0x3b3: {  	_ =	swait.ge @!p0 [sflag:s0], s1  }
0x3b4: {  	s1 =	ssub.s32 @!p0 $0x0, s1;
	[sflag:s0] =	ssyncset.done @!p0 $0x0  }
0x3b5: {  	[sflag:s0] =	ssyncadd.s32 @!p0 s1  }
0x3b6: {  	[bflag:$0x3] =	sbarrier.arrive $0xFFFF  }
0x3b7: {  	_ =	shalt  }

</sc_bundles>
